<compile_context>
chip_gen: v7x
topology: tpu7x:2x2x1
jax: 0.10.2.dev20260603
libtpu: 0.0.44.dev20260713+nightly
codegen_flags: <defaults>
</compile_context>

<pallas_src>
import functools

import jax
import jax.numpy as jnp
import numpy as np
from jax import lax
from jax.experimental import pallas as pl
from jax.experimental.pallas import tpu as pltpu
from jax.experimental.pallas import tpu_sc as plsc

N = 10000
E = 320000
D = 128
H = 8
DH = D // H
MDW = D + 16

NC = 2
NS = 16
NW = NC * NS
EPW = E // NW
EB = 40
NCHUNK = EPW // EB
RPW = N // NS
RCH = 25


def _edge_body(q_hbm, k_hbm, v_hbm, src_hbm, dst_hbm, md_hbm,
               src_v, dst_v, qrows, krows, vrows, msg, ebuf, sem, md_sh):
    c = lax.axis_index("c")
    s = lax.axis_index("s")
    wid = c * NS + s

    zero16 = jnp.zeros((DH,), jnp.float32)

    def zrow(r, carry):
        for j in range(MDW // DH):
            ebuf[r, pl.ds(j * DH, DH)] = zero16
        return carry

    lax.fori_loop(0, RCH, zrow, 0)
    row0 = s * RPW
    for t in range(RPW // RCH):
        pltpu.sync_copy(ebuf, md_sh.at[pl.ds(row0 + t * RCH, RCH)])
    plsc.subcore_barrier()

    lane = lax.iota(jnp.int32, DH)
    ebase = wid * EPW

    def chunk(i, carry):
        base = ebase + i * EB
        pltpu.sync_copy(src_hbm.at[pl.ds(base, EB)], src_v)
        pltpu.sync_copy(dst_hbm.at[pl.ds(base, EB)], dst_v)
        cq = pltpu.async_copy(q_hbm.at[dst_v], qrows, sem)
        ck = pltpu.async_copy(k_hbm.at[src_v], krows, sem)
        cv = pltpu.async_copy(v_hbm.at[src_v], vrows, sem)
        cq.wait()
        ck.wait()
        cv.wait()

        def edge(e, carry2):
            exvec = jnp.zeros((DH,), jnp.float32)
            for h in range(H):
                qh = qrows[e, pl.ds(h * DH, DH)]
                kh = krows[e, pl.ds(h * DH, DH)]
                sc = jnp.sum(qh * kh)
                exv = jnp.exp(jnp.broadcast_to(sc, (DH,)) * 0.25)
                vh = vrows[e, pl.ds(h * DH, DH)]
                msg[e, pl.ds(h * DH, DH)] = exv * vh
                exvec = jnp.where(lane == h, exv, exvec)
            msg[e, pl.ds(D, DH)] = exvec
            return carry2

        lax.fori_loop(0, EB, edge, 0)
        pltpu.sync_copy(msg, md_sh.at[dst_v], add=True)
        return carry

    lax.fori_loop(0, NCHUNK, chunk, 0)
    plsc.subcore_barrier()

    for t in range(RPW // RCH):
        r0 = row0 + t * RCH
        pltpu.sync_copy(md_sh.at[pl.ds(r0, RCH)], ebuf)
        pltpu.sync_copy(ebuf, md_hbm.at[c].at[pl.ds(r0, RCH)])


_edge_attn = pl.kernel(
    _edge_body,
    out_type=jax.ShapeDtypeStruct((NC, N, MDW), jnp.float32),
    mesh=plsc.VectorSubcoreMesh(core_axis_name="c", subcore_axis_name="s",
                                num_cores=NC, num_subcores=NS),
    compiler_params=pltpu.CompilerParams(use_tc_tiling_on_sc=False,
                                         needs_layout_passes=False),
    scratch_types=[
        pltpu.VMEM((EB,), jnp.int32),
        pltpu.VMEM((EB,), jnp.int32),
        pltpu.VMEM((EB, D), jnp.float32),
        pltpu.VMEM((EB, D), jnp.float32),
        pltpu.VMEM((EB, D), jnp.float32),
        pltpu.VMEM((EB, MDW), jnp.float32),
        pltpu.VMEM((RCH, MDW), jnp.float32),
        pltpu.SemaphoreType.DMA,
        pltpu.VMEM_SHARED((N, MDW), jnp.float32),
    ],
)


BM = 400


def _qkv_body(x_ref, wq_ref, wk_ref, wv_ref, q_ref, k_ref, v_ref):
    xb = x_ref[...]
    q_ref[...] = jnp.dot(xb, wq_ref[...], preferred_element_type=jnp.float32)
    k_ref[...] = jnp.dot(xb, wk_ref[...], preferred_element_type=jnp.float32)
    v_ref[...] = jnp.dot(xb, wv_ref[...], preferred_element_type=jnp.float32)


_qkv = pl.pallas_call(
    _qkv_body,
    grid=(N // BM,),
    in_specs=[
        pl.BlockSpec((BM, D), lambda i: (i, 0)),
        pl.BlockSpec((D, D), lambda i: (0, 0)),
        pl.BlockSpec((D, D), lambda i: (0, 0)),
        pl.BlockSpec((D, D), lambda i: (0, 0)),
    ],
    out_specs=[pl.BlockSpec((BM, D), lambda i: (i, 0))] * 3,
    out_shape=[jax.ShapeDtypeStruct((N, D), jnp.float32)] * 3,
)

def _final_body(x_ref, md_ref, wo_ref, g_ref, b_ref, o_ref):
    m = md_ref[0] + md_ref[1]
    rep = (lax.broadcasted_iota(jnp.int32, (H, D), 1) // DH
           == lax.broadcasted_iota(jnp.int32, (H, D), 0)).astype(jnp.float32)
    den = jnp.dot(m[:, D:D + H], rep,
                  preferred_element_type=jnp.float32)
    agg = m[:, :D] / (den + 1e-9)
    out = jnp.dot(agg, wo_ref[...], preferred_element_type=jnp.float32)
    hh = x_ref[...] + out
    mu = jnp.mean(hh, axis=-1, keepdims=True)
    var = jnp.mean((hh - mu) ** 2, axis=-1, keepdims=True)
    o_ref[...] = (hh - mu) / jnp.sqrt(var + 1e-5) * g_ref[...] + b_ref[...]


_final = pl.pallas_call(
    _final_body,
    grid=(N // BM,),
    in_specs=[
        pl.BlockSpec((BM, D), lambda i: (i, 0)),
        pl.BlockSpec((NC, BM, MDW), lambda i: (0, i, 0)),
        pl.BlockSpec((D, D), lambda i: (0, 0)),
        pl.BlockSpec((1, D), lambda i: (0, 0)),
        pl.BlockSpec((1, D), lambda i: (0, 0)),
    ],
    out_specs=pl.BlockSpec((BM, D), lambda i: (i, 0)),
    out_shape=jax.ShapeDtypeStruct((N, D), jnp.float32),
)


def kernel(x, edge_index, Wq, Wk, Wv, Wo, ln_scale, ln_bias):
    src = edge_index[0]
    dst = edge_index[1]
    q, k, v = _qkv(x, Wq, Wk, Wv)
    md = _edge_attn(q, k, v, src, dst)
    return _final(x, md, Wo, ln_scale.reshape(1, D), ln_bias.reshape(1, D))

# --- scband reference (transcript-rebuilt; emitter-appended) ---
"""Pipeline reference for scband-graph-transformer-policy-12309376270542 (READ-ONLY COPY).

The authoritative reference and input builder live on the scoring server;
editing this copy changes nothing except your own understanding.
"""

import jax, jax.numpy as jnp
import numpy as np

N = 10000
E = 320000
D = 128
H = 8
DH = D // H


def setup_inputs(seed: int = 0) -> dict:
    key = jax.random.key(seed)
    k1, k2, k3, k4, k5, k6 = jax.random.split(key, 6)
    x = jax.random.normal(k1, (N, D), dtype=jnp.float32)
    edge_index = jax.random.randint(k2, (2, E), 0, N, dtype=jnp.int32)
    scale = 1.0 / np.sqrt(D)
    Wq = jax.random.normal(k3, (D, D), dtype=jnp.float32) * scale
    Wk = jax.random.normal(k4, (D, D), dtype=jnp.float32) * scale
    Wv = jax.random.normal(k5, (D, D), dtype=jnp.float32) * scale
    Wo = jax.random.normal(k6, (D, D), dtype=jnp.float32) * scale
    ln_scale = jnp.ones((D,), dtype=jnp.float32)
    ln_bias = jnp.zeros((D,), dtype=jnp.float32)
    return {"x": x, "edge_index": edge_index, "Wq": Wq, "Wk": Wk, "Wv": Wv,
            "Wo": Wo, "ln_scale": ln_scale, "ln_bias": ln_bias}


def reference(x, edge_index, Wq, Wk, Wv, Wo, ln_scale, ln_bias):
    # One graph-transformer message-passing layer (multi-head edge attention),
    # faithful to the GraphTransformer block used inside GraphTransformerPolicy:
    # per-edge Q.K attention, segment softmax over incoming edges, V aggregation,
    # output projection + residual + layernorm.
    src = edge_index[0]
    dst = edge_index[1]
    q = (x @ Wq).reshape(N, H, DH)
    k = (x @ Wk).reshape(N, H, DH)
    v = (x @ Wv).reshape(N, H, DH)
    # edge gathers (memory-bound)
    q_e = jnp.take(q, dst, axis=0)          # [E, H, DH]
    k_e = jnp.take(k, src, axis=0)          # [E, H, DH]
    scores = jnp.sum(q_e * k_e, axis=-1) / jnp.sqrt(DH)  # [E, H]
    # numerically-stable segment softmax over destination nodes
    seg_max = jax.ops.segment_max(scores, dst, num_segments=N)  # [N, H]
    seg_max = jnp.where(jnp.isfinite(seg_max), seg_max, 0.0)
    ex = jnp.exp(scores - jnp.take(seg_max, dst, axis=0))        # [E, H]
    denom = jax.ops.segment_sum(ex, dst, num_segments=N)         # [N, H]
    alpha = ex / (jnp.take(denom, dst, axis=0) + 1e-9)           # [E, H]
    msg = alpha[:, :, None] * jnp.take(v, src, axis=0)           # [E, H, DH]
    agg = jax.ops.segment_sum(msg, dst, num_segments=N)          # [N, H, DH]
    out = agg.reshape(N, D) @ Wo
    h = x + out
    mu = jnp.mean(h, axis=-1, keepdims=True)
    var = jnp.var(h, axis=-1, keepdims=True)
    h = (h - mu) / jnp.sqrt(var + 1e-5) * ln_scale + ln_bias
    return h

if __name__ == "__main__":
    import jax
    _d = setup_inputs()
    print(jax.jit(kernel)(*tuple(_d.values())))

</pallas_src>

<mosaic_0001>
#map = affine_map<(d0, d1) -> (0, 0)>
#map1 = affine_map<(d0, d1) -> (0)>
#map2 = affine_map<(d0, d1) -> (0, 0, 0)>
module attributes {stable_mosaic.version = 14 : i64} {
  func.func @_edge_body(%arg0: i32, %arg1: i32, %arg2: memref<10000x128xf32, #tpu.memory_space<hbm>>, %arg3: memref<10000x128xf32, #tpu.memory_space<hbm>>, %arg4: memref<10000x128xf32, #tpu.memory_space<hbm>>, %arg5: memref<320000xi32, #tpu.memory_space<hbm>>, %arg6: memref<320000xi32, #tpu.memory_space<hbm>>, %arg7: memref<2x10000x144xf32, #tpu.memory_space<hbm>>, %arg8: memref<40xi32, #tpu.memory_space<vmem>>, %arg9: memref<40xi32, #tpu.memory_space<vmem>>, %arg10: memref<40x128xf32, #tpu.memory_space<vmem>>, %arg11: memref<40x128xf32, #tpu.memory_space<vmem>>, %arg12: memref<40x128xf32, #tpu.memory_space<vmem>>, %arg13: memref<40x144xf32, #tpu.memory_space<vmem>>, %arg14: memref<25x144xf32, #tpu.memory_space<vmem>>, %arg15: memref<!tpu.dma_semaphore, #tpu.memory_space<semaphore_mem>>, %arg16: memref<10000x144xf32, #tpu.memory_space<vmem_shared>>) attributes {dimension_semantics = [#tpu.dimension_semantics<core_parallel>, #tpu.dimension_semantics<subcore_parallel>], iteration_bounds = array<i64: 2, 16>, scalar_prefetch = 0 : i64, scratch_operands = 9 : i64, tpu.core_type = #tpu.core_type<sc_vector_subcore>, window_params = [{transform_indices = #map}, {transform_indices = #map}, {transform_indices = #map}, {transform_indices = #map1}, {transform_indices = #map1}, {transform_indices = #map2}]} {
    %mul3A = arith.constant 16 : i32
    %mul3A_0 = arith.muli %arg0, %mul3A : i32
    %add3A = arith.addi %mul3A_0, %arg1 : i32
    %broadcast_in_dim3A = arith.constant 0.000000e+00 : f32
    %broadcast_in_dim3A_1 = vector.broadcast %broadcast_in_dim3A : f32 to vector<16xf32>
    %scan3A = arith.constant 0 : i32
    %scan3A_2 = arith.constant 0 : i32
    %scan3A_3 = arith.constant 25 : i32
    %scan3A_4 = arith.addi %scan3A_2, %scan3A_3 : i32
    %scan3A_5 = arith.constant 1 : i32
    scf.for %scan3A_118 = %scan3A_2 to %scan3A_4 step %scan3A_5  : i32 {
      %swap3A = arith.index_cast %scan3A_118 : i32 to index
      %swap3A_119 = arith.constant 0 : index
      %swap3A_120 = tpu.vector_load %arg14[%swap3A, %swap3A_119] {strides = array<i32>} : memref<25x144xf32, #tpu.memory_space<vmem>>, vector<16xf32>,
      tpu.vector_store %arg14[%swap3A, %swap3A_119], %broadcast_in_dim3A_1 {strides = array<i32>} : memref<25x144xf32, #tpu.memory_space<vmem>>, vector<16xf32>,
      %swap3A_121 = arith.index_cast %scan3A_118 : i32 to index
      %swap3A_122 = arith.constant 16 : index
      %swap3A_123 = tpu.vector_load %arg14[%swap3A_121, %swap3A_122] {strides = array<i32>} : memref<25x144xf32, #tpu.memory_space<vmem>>, vector<16xf32>,
      tpu.vector_store %arg14[%swap3A_121, %swap3A_122], %broadcast_in_dim3A_1 {strides = array<i32>} : memref<25x144xf32, #tpu.memory_space<vmem>>, vector<16xf32>,
      %swap3A_124 = arith.index_cast %scan3A_118 : i32 to index
      %swap3A_125 = arith.constant 32 : index
      %swap3A_126 = tpu.vector_load %arg14[%swap3A_124, %swap3A_125] {strides = array<i32>} : memref<25x144xf32, #tpu.memory_space<vmem>>, vector<16xf32>,
      tpu.vector_store %arg14[%swap3A_124, %swap3A_125], %broadcast_in_dim3A_1 {strides = array<i32>} : memref<25x144xf32, #tpu.memory_space<vmem>>, vector<16xf32>,
      %swap3A_127 = arith.index_cast %scan3A_118 : i32 to index
      %swap3A_128 = arith.constant 48 : index
      %swap3A_129 = tpu.vector_load %arg14[%swap3A_127, %swap3A_128] {strides = array<i32>} : memref<25x144xf32, #tpu.memory_space<vmem>>, vector<16xf32>,
      tpu.vector_store %arg14[%swap3A_127, %swap3A_128], %broadcast_in_dim3A_1 {strides = array<i32>} : memref<25x144xf32, #tpu.memory_space<vmem>>, vector<16xf32>,
      %swap3A_130 = arith.index_cast %scan3A_118 : i32 to index
      %swap3A_131 = arith.constant 64 : index
      %swap3A_132 = tpu.vector_load %arg14[%swap3A_130, %swap3A_131] {strides = array<i32>} : memref<25x144xf32, #tpu.memory_space<vmem>>, vector<16xf32>,
      tpu.vector_store %arg14[%swap3A_130, %swap3A_131], %broadcast_in_dim3A_1 {strides = array<i32>} : memref<25x144xf32, #tpu.memory_space<vmem>>, vector<16xf32>,
      %swap3A_133 = arith.index_cast %scan3A_118 : i32 to index
      %swap3A_134 = arith.constant 80 : index
      %swap3A_135 = tpu.vector_load %arg14[%swap3A_133, %swap3A_134] {strides = array<i32>} : memref<25x144xf32, #tpu.memory_space<vmem>>, vector<16xf32>,
      tpu.vector_store %arg14[%swap3A_133, %swap3A_134], %broadcast_in_dim3A_1 {strides = array<i32>} : memref<25x144xf32, #tpu.memory_space<vmem>>, vector<16xf32>,
      %swap3A_136 = arith.index_cast %scan3A_118 : i32 to index
      %swap3A_137 = arith.constant 96 : index
      %swap3A_138 = tpu.vector_load %arg14[%swap3A_136, %swap3A_137] {strides = array<i32>} : memref<25x144xf32, #tpu.memory_space<vmem>>, vector<16xf32>,
      tpu.vector_store %arg14[%swap3A_136, %swap3A_137], %broadcast_in_dim3A_1 {strides = array<i32>} : memref<25x144xf32, #tpu.memory_space<vmem>>, vector<16xf32>,
      %swap3A_139 = arith.index_cast %scan3A_118 : i32 to index
      %swap3A_140 = arith.constant 112 : index
      %swap3A_141 = tpu.vector_load %arg14[%swap3A_139, %swap3A_140] {strides = array<i32>} : memref<25x144xf32, #tpu.memory_space<vmem>>, vector<16xf32>,
      tpu.vector_store %arg14[%swap3A_139, %swap3A_140], %broadcast_in_dim3A_1 {strides = array<i32>} : memref<25x144xf32, #tpu.memory_space<vmem>>, vector<16xf32>,
      %swap3A_142 = arith.index_cast %scan3A_118 : i32 to index
      %swap3A_143 = arith.constant 128 : index
      %swap3A_144 = tpu.vector_load %arg14[%swap3A_142, %swap3A_143] {strides = array<i32>} : memref<25x144xf32, #tpu.memory_space<vmem>>, vector<16xf32>,
      tpu.vector_store %arg14[%swap3A_142, %swap3A_143], %broadcast_in_dim3A_1 {strides = array<i32>} : memref<25x144xf32, #tpu.memory_space<vmem>>, vector<16xf32>,
    }
    %scan3A_6 = arith.constant 25 : i32
    %mul3A_7 = arith.constant 625 : i32
    %mul3A_8 = arith.muli %arg1, %mul3A_7 : i32
    %add3A_9 = arith.constant 0 : i32
    %add3A_10 = arith.addi %mul3A_8, %add3A_9 : i32
    "tpu.region"() ({
      %run_scoped3A = tpu.sem_alloc : memref<!tpu.dma_semaphore, #tpu.memory_space<semaphore_mem>>
      %dma_start3A = arith.constant 0 : i32
      %dma_start3A_118 = tpu.memref_slice %arg16[%add3A_10, %dma_start3A] : memref<10000x144xf32, #tpu.memory_space<vmem_shared>> -> memref<25x144xf32, #tpu.memory_space<vmem_shared>>
      %dma_start3A_119 = arith.constant 0 : i32
      %dma_start3A_120 = tpu.memref_slice %arg16[%add3A_10, %dma_start3A_119] : memref<10000x144xf32, #tpu.memory_space<vmem_shared>> -> memref<25x144xf32, #tpu.memory_space<vmem_shared>>
      tpu.enqueue_dma source(%arg14 : memref<25x144xf32, #tpu.memory_space<vmem>>) target(%dma_start3A_120 : memref<25x144xf32, #tpu.memory_space<vmem_shared>>) target_semaphore(%run_scoped3A : memref<!tpu.dma_semaphore, #tpu.memory_space<semaphore_mem>>)
      %dma_wait3A = arith.constant 0 : i32
      %dma_wait3A_121 = tpu.memref_slice %arg16[%add3A_10, %dma_wait3A] : memref<10000x144xf32, #tpu.memory_space<vmem_shared>> -> memref<25x144xf32, #tpu.memory_space<vmem_shared>>
      %dma_wait3A_122 = arith.constant 0 : i32
      %dma_wait3A_123 = tpu.memref_slice %arg16[%add3A_10, %dma_wait3A_122] : memref<10000x144xf32, #tpu.memory_space<vmem_shared>> -> memref<25x144xf32, #tpu.memory_space<vmem_shared>>
      tpu.wait_dma2 semaphore(%run_scoped3A : memref<!tpu.dma_semaphore, #tpu.memory_space<semaphore_mem>>) src(%arg14 : memref<25x144xf32, #tpu.memory_space<vmem>>) dst(%dma_wait3A_123 : memref<25x144xf32, #tpu.memory_space<vmem_shared>>)
      tpu.yield
    }) : () -> ()
    %add3A_11 = arith.constant 25 : i32
    %add3A_12 = arith.addi %mul3A_8, %add3A_11 : i32
    "tpu.region"() ({
      %run_scoped3A = tpu.sem_alloc : memref<!tpu.dma_semaphore, #tpu.memory_space<semaphore_mem>>
      %dma_start3A = arith.constant 0 : i32
      %dma_start3A_118 = tpu.memref_slice %arg16[%add3A_12, %dma_start3A] : memref<10000x144xf32, #tpu.memory_space<vmem_shared>> -> memref<25x144xf32, #tpu.memory_space<vmem_shared>>
      %dma_start3A_119 = arith.constant 0 : i32
      %dma_start3A_120 = tpu.memref_slice %arg16[%add3A_12, %dma_start3A_119] : memref<10000x144xf32, #tpu.memory_space<vmem_shared>> -> memref<25x144xf32, #tpu.memory_space<vmem_shared>>
      tpu.enqueue_dma source(%arg14 : memref<25x144xf32, #tpu.memory_space<vmem>>) target(%dma_start3A_120 : memref<25x144xf32, #tpu.memory_space<vmem_shared>>) target_semaphore(%run_scoped3A : memref<!tpu.dma_semaphore, #tpu.memory_space<semaphore_mem>>)
      %dma_wait3A = arith.constant 0 : i32
      %dma_wait3A_121 = tpu.memref_slice %arg16[%add3A_12, %dma_wait3A] : memref<10000x144xf32, #tpu.memory_space<vmem_shared>> -> memref<25x144xf32, #tpu.memory_space<vmem_shared>>
      %dma_wait3A_122 = arith.constant 0 : i32
      %dma_wait3A_123 = tpu.memref_slice %arg16[%add3A_12, %dma_wait3A_122] : memref<10000x144xf32, #tpu.memory_space<vmem_shared>> -> memref<25x144xf32, #tpu.memory_space<vmem_shared>>
      tpu.wait_dma2 semaphore(%run_scoped3A : memref<!tpu.dma_semaphore, #tpu.memory_space<semaphore_mem>>) src(%arg14 : memref<25x144xf32, #tpu.memory_space<vmem>>) dst(%dma_wait3A_123 : memref<25x144xf32, #tpu.memory_space<vmem_shared>>)
      tpu.yield
    }) : () -> ()
    %add3A_13 = arith.constant 50 : i32
    %add3A_14 = arith.addi %mul3A_8, %add3A_13 : i32
    "tpu.region"() ({
      %run_scoped3A = tpu.sem_alloc : memref<!tpu.dma_semaphore, #tpu.memory_space<semaphore_mem>>
      %dma_start3A = arith.constant 0 : i32
      %dma_start3A_118 = tpu.memref_slice %arg16[%add3A_14, %dma_start3A] : memref<10000x144xf32, #tpu.memory_space<vmem_shared>> -> memref<25x144xf32, #tpu.memory_space<vmem_shared>>
      %dma_start3A_119 = arith.constant 0 : i32
      %dma_start3A_120 = tpu.memref_slice %arg16[%add3A_14, %dma_start3A_119] : memref<10000x144xf32, #tpu.memory_space<vmem_shared>> -> memref<25x144xf32, #tpu.memory_space<vmem_shared>>
      tpu.enqueue_dma source(%arg14 : memref<25x144xf32, #tpu.memory_space<vmem>>) target(%dma_start3A_120 : memref<25x144xf32, #tpu.memory_space<vmem_shared>>) target_semaphore(%run_scoped3A : memref<!tpu.dma_semaphore, #tpu.memory_space<semaphore_mem>>)
      %dma_wait3A = arith.constant 0 : i32
      %dma_wait3A_121 = tpu.memref_slice %arg16[%add3A_14, %dma_wait3A] : memref<10000x144xf32, #tpu.memory_space<vmem_shared>> -> memref<25x144xf32, #tpu.memory_space<vmem_shared>>
      %dma_wait3A_122 = arith.constant 0 : i32
      %dma_wait3A_123 = tpu.memref_slice %arg16[%add3A_14, %dma_wait3A_122] : memref<10000x144xf32, #tpu.memory_space<vmem_shared>> -> memref<25x144xf32, #tpu.memory_space<vmem_shared>>
      tpu.wait_dma2 semaphore(%run_scoped3A : memref<!tpu.dma_semaphore, #tpu.memory_space<semaphore_mem>>) src(%arg14 : memref<25x144xf32, #tpu.memory_space<vmem>>) dst(%dma_wait3A_123 : memref<25x144xf32, #tpu.memory_space<vmem_shared>>)
      tpu.yield
    }) : () -> ()
    %add3A_15 = arith.constant 75 : i32
    %add3A_16 = arith.addi %mul3A_8, %add3A_15 : i32
    "tpu.region"() ({
      %run_scoped3A = tpu.sem_alloc : memref<!tpu.dma_semaphore, #tpu.memory_space<semaphore_mem>>
      %dma_start3A = arith.constant 0 : i32
      %dma_start3A_118 = tpu.memref_slice %arg16[%add3A_16, %dma_start3A] : memref<10000x144xf32, #tpu.memory_space<vmem_shared>> -> memref<25x144xf32, #tpu.memory_space<vmem_shared>>
      %dma_start3A_119 = arith.constant 0 : i32
      %dma_start3A_120 = tpu.memref_slice %arg16[%add3A_16, %dma_start3A_119] : memref<10000x144xf32, #tpu.memory_space<vmem_shared>> -> memref<25x144xf32, #tpu.memory_space<vmem_shared>>
      tpu.enqueue_dma source(%arg14 : memref<25x144xf32, #tpu.memory_space<vmem>>) target(%dma_start3A_120 : memref<25x144xf32, #tpu.memory_space<vmem_shared>>) target_semaphore(%run_scoped3A : memref<!tpu.dma_semaphore, #tpu.memory_space<semaphore_mem>>)
      %dma_wait3A = arith.constant 0 : i32
      %dma_wait3A_121 = tpu.memref_slice %arg16[%add3A_16, %dma_wait3A] : memref<10000x144xf32, #tpu.memory_space<vmem_shared>> -> memref<25x144xf32, #tpu.memory_space<vmem_shared>>
      %dma_wait3A_122 = arith.constant 0 : i32
      %dma_wait3A_123 = tpu.memref_slice %arg16[%add3A_16, %dma_wait3A_122] : memref<10000x144xf32, #tpu.memory_space<vmem_shared>> -> memref<25x144xf32, #tpu.memory_space<vmem_shared>>
      tpu.wait_dma2 semaphore(%run_scoped3A : memref<!tpu.dma_semaphore, #tpu.memory_space<semaphore_mem>>) src(%arg14 : memref<25x144xf32, #tpu.memory_space<vmem>>) dst(%dma_wait3A_123 : memref<25x144xf32, #tpu.memory_space<vmem_shared>>)
      tpu.yield
    }) : () -> ()
    %add3A_17 = arith.constant 100 : i32
    %add3A_18 = arith.addi %mul3A_8, %add3A_17 : i32
    "tpu.region"() ({
      %run_scoped3A = tpu.sem_alloc : memref<!tpu.dma_semaphore, #tpu.memory_space<semaphore_mem>>
      %dma_start3A = arith.constant 0 : i32
      %dma_start3A_118 = tpu.memref_slice %arg16[%add3A_18, %dma_start3A] : memref<10000x144xf32, #tpu.memory_space<vmem_shared>> -> memref<25x144xf32, #tpu.memory_space<vmem_shared>>
      %dma_start3A_119 = arith.constant 0 : i32
      %dma_start3A_120 = tpu.memref_slice %arg16[%add3A_18, %dma_start3A_119] : memref<10000x144xf32, #tpu.memory_space<vmem_shared>> -> memref<25x144xf32, #tpu.memory_space<vmem_shared>>
      tpu.enqueue_dma source(%arg14 : memref<25x144xf32, #tpu.memory_space<vmem>>) target(%dma_start3A_120 : memref<25x144xf32, #tpu.memory_space<vmem_shared>>) target_semaphore(%run_scoped3A : memref<!tpu.dma_semaphore, #tpu.memory_space<semaphore_mem>>)
      %dma_wait3A = arith.constant 0 : i32
      %dma_wait3A_121 = tpu.memref_slice %arg16[%add3A_18, %dma_wait3A] : memref<10000x144xf32, #tpu.memory_space<vmem_shared>> -> memref<25x144xf32, #tpu.memory_space<vmem_shared>>
      %dma_wait3A_122 = arith.constant 0 : i32
      %dma_wait3A_123 = tpu.memref_slice %arg16[%add3A_18, %dma_wait3A_122] : memref<10000x144xf32, #tpu.memory_space<vmem_shared>> -> memref<25x144xf32, #tpu.memory_space<vmem_shared>>
      tpu.wait_dma2 semaphore(%run_scoped3A : memref<!tpu.dma_semaphore, #tpu.memory_space<semaphore_mem>>) src(%arg14 : memref<25x144xf32, #tpu.memory_space<vmem>>) dst(%dma_wait3A_123 : memref<25x144xf32, #tpu.memory_space<vmem_shared>>)
      tpu.yield
    }) : () -> ()
    %add3A_19 = arith.constant 125 : i32
    %add3A_20 = arith.addi %mul3A_8, %add3A_19 : i32
    "tpu.region"() ({
      %run_scoped3A = tpu.sem_alloc : memref<!tpu.dma_semaphore, #tpu.memory_space<semaphore_mem>>
      %dma_start3A = arith.constant 0 : i32
      %dma_start3A_118 = tpu.memref_slice %arg16[%add3A_20, %dma_start3A] : memref<10000x144xf32, #tpu.memory_space<vmem_shared>> -> memref<25x144xf32, #tpu.memory_space<vmem_shared>>
      %dma_start3A_119 = arith.constant 0 : i32
      %dma_start3A_120 = tpu.memref_slice %arg16[%add3A_20, %dma_start3A_119] : memref<10000x144xf32, #tpu.memory_space<vmem_shared>> -> memref<25x144xf32, #tpu.memory_space<vmem_shared>>
      tpu.enqueue_dma source(%arg14 : memref<25x144xf32, #tpu.memory_space<vmem>>) target(%dma_start3A_120 : memref<25x144xf32, #tpu.memory_space<vmem_shared>>) target_semaphore(%run_scoped3A : memref<!tpu.dma_semaphore, #tpu.memory_space<semaphore_mem>>)
      %dma_wait3A = arith.constant 0 : i32
      %dma_wait3A_121 = tpu.memref_slice %arg16[%add3A_20, %dma_wait3A] : memref<10000x144xf32, #tpu.memory_space<vmem_shared>> -> memref<25x144xf32, #tpu.memory_space<vmem_shared>>
      %dma_wait3A_122 = arith.constant 0 : i32
      %dma_wait3A_123 = tpu.memref_slice %arg16[%add3A_20, %dma_wait3A_122] : memref<10000x144xf32, #tpu.memory_space<vmem_shared>> -> memref<25x144xf32, #tpu.memory_space<vmem_shared>>
      tpu.wait_dma2 semaphore(%run_scoped3A : memref<!tpu.dma_semaphore, #tpu.memory_space<semaphore_mem>>) src(%arg14 : memref<25x144xf32, #tpu.memory_space<vmem>>) dst(%dma_wait3A_123 : memref<25x144xf32, #tpu.memory_space<vmem_shared>>)
      tpu.yield
    }) : () -> ()
    %add3A_21 = arith.constant 150 : i32
    %add3A_22 = arith.addi %mul3A_8, %add3A_21 : i32
    "tpu.region"() ({
      %run_scoped3A = tpu.sem_alloc : memref<!tpu.dma_semaphore, #tpu.memory_space<semaphore_mem>>
      %dma_start3A = arith.constant 0 : i32
      %dma_start3A_118 = tpu.memref_slice %arg16[%add3A_22, %dma_start3A] : memref<10000x144xf32, #tpu.memory_space<vmem_shared>> -> memref<25x144xf32, #tpu.memory_space<vmem_shared>>
      %dma_start3A_119 = arith.constant 0 : i32
      %dma_start3A_120 = tpu.memref_slice %arg16[%add3A_22, %dma_start3A_119] : memref<10000x144xf32, #tpu.memory_space<vmem_shared>> -> memref<25x144xf32, #tpu.memory_space<vmem_shared>>
      tpu.enqueue_dma source(%arg14 : memref<25x144xf32, #tpu.memory_space<vmem>>) target(%dma_start3A_120 : memref<25x144xf32, #tpu.memory_space<vmem_shared>>) target_semaphore(%run_scoped3A : memref<!tpu.dma_semaphore, #tpu.memory_space<semaphore_mem>>)
      %dma_wait3A = arith.constant 0 : i32
      %dma_wait3A_121 = tpu.memref_slice %arg16[%add3A_22, %dma_wait3A] : memref<10000x144xf32, #tpu.memory_space<vmem_shared>> -> memref<25x144xf32, #tpu.memory_space<vmem_shared>>
      %dma_wait3A_122 = arith.constant 0 : i32
      %dma_wait3A_123 = tpu.memref_slice %arg16[%add3A_22, %dma_wait3A_122] : memref<10000x144xf32, #tpu.memory_space<vmem_shared>> -> memref<25x144xf32, #tpu.memory_space<vmem_shared>>
      tpu.wait_dma2 semaphore(%run_scoped3A : memref<!tpu.dma_semaphore, #tpu.memory_space<semaphore_mem>>) src(%arg14 : memref<25x144xf32, #tpu.memory_space<vmem>>) dst(%dma_wait3A_123 : memref<25x144xf32, #tpu.memory_space<vmem_shared>>)
      tpu.yield
    }) : () -> ()
    %add3A_23 = arith.constant 175 : i32
    %add3A_24 = arith.addi %mul3A_8, %add3A_23 : i32
    "tpu.region"() ({
      %run_scoped3A = tpu.sem_alloc : memref<!tpu.dma_semaphore, #tpu.memory_space<semaphore_mem>>
      %dma_start3A = arith.constant 0 : i32
      %dma_start3A_118 = tpu.memref_slice %arg16[%add3A_24, %dma_start3A] : memref<10000x144xf32, #tpu.memory_space<vmem_shared>> -> memref<25x144xf32, #tpu.memory_space<vmem_shared>>
      %dma_start3A_119 = arith.constant 0 : i32
      %dma_start3A_120 = tpu.memref_slice %arg16[%add3A_24, %dma_start3A_119] : memref<10000x144xf32, #tpu.memory_space<vmem_shared>> -> memref<25x144xf32, #tpu.memory_space<vmem_shared>>
      tpu.enqueue_dma source(%arg14 : memref<25x144xf32, #tpu.memory_space<vmem>>) target(%dma_start3A_120 : memref<25x144xf32, #tpu.memory_space<vmem_shared>>) target_semaphore(%run_scoped3A : memref<!tpu.dma_semaphore, #tpu.memory_space<semaphore_mem>>)
      %dma_wait3A = arith.constant 0 : i32
      %dma_wait3A_121 = tpu.memref_slice %arg16[%add3A_24, %dma_wait3A] : memref<10000x144xf32, #tpu.memory_space<vmem_shared>> -> memref<25x144xf32, #tpu.memory_space<vmem_shared>>
      %dma_wait3A_122 = arith.constant 0 : i32
      %dma_wait3A_123 = tpu.memref_slice %arg16[%add3A_24, %dma_wait3A_122] : memref<10000x144xf32, #tpu.memory_space<vmem_shared>> -> memref<25x144xf32, #tpu.memory_space<vmem_shared>>
      tpu.wait_dma2 semaphore(%run_scoped3A : memref<!tpu.dma_semaphore, #tpu.memory_space<semaphore_mem>>) src(%arg14 : memref<25x144xf32, #tpu.memory_space<vmem>>) dst(%dma_wait3A_123 : memref<25x144xf32, #tpu.memory_space<vmem_shared>>)
      tpu.yield
    }) : () -> ()
    %add3A_25 = arith.constant 200 : i32
    %add3A_26 = arith.addi %mul3A_8, %add3A_25 : i32
    "tpu.region"() ({
      %run_scoped3A = tpu.sem_alloc : memref<!tpu.dma_semaphore, #tpu.memory_space<semaphore_mem>>
      %dma_start3A = arith.constant 0 : i32
      %dma_start3A_118 = tpu.memref_slice %arg16[%add3A_26, %dma_start3A] : memref<10000x144xf32, #tpu.memory_space<vmem_shared>> -> memref<25x144xf32, #tpu.memory_space<vmem_shared>>
      %dma_start3A_119 = arith.constant 0 : i32
      %dma_start3A_120 = tpu.memref_slice %arg16[%add3A_26, %dma_start3A_119] : memref<10000x144xf32, #tpu.memory_space<vmem_shared>> -> memref<25x144xf32, #tpu.memory_space<vmem_shared>>
      tpu.enqueue_dma source(%arg14 : memref<25x144xf32, #tpu.memory_space<vmem>>) target(%dma_start3A_120 : memref<25x144xf32, #tpu.memory_space<vmem_shared>>) target_semaphore(%run_scoped3A : memref<!tpu.dma_semaphore, #tpu.memory_space<semaphore_mem>>)
      %dma_wait3A = arith.constant 0 : i32
      %dma_wait3A_121 = tpu.memref_slice %arg16[%add3A_26, %dma_wait3A] : memref<10000x144xf32, #tpu.memory_space<vmem_shared>> -> memref<25x144xf32, #tpu.memory_space<vmem_shared>>
      %dma_wait3A_122 = arith.constant 0 : i32
      %dma_wait3A_123 = tpu.memref_slice %arg16[%add3A_26, %dma_wait3A_122] : memref<10000x144xf32, #tpu.memory_space<vmem_shared>> -> memref<25x144xf32, #tpu.memory_space<vmem_shared>>
      tpu.wait_dma2 semaphore(%run_scoped3A : memref<!tpu.dma_semaphore, #tpu.memory_space<semaphore_mem>>) src(%arg14 : memref<25x144xf32, #tpu.memory_space<vmem>>) dst(%dma_wait3A_123 : memref<25x144xf32, #tpu.memory_space<vmem_shared>>)
      tpu.yield
    }) : () -> ()
    %add3A_27 = arith.constant 225 : i32
    %add3A_28 = arith.addi %mul3A_8, %add3A_27 : i32
    "tpu.region"() ({
      %run_scoped3A = tpu.sem_alloc : memref<!tpu.dma_semaphore, #tpu.memory_space<semaphore_mem>>
      %dma_start3A = arith.constant 0 : i32
      %dma_start3A_118 = tpu.memref_slice %arg16[%add3A_28, %dma_start3A] : memref<10000x144xf32, #tpu.memory_space<vmem_shared>> -> memref<25x144xf32, #tpu.memory_space<vmem_shared>>
      %dma_start3A_119 = arith.constant 0 : i32
      %dma_start3A_120 = tpu.memref_slice %arg16[%add3A_28, %dma_start3A_119] : memref<10000x144xf32, #tpu.memory_space<vmem_shared>> -> memref<25x144xf32, #tpu.memory_space<vmem_shared>>
      tpu.enqueue_dma source(%arg14 : memref<25x144xf32, #tpu.memory_space<vmem>>) target(%dma_start3A_120 : memref<25x144xf32, #tpu.memory_space<vmem_shared>>) target_semaphore(%run_scoped3A : memref<!tpu.dma_semaphore, #tpu.memory_space<semaphore_mem>>)
      %dma_wait3A = arith.constant 0 : i32
      %dma_wait3A_121 = tpu.memref_slice %arg16[%add3A_28, %dma_wait3A] : memref<10000x144xf32, #tpu.memory_space<vmem_shared>> -> memref<25x144xf32, #tpu.memory_space<vmem_shared>>
      %dma_wait3A_122 = arith.constant 0 : i32
      %dma_wait3A_123 = tpu.memref_slice %arg16[%add3A_28, %dma_wait3A_122] : memref<10000x144xf32, #tpu.memory_space<vmem_shared>> -> memref<25x144xf32, #tpu.memory_space<vmem_shared>>
      tpu.wait_dma2 semaphore(%run_scoped3A : memref<!tpu.dma_semaphore, #tpu.memory_space<semaphore_mem>>) src(%arg14 : memref<25x144xf32, #tpu.memory_space<vmem>>) dst(%dma_wait3A_123 : memref<25x144xf32, #tpu.memory_space<vmem_shared>>)
      tpu.yield
    }) : () -> ()
    %add3A_29 = arith.constant 250 : i32
    %add3A_30 = arith.addi %mul3A_8, %add3A_29 : i32
    "tpu.region"() ({
      %run_scoped3A = tpu.sem_alloc : memref<!tpu.dma_semaphore, #tpu.memory_space<semaphore_mem>>
      %dma_start3A = arith.constant 0 : i32
      %dma_start3A_118 = tpu.memref_slice %arg16[%add3A_30, %dma_start3A] : memref<10000x144xf32, #tpu.memory_space<vmem_shared>> -> memref<25x144xf32, #tpu.memory_space<vmem_shared>>
      %dma_start3A_119 = arith.constant 0 : i32
      %dma_start3A_120 = tpu.memref_slice %arg16[%add3A_30, %dma_start3A_119] : memref<10000x144xf32, #tpu.memory_space<vmem_shared>> -> memref<25x144xf32, #tpu.memory_space<vmem_shared>>
      tpu.enqueue_dma source(%arg14 : memref<25x144xf32, #tpu.memory_space<vmem>>) target(%dma_start3A_120 : memref<25x144xf32, #tpu.memory_space<vmem_shared>>) target_semaphore(%run_scoped3A : memref<!tpu.dma_semaphore, #tpu.memory_space<semaphore_mem>>)
      %dma_wait3A = arith.constant 0 : i32
      %dma_wait3A_121 = tpu.memref_slice %arg16[%add3A_30, %dma_wait3A] : memref<10000x144xf32, #tpu.memory_space<vmem_shared>> -> memref<25x144xf32, #tpu.memory_space<vmem_shared>>
      %dma_wait3A_122 = arith.constant 0 : i32
      %dma_wait3A_123 = tpu.memref_slice %arg16[%add3A_30, %dma_wait3A_122] : memref<10000x144xf32, #tpu.memory_space<vmem_shared>> -> memref<25x144xf32, #tpu.memory_space<vmem_shared>>
      tpu.wait_dma2 semaphore(%run_scoped3A : memref<!tpu.dma_semaphore, #tpu.memory_space<semaphore_mem>>) src(%arg14 : memref<25x144xf32, #tpu.memory_space<vmem>>) dst(%dma_wait3A_123 : memref<25x144xf32, #tpu.memory_space<vmem_shared>>)
      tpu.yield
    }) : () -> ()
    %add3A_31 = arith.constant 275 : i32
    %add3A_32 = arith.addi %mul3A_8, %add3A_31 : i32
    "tpu.region"() ({
      %run_scoped3A = tpu.sem_alloc : memref<!tpu.dma_semaphore, #tpu.memory_space<semaphore_mem>>
      %dma_start3A = arith.constant 0 : i32
      %dma_start3A_118 = tpu.memref_slice %arg16[%add3A_32, %dma_start3A] : memref<10000x144xf32, #tpu.memory_space<vmem_shared>> -> memref<25x144xf32, #tpu.memory_space<vmem_shared>>
      %dma_start3A_119 = arith.constant 0 : i32
      %dma_start3A_120 = tpu.memref_slice %arg16[%add3A_32, %dma_start3A_119] : memref<10000x144xf32, #tpu.memory_space<vmem_shared>> -> memref<25x144xf32, #tpu.memory_space<vmem_shared>>
      tpu.enqueue_dma source(%arg14 : memref<25x144xf32, #tpu.memory_space<vmem>>) target(%dma_start3A_120 : memref<25x144xf32, #tpu.memory_space<vmem_shared>>) target_semaphore(%run_scoped3A : memref<!tpu.dma_semaphore, #tpu.memory_space<semaphore_mem>>)
      %dma_wait3A = arith.constant 0 : i32
      %dma_wait3A_121 = tpu.memref_slice %arg16[%add3A_32, %dma_wait3A] : memref<10000x144xf32, #tpu.memory_space<vmem_shared>> -> memref<25x144xf32, #tpu.memory_space<vmem_shared>>
      %dma_wait3A_122 = arith.constant 0 : i32
      %dma_wait3A_123 = tpu.memref_slice %arg16[%add3A_32, %dma_wait3A_122] : memref<10000x144xf32, #tpu.memory_space<vmem_shared>> -> memref<25x144xf32, #tpu.memory_space<vmem_shared>>
      tpu.wait_dma2 semaphore(%run_scoped3A : memref<!tpu.dma_semaphore, #tpu.memory_space<semaphore_mem>>) src(%arg14 : memref<25x144xf32, #tpu.memory_space<vmem>>) dst(%dma_wait3A_123 : memref<25x144xf32, #tpu.memory_space<vmem_shared>>)
      tpu.yield
    }) : () -> ()
    %add3A_33 = arith.constant 300 : i32
    %add3A_34 = arith.addi %mul3A_8, %add3A_33 : i32
    "tpu.region"() ({
      %run_scoped3A = tpu.sem_alloc : memref<!tpu.dma_semaphore, #tpu.memory_space<semaphore_mem>>
      %dma_start3A = arith.constant 0 : i32
      %dma_start3A_118 = tpu.memref_slice %arg16[%add3A_34, %dma_start3A] : memref<10000x144xf32, #tpu.memory_space<vmem_shared>> -> memref<25x144xf32, #tpu.memory_space<vmem_shared>>
      %dma_start3A_119 = arith.constant 0 : i32
      %dma_start3A_120 = tpu.memref_slice %arg16[%add3A_34, %dma_start3A_119] : memref<10000x144xf32, #tpu.memory_space<vmem_shared>> -> memref<25x144xf32, #tpu.memory_space<vmem_shared>>
      tpu.enqueue_dma source(%arg14 : memref<25x144xf32, #tpu.memory_space<vmem>>) target(%dma_start3A_120 : memref<25x144xf32, #tpu.memory_space<vmem_shared>>) target_semaphore(%run_scoped3A : memref<!tpu.dma_semaphore, #tpu.memory_space<semaphore_mem>>)
      %dma_wait3A = arith.constant 0 : i32
      %dma_wait3A_121 = tpu.memref_slice %arg16[%add3A_34, %dma_wait3A] : memref<10000x144xf32, #tpu.memory_space<vmem_shared>> -> memref<25x144xf32, #tpu.memory_space<vmem_shared>>
      %dma_wait3A_122 = arith.constant 0 : i32
      %dma_wait3A_123 = tpu.memref_slice %arg16[%add3A_34, %dma_wait3A_122] : memref<10000x144xf32, #tpu.memory_space<vmem_shared>> -> memref<25x144xf32, #tpu.memory_space<vmem_shared>>
      tpu.wait_dma2 semaphore(%run_scoped3A : memref<!tpu.dma_semaphore, #tpu.memory_space<semaphore_mem>>) src(%arg14 : memref<25x144xf32, #tpu.memory_space<vmem>>) dst(%dma_wait3A_123 : memref<25x144xf32, #tpu.memory_space<vmem_shared>>)
      tpu.yield
    }) : () -> ()
    %add3A_35 = arith.constant 325 : i32
    %add3A_36 = arith.addi %mul3A_8, %add3A_35 : i32
    "tpu.region"() ({
      %run_scoped3A = tpu.sem_alloc : memref<!tpu.dma_semaphore, #tpu.memory_space<semaphore_mem>>
      %dma_start3A = arith.constant 0 : i32
      %dma_start3A_118 = tpu.memref_slice %arg16[%add3A_36, %dma_start3A] : memref<10000x144xf32, #tpu.memory_space<vmem_shared>> -> memref<25x144xf32, #tpu.memory_space<vmem_shared>>
      %dma_start3A_119 = arith.constant 0 : i32
      %dma_start3A_120 = tpu.memref_slice %arg16[%add3A_36, %dma_start3A_119] : memref<10000x144xf32, #tpu.memory_space<vmem_shared>> -> memref<25x144xf32, #tpu.memory_space<vmem_shared>>
      tpu.enqueue_dma source(%arg14 : memref<25x144xf32, #tpu.memory_space<vmem>>) target(%dma_start3A_120 : memref<25x144xf32, #tpu.memory_space<vmem_shared>>) target_semaphore(%run_scoped3A : memref<!tpu.dma_semaphore, #tpu.memory_space<semaphore_mem>>)
      %dma_wait3A = arith.constant 0 : i32
      %dma_wait3A_121 = tpu.memref_slice %arg16[%add3A_36, %dma_wait3A] : memref<10000x144xf32, #tpu.memory_space<vmem_shared>> -> memref<25x144xf32, #tpu.memory_space<vmem_shared>>
      %dma_wait3A_122 = arith.constant 0 : i32
      %dma_wait3A_123 = tpu.memref_slice %arg16[%add3A_36, %dma_wait3A_122] : memref<10000x144xf32, #tpu.memory_space<vmem_shared>> -> memref<25x144xf32, #tpu.memory_space<vmem_shared>>
      tpu.wait_dma2 semaphore(%run_scoped3A : memref<!tpu.dma_semaphore, #tpu.memory_space<semaphore_mem>>) src(%arg14 : memref<25x144xf32, #tpu.memory_space<vmem>>) dst(%dma_wait3A_123 : memref<25x144xf32, #tpu.memory_space<vmem_shared>>)
      tpu.yield
    }) : () -> ()
    %add3A_37 = arith.constant 350 : i32
    %add3A_38 = arith.addi %mul3A_8, %add3A_37 : i32
    "tpu.region"() ({
      %run_scoped3A = tpu.sem_alloc : memref<!tpu.dma_semaphore, #tpu.memory_space<semaphore_mem>>
      %dma_start3A = arith.constant 0 : i32
      %dma_start3A_118 = tpu.memref_slice %arg16[%add3A_38, %dma_start3A] : memref<10000x144xf32, #tpu.memory_space<vmem_shared>> -> memref<25x144xf32, #tpu.memory_space<vmem_shared>>
      %dma_start3A_119 = arith.constant 0 : i32
      %dma_start3A_120 = tpu.memref_slice %arg16[%add3A_38, %dma_start3A_119] : memref<10000x144xf32, #tpu.memory_space<vmem_shared>> -> memref<25x144xf32, #tpu.memory_space<vmem_shared>>
      tpu.enqueue_dma source(%arg14 : memref<25x144xf32, #tpu.memory_space<vmem>>) target(%dma_start3A_120 : memref<25x144xf32, #tpu.memory_space<vmem_shared>>) target_semaphore(%run_scoped3A : memref<!tpu.dma_semaphore, #tpu.memory_space<semaphore_mem>>)
      %dma_wait3A = arith.constant 0 : i32
      %dma_wait3A_121 = tpu.memref_slice %arg16[%add3A_38, %dma_wait3A] : memref<10000x144xf32, #tpu.memory_space<vmem_shared>> -> memref<25x144xf32, #tpu.memory_space<vmem_shared>>
      %dma_wait3A_122 = arith.constant 0 : i32
      %dma_wait3A_123 = tpu.memref_slice %arg16[%add3A_38, %dma_wait3A_122] : memref<10000x144xf32, #tpu.memory_space<vmem_shared>> -> memref<25x144xf32, #tpu.memory_space<vmem_shared>>
      tpu.wait_dma2 semaphore(%run_scoped3A : memref<!tpu.dma_semaphore, #tpu.memory_space<semaphore_mem>>) src(%arg14 : memref<25x144xf32, #tpu.memory_space<vmem>>) dst(%dma_wait3A_123 : memref<25x144xf32, #tpu.memory_space<vmem_shared>>)
      tpu.yield
    }) : () -> ()
    %add3A_39 = arith.constant 375 : i32
    %add3A_40 = arith.addi %mul3A_8, %add3A_39 : i32
    "tpu.region"() ({
      %run_scoped3A = tpu.sem_alloc : memref<!tpu.dma_semaphore, #tpu.memory_space<semaphore_mem>>
      %dma_start3A = arith.constant 0 : i32
      %dma_start3A_118 = tpu.memref_slice %arg16[%add3A_40, %dma_start3A] : memref<10000x144xf32, #tpu.memory_space<vmem_shared>> -> memref<25x144xf32, #tpu.memory_space<vmem_shared>>
      %dma_start3A_119 = arith.constant 0 : i32
      %dma_start3A_120 = tpu.memref_slice %arg16[%add3A_40, %dma_start3A_119] : memref<10000x144xf32, #tpu.memory_space<vmem_shared>> -> memref<25x144xf32, #tpu.memory_space<vmem_shared>>
      tpu.enqueue_dma source(%arg14 : memref<25x144xf32, #tpu.memory_space<vmem>>) target(%dma_start3A_120 : memref<25x144xf32, #tpu.memory_space<vmem_shared>>) target_semaphore(%run_scoped3A : memref<!tpu.dma_semaphore, #tpu.memory_space<semaphore_mem>>)
      %dma_wait3A = arith.constant 0 : i32
      %dma_wait3A_121 = tpu.memref_slice %arg16[%add3A_40, %dma_wait3A] : memref<10000x144xf32, #tpu.memory_space<vmem_shared>> -> memref<25x144xf32, #tpu.memory_space<vmem_shared>>
      %dma_wait3A_122 = arith.constant 0 : i32
      %dma_wait3A_123 = tpu.memref_slice %arg16[%add3A_40, %dma_wait3A_122] : memref<10000x144xf32, #tpu.memory_space<vmem_shared>> -> memref<25x144xf32, #tpu.memory_space<vmem_shared>>
      tpu.wait_dma2 semaphore(%run_scoped3A : memref<!tpu.dma_semaphore, #tpu.memory_space<semaphore_mem>>) src(%arg14 : memref<25x144xf32, #tpu.memory_space<vmem>>) dst(%dma_wait3A_123 : memref<25x144xf32, #tpu.memory_space<vmem_shared>>)
      tpu.yield
    }) : () -> ()
    %add3A_41 = arith.constant 400 : i32
    %add3A_42 = arith.addi %mul3A_8, %add3A_41 : i32
    "tpu.region"() ({
      %run_scoped3A = tpu.sem_alloc : memref<!tpu.dma_semaphore, #tpu.memory_space<semaphore_mem>>
      %dma_start3A = arith.constant 0 : i32
      %dma_start3A_118 = tpu.memref_slice %arg16[%add3A_42, %dma_start3A] : memref<10000x144xf32, #tpu.memory_space<vmem_shared>> -> memref<25x144xf32, #tpu.memory_space<vmem_shared>>
      %dma_start3A_119 = arith.constant 0 : i32
      %dma_start3A_120 = tpu.memref_slice %arg16[%add3A_42, %dma_start3A_119] : memref<10000x144xf32, #tpu.memory_space<vmem_shared>> -> memref<25x144xf32, #tpu.memory_space<vmem_shared>>
      tpu.enqueue_dma source(%arg14 : memref<25x144xf32, #tpu.memory_space<vmem>>) target(%dma_start3A_120 : memref<25x144xf32, #tpu.memory_space<vmem_shared>>) target_semaphore(%run_scoped3A : memref<!tpu.dma_semaphore, #tpu.memory_space<semaphore_mem>>)
      %dma_wait3A = arith.constant 0 : i32
      %dma_wait3A_121 = tpu.memref_slice %arg16[%add3A_42, %dma_wait3A] : memref<10000x144xf32, #tpu.memory_space<vmem_shared>> -> memref<25x144xf32, #tpu.memory_space<vmem_shared>>
      %dma_wait3A_122 = arith.constant 0 : i32
      %dma_wait3A_123 = tpu.memref_slice %arg16[%add3A_42, %dma_wait3A_122] : memref<10000x144xf32, #tpu.memory_space<vmem_shared>> -> memref<25x144xf32, #tpu.memory_space<vmem_shared>>
      tpu.wait_dma2 semaphore(%run_scoped3A : memref<!tpu.dma_semaphore, #tpu.memory_space<semaphore_mem>>) src(%arg14 : memref<25x144xf32, #tpu.memory_space<vmem>>) dst(%dma_wait3A_123 : memref<25x144xf32, #tpu.memory_space<vmem_shared>>)
      tpu.yield
    }) : () -> ()
    %add3A_43 = arith.constant 425 : i32
    %add3A_44 = arith.addi %mul3A_8, %add3A_43 : i32
    "tpu.region"() ({
      %run_scoped3A = tpu.sem_alloc : memref<!tpu.dma_semaphore, #tpu.memory_space<semaphore_mem>>
      %dma_start3A = arith.constant 0 : i32
      %dma_start3A_118 = tpu.memref_slice %arg16[%add3A_44, %dma_start3A] : memref<10000x144xf32, #tpu.memory_space<vmem_shared>> -> memref<25x144xf32, #tpu.memory_space<vmem_shared>>
      %dma_start3A_119 = arith.constant 0 : i32
      %dma_start3A_120 = tpu.memref_slice %arg16[%add3A_44, %dma_start3A_119] : memref<10000x144xf32, #tpu.memory_space<vmem_shared>> -> memref<25x144xf32, #tpu.memory_space<vmem_shared>>
      tpu.enqueue_dma source(%arg14 : memref<25x144xf32, #tpu.memory_space<vmem>>) target(%dma_start3A_120 : memref<25x144xf32, #tpu.memory_space<vmem_shared>>) target_semaphore(%run_scoped3A : memref<!tpu.dma_semaphore, #tpu.memory_space<semaphore_mem>>)
      %dma_wait3A = arith.constant 0 : i32
      %dma_wait3A_121 = tpu.memref_slice %arg16[%add3A_44, %dma_wait3A] : memref<10000x144xf32, #tpu.memory_space<vmem_shared>> -> memref<25x144xf32, #tpu.memory_space<vmem_shared>>
      %dma_wait3A_122 = arith.constant 0 : i32
      %dma_wait3A_123 = tpu.memref_slice %arg16[%add3A_44, %dma_wait3A_122] : memref<10000x144xf32, #tpu.memory_space<vmem_shared>> -> memref<25x144xf32, #tpu.memory_space<vmem_shared>>
      tpu.wait_dma2 semaphore(%run_scoped3A : memref<!tpu.dma_semaphore, #tpu.memory_space<semaphore_mem>>) src(%arg14 : memref<25x144xf32, #tpu.memory_space<vmem>>) dst(%dma_wait3A_123 : memref<25x144xf32, #tpu.memory_space<vmem_shared>>)
      tpu.yield
    }) : () -> ()
    %add3A_45 = arith.constant 450 : i32
    %add3A_46 = arith.addi %mul3A_8, %add3A_45 : i32
    "tpu.region"() ({
      %run_scoped3A = tpu.sem_alloc : memref<!tpu.dma_semaphore, #tpu.memory_space<semaphore_mem>>
      %dma_start3A = arith.constant 0 : i32
      %dma_start3A_118 = tpu.memref_slice %arg16[%add3A_46, %dma_start3A] : memref<10000x144xf32, #tpu.memory_space<vmem_shared>> -> memref<25x144xf32, #tpu.memory_space<vmem_shared>>
      %dma_start3A_119 = arith.constant 0 : i32
      %dma_start3A_120 = tpu.memref_slice %arg16[%add3A_46, %dma_start3A_119] : memref<10000x144xf32, #tpu.memory_space<vmem_shared>> -> memref<25x144xf32, #tpu.memory_space<vmem_shared>>
      tpu.enqueue_dma source(%arg14 : memref<25x144xf32, #tpu.memory_space<vmem>>) target(%dma_start3A_120 : memref<25x144xf32, #tpu.memory_space<vmem_shared>>) target_semaphore(%run_scoped3A : memref<!tpu.dma_semaphore, #tpu.memory_space<semaphore_mem>>)
      %dma_wait3A = arith.constant 0 : i32
      %dma_wait3A_121 = tpu.memref_slice %arg16[%add3A_46, %dma_wait3A] : memref<10000x144xf32, #tpu.memory_space<vmem_shared>> -> memref<25x144xf32, #tpu.memory_space<vmem_shared>>
      %dma_wait3A_122 = arith.constant 0 : i32
      %dma_wait3A_123 = tpu.memref_slice %arg16[%add3A_46, %dma_wait3A_122] : memref<10000x144xf32, #tpu.memory_space<vmem_shared>> -> memref<25x144xf32, #tpu.memory_space<vmem_shared>>
      tpu.wait_dma2 semaphore(%run_scoped3A : memref<!tpu.dma_semaphore, #tpu.memory_space<semaphore_mem>>) src(%arg14 : memref<25x144xf32, #tpu.memory_space<vmem>>) dst(%dma_wait3A_123 : memref<25x144xf32, #tpu.memory_space<vmem_shared>>)
      tpu.yield
    }) : () -> ()
    %add3A_47 = arith.constant 475 : i32
    %add3A_48 = arith.addi %mul3A_8, %add3A_47 : i32
    "tpu.region"() ({
      %run_scoped3A = tpu.sem_alloc : memref<!tpu.dma_semaphore, #tpu.memory_space<semaphore_mem>>
      %dma_start3A = arith.constant 0 : i32
      %dma_start3A_118 = tpu.memref_slice %arg16[%add3A_48, %dma_start3A] : memref<10000x144xf32, #tpu.memory_space<vmem_shared>> -> memref<25x144xf32, #tpu.memory_space<vmem_shared>>
      %dma_start3A_119 = arith.constant 0 : i32
      %dma_start3A_120 = tpu.memref_slice %arg16[%add3A_48, %dma_start3A_119] : memref<10000x144xf32, #tpu.memory_space<vmem_shared>> -> memref<25x144xf32, #tpu.memory_space<vmem_shared>>
      tpu.enqueue_dma source(%arg14 : memref<25x144xf32, #tpu.memory_space<vmem>>) target(%dma_start3A_120 : memref<25x144xf32, #tpu.memory_space<vmem_shared>>) target_semaphore(%run_scoped3A : memref<!tpu.dma_semaphore, #tpu.memory_space<semaphore_mem>>)
      %dma_wait3A = arith.constant 0 : i32
      %dma_wait3A_121 = tpu.memref_slice %arg16[%add3A_48, %dma_wait3A] : memref<10000x144xf32, #tpu.memory_space<vmem_shared>> -> memref<25x144xf32, #tpu.memory_space<vmem_shared>>
      %dma_wait3A_122 = arith.constant 0 : i32
      %dma_wait3A_123 = tpu.memref_slice %arg16[%add3A_48, %dma_wait3A_122] : memref<10000x144xf32, #tpu.memory_space<vmem_shared>> -> memref<25x144xf32, #tpu.memory_space<vmem_shared>>
      tpu.wait_dma2 semaphore(%run_scoped3A : memref<!tpu.dma_semaphore, #tpu.memory_space<semaphore_mem>>) src(%arg14 : memref<25x144xf32, #tpu.memory_space<vmem>>) dst(%dma_wait3A_123 : memref<25x144xf32, #tpu.memory_space<vmem_shared>>)
      tpu.yield
    }) : () -> ()
    %add3A_49 = arith.constant 500 : i32
    %add3A_50 = arith.addi %mul3A_8, %add3A_49 : i32
    "tpu.region"() ({
      %run_scoped3A = tpu.sem_alloc : memref<!tpu.dma_semaphore, #tpu.memory_space<semaphore_mem>>
      %dma_start3A = arith.constant 0 : i32
      %dma_start3A_118 = tpu.memref_slice %arg16[%add3A_50, %dma_start3A] : memref<10000x144xf32, #tpu.memory_space<vmem_shared>> -> memref<25x144xf32, #tpu.memory_space<vmem_shared>>
      %dma_start3A_119 = arith.constant 0 : i32
      %dma_start3A_120 = tpu.memref_slice %arg16[%add3A_50, %dma_start3A_119] : memref<10000x144xf32, #tpu.memory_space<vmem_shared>> -> memref<25x144xf32, #tpu.memory_space<vmem_shared>>
      tpu.enqueue_dma source(%arg14 : memref<25x144xf32, #tpu.memory_space<vmem>>) target(%dma_start3A_120 : memref<25x144xf32, #tpu.memory_space<vmem_shared>>) target_semaphore(%run_scoped3A : memref<!tpu.dma_semaphore, #tpu.memory_space<semaphore_mem>>)
      %dma_wait3A = arith.constant 0 : i32
      %dma_wait3A_121 = tpu.memref_slice %arg16[%add3A_50, %dma_wait3A] : memref<10000x144xf32, #tpu.memory_space<vmem_shared>> -> memref<25x144xf32, #tpu.memory_space<vmem_shared>>
      %dma_wait3A_122 = arith.constant 0 : i32
      %dma_wait3A_123 = tpu.memref_slice %arg16[%add3A_50, %dma_wait3A_122] : memref<10000x144xf32, #tpu.memory_space<vmem_shared>> -> memref<25x144xf32, #tpu.memory_space<vmem_shared>>
      tpu.wait_dma2 semaphore(%run_scoped3A : memref<!tpu.dma_semaphore, #tpu.memory_space<semaphore_mem>>) src(%arg14 : memref<25x144xf32, #tpu.memory_space<vmem>>) dst(%dma_wait3A_123 : memref<25x144xf32, #tpu.memory_space<vmem_shared>>)
      tpu.yield
    }) : () -> ()
    %add3A_51 = arith.constant 525 : i32
    %add3A_52 = arith.addi %mul3A_8, %add3A_51 : i32
    "tpu.region"() ({
      %run_scoped3A = tpu.sem_alloc : memref<!tpu.dma_semaphore, #tpu.memory_space<semaphore_mem>>
      %dma_start3A = arith.constant 0 : i32
      %dma_start3A_118 = tpu.memref_slice %arg16[%add3A_52, %dma_start3A] : memref<10000x144xf32, #tpu.memory_space<vmem_shared>> -> memref<25x144xf32, #tpu.memory_space<vmem_shared>>
      %dma_start3A_119 = arith.constant 0 : i32
      %dma_start3A_120 = tpu.memref_slice %arg16[%add3A_52, %dma_start3A_119] : memref<10000x144xf32, #tpu.memory_space<vmem_shared>> -> memref<25x144xf32, #tpu.memory_space<vmem_shared>>
      tpu.enqueue_dma source(%arg14 : memref<25x144xf32, #tpu.memory_space<vmem>>) target(%dma_start3A_120 : memref<25x144xf32, #tpu.memory_space<vmem_shared>>) target_semaphore(%run_scoped3A : memref<!tpu.dma_semaphore, #tpu.memory_space<semaphore_mem>>)
      %dma_wait3A = arith.constant 0 : i32
      %dma_wait3A_121 = tpu.memref_slice %arg16[%add3A_52, %dma_wait3A] : memref<10000x144xf32, #tpu.memory_space<vmem_shared>> -> memref<25x144xf32, #tpu.memory_space<vmem_shared>>
      %dma_wait3A_122 = arith.constant 0 : i32
      %dma_wait3A_123 = tpu.memref_slice %arg16[%add3A_52, %dma_wait3A_122] : memref<10000x144xf32, #tpu.memory_space<vmem_shared>> -> memref<25x144xf32, #tpu.memory_space<vmem_shared>>
      tpu.wait_dma2 semaphore(%run_scoped3A : memref<!tpu.dma_semaphore, #tpu.memory_space<semaphore_mem>>) src(%arg14 : memref<25x144xf32, #tpu.memory_space<vmem>>) dst(%dma_wait3A_123 : memref<25x144xf32, #tpu.memory_space<vmem_shared>>)
      tpu.yield
    }) : () -> ()
    %add3A_53 = arith.constant 550 : i32
    %add3A_54 = arith.addi %mul3A_8, %add3A_53 : i32
    "tpu.region"() ({
      %run_scoped3A = tpu.sem_alloc : memref<!tpu.dma_semaphore, #tpu.memory_space<semaphore_mem>>
      %dma_start3A = arith.constant 0 : i32
      %dma_start3A_118 = tpu.memref_slice %arg16[%add3A_54, %dma_start3A] : memref<10000x144xf32, #tpu.memory_space<vmem_shared>> -> memref<25x144xf32, #tpu.memory_space<vmem_shared>>
      %dma_start3A_119 = arith.constant 0 : i32
      %dma_start3A_120 = tpu.memref_slice %arg16[%add3A_54, %dma_start3A_119] : memref<10000x144xf32, #tpu.memory_space<vmem_shared>> -> memref<25x144xf32, #tpu.memory_space<vmem_shared>>
      tpu.enqueue_dma source(%arg14 : memref<25x144xf32, #tpu.memory_space<vmem>>) target(%dma_start3A_120 : memref<25x144xf32, #tpu.memory_space<vmem_shared>>) target_semaphore(%run_scoped3A : memref<!tpu.dma_semaphore, #tpu.memory_space<semaphore_mem>>)
      %dma_wait3A = arith.constant 0 : i32
      %dma_wait3A_121 = tpu.memref_slice %arg16[%add3A_54, %dma_wait3A] : memref<10000x144xf32, #tpu.memory_space<vmem_shared>> -> memref<25x144xf32, #tpu.memory_space<vmem_shared>>
      %dma_wait3A_122 = arith.constant 0 : i32
      %dma_wait3A_123 = tpu.memref_slice %arg16[%add3A_54, %dma_wait3A_122] : memref<10000x144xf32, #tpu.memory_space<vmem_shared>> -> memref<25x144xf32, #tpu.memory_space<vmem_shared>>
      tpu.wait_dma2 semaphore(%run_scoped3A : memref<!tpu.dma_semaphore, #tpu.memory_space<semaphore_mem>>) src(%arg14 : memref<25x144xf32, #tpu.memory_space<vmem>>) dst(%dma_wait3A_123 : memref<25x144xf32, #tpu.memory_space<vmem_shared>>)
      tpu.yield
    }) : () -> ()
    %add3A_55 = arith.constant 575 : i32
    %add3A_56 = arith.addi %mul3A_8, %add3A_55 : i32
    "tpu.region"() ({
      %run_scoped3A = tpu.sem_alloc : memref<!tpu.dma_semaphore, #tpu.memory_space<semaphore_mem>>
      %dma_start3A = arith.constant 0 : i32
      %dma_start3A_118 = tpu.memref_slice %arg16[%add3A_56, %dma_start3A] : memref<10000x144xf32, #tpu.memory_space<vmem_shared>> -> memref<25x144xf32, #tpu.memory_space<vmem_shared>>
      %dma_start3A_119 = arith.constant 0 : i32
      %dma_start3A_120 = tpu.memref_slice %arg16[%add3A_56, %dma_start3A_119] : memref<10000x144xf32, #tpu.memory_space<vmem_shared>> -> memref<25x144xf32, #tpu.memory_space<vmem_shared>>
      tpu.enqueue_dma source(%arg14 : memref<25x144xf32, #tpu.memory_space<vmem>>) target(%dma_start3A_120 : memref<25x144xf32, #tpu.memory_space<vmem_shared>>) target_semaphore(%run_scoped3A : memref<!tpu.dma_semaphore, #tpu.memory_space<semaphore_mem>>)
      %dma_wait3A = arith.constant 0 : i32
      %dma_wait3A_121 = tpu.memref_slice %arg16[%add3A_56, %dma_wait3A] : memref<10000x144xf32, #tpu.memory_space<vmem_shared>> -> memref<25x144xf32, #tpu.memory_space<vmem_shared>>
      %dma_wait3A_122 = arith.constant 0 : i32
      %dma_wait3A_123 = tpu.memref_slice %arg16[%add3A_56, %dma_wait3A_122] : memref<10000x144xf32, #tpu.memory_space<vmem_shared>> -> memref<25x144xf32, #tpu.memory_space<vmem_shared>>
      tpu.wait_dma2 semaphore(%run_scoped3A : memref<!tpu.dma_semaphore, #tpu.memory_space<semaphore_mem>>) src(%arg14 : memref<25x144xf32, #tpu.memory_space<vmem>>) dst(%dma_wait3A_123 : memref<25x144xf32, #tpu.memory_space<vmem_shared>>)
      tpu.yield
    }) : () -> ()
    %add3A_57 = arith.constant 600 : i32
    %add3A_58 = arith.addi %mul3A_8, %add3A_57 : i32
    "tpu.region"() ({
      %run_scoped3A = tpu.sem_alloc : memref<!tpu.dma_semaphore, #tpu.memory_space<semaphore_mem>>
      %dma_start3A = arith.constant 0 : i32
      %dma_start3A_118 = tpu.memref_slice %arg16[%add3A_58, %dma_start3A] : memref<10000x144xf32, #tpu.memory_space<vmem_shared>> -> memref<25x144xf32, #tpu.memory_space<vmem_shared>>
      %dma_start3A_119 = arith.constant 0 : i32
      %dma_start3A_120 = tpu.memref_slice %arg16[%add3A_58, %dma_start3A_119] : memref<10000x144xf32, #tpu.memory_space<vmem_shared>> -> memref<25x144xf32, #tpu.memory_space<vmem_shared>>
      tpu.enqueue_dma source(%arg14 : memref<25x144xf32, #tpu.memory_space<vmem>>) target(%dma_start3A_120 : memref<25x144xf32, #tpu.memory_space<vmem_shared>>) target_semaphore(%run_scoped3A : memref<!tpu.dma_semaphore, #tpu.memory_space<semaphore_mem>>)
      %dma_wait3A = arith.constant 0 : i32
      %dma_wait3A_121 = tpu.memref_slice %arg16[%add3A_58, %dma_wait3A] : memref<10000x144xf32, #tpu.memory_space<vmem_shared>> -> memref<25x144xf32, #tpu.memory_space<vmem_shared>>
      %dma_wait3A_122 = arith.constant 0 : i32
      %dma_wait3A_123 = tpu.memref_slice %arg16[%add3A_58, %dma_wait3A_122] : memref<10000x144xf32, #tpu.memory_space<vmem_shared>> -> memref<25x144xf32, #tpu.memory_space<vmem_shared>>
      tpu.wait_dma2 semaphore(%run_scoped3A : memref<!tpu.dma_semaphore, #tpu.memory_space<semaphore_mem>>) src(%arg14 : memref<25x144xf32, #tpu.memory_space<vmem>>) dst(%dma_wait3A_123 : memref<25x144xf32, #tpu.memory_space<vmem_shared>>)
      tpu.yield
    }) : () -> ()
    %barrier3A = arith.constant 0 : index
    tpu.barrier barrier_id(%barrier3A)
    %iota3A = tpu.iota {dimensions = array<i32: 0>} : vector<16xi32>
    %mul3A_59 = arith.constant 10000 : i32
    %mul3A_60 = arith.muli %add3A, %mul3A_59 : i32
    %scan3A_61 = arith.constant 0 : i32
    %scan3A_62 = arith.constant 0 : i32
    %scan3A_63 = arith.constant 250 : i32
    %scan3A_64 = arith.addi %scan3A_62, %scan3A_63 : i32
    %scan3A_65 = arith.constant 1 : i32
    scf.for %scan3A_118 = %scan3A_62 to %scan3A_64 step %scan3A_65  : i32 {
      %mul3A_119 = arith.constant 40 : i32
      %mul3A_120 = arith.muli %scan3A_118, %mul3A_119 : i32
      %add3A_121 = arith.addi %mul3A_60, %mul3A_120 : i32
      "tpu.region"() ({
        %run_scoped3A = tpu.sem_alloc : memref<!tpu.dma_semaphore, #tpu.memory_space<semaphore_mem>>
        %dma_start3A_144 = tpu.memref_slice %arg5[%add3A_121] : memref<320000xi32, #tpu.memory_space<hbm>> -> memref<40xi32, #tpu.memory_space<hbm>>
        %dma_start3A_145 = tpu.memref_slice %arg5[%add3A_121] : memref<320000xi32, #tpu.memory_space<hbm>> -> memref<40xi32, #tpu.memory_space<hbm>>
        tpu.enqueue_dma source(%dma_start3A_145 : memref<40xi32, #tpu.memory_space<hbm>>) target(%arg8 : memref<40xi32, #tpu.memory_space<vmem>>) target_semaphore(%run_scoped3A : memref<!tpu.dma_semaphore, #tpu.memory_space<semaphore_mem>>)
        %dma_wait3A_146 = tpu.memref_slice %arg5[%add3A_121] : memref<320000xi32, #tpu.memory_space<hbm>> -> memref<40xi32, #tpu.memory_space<hbm>>
        %dma_wait3A_147 = tpu.memref_slice %arg5[%add3A_121] : memref<320000xi32, #tpu.memory_space<hbm>> -> memref<40xi32, #tpu.memory_space<hbm>>
        tpu.wait_dma2 semaphore(%run_scoped3A : memref<!tpu.dma_semaphore, #tpu.memory_space<semaphore_mem>>) src(%dma_wait3A_147 : memref<40xi32, #tpu.memory_space<hbm>>) dst(%arg8 : memref<40xi32, #tpu.memory_space<vmem>>)
        tpu.yield
      }) : () -> ()
      "tpu.region"() ({
        %run_scoped3A = tpu.sem_alloc : memref<!tpu.dma_semaphore, #tpu.memory_space<semaphore_mem>>
        %dma_start3A_144 = tpu.memref_slice %arg6[%add3A_121] : memref<320000xi32, #tpu.memory_space<hbm>> -> memref<40xi32, #tpu.memory_space<hbm>>
        %dma_start3A_145 = tpu.memref_slice %arg6[%add3A_121] : memref<320000xi32, #tpu.memory_space<hbm>> -> memref<40xi32, #tpu.memory_space<hbm>>
        tpu.enqueue_dma source(%dma_start3A_145 : memref<40xi32, #tpu.memory_space<hbm>>) target(%arg9 : memref<40xi32, #tpu.memory_space<vmem>>) target_semaphore(%run_scoped3A : memref<!tpu.dma_semaphore, #tpu.memory_space<semaphore_mem>>)
        %dma_wait3A_146 = tpu.memref_slice %arg6[%add3A_121] : memref<320000xi32, #tpu.memory_space<hbm>> -> memref<40xi32, #tpu.memory_space<hbm>>
        %dma_wait3A_147 = tpu.memref_slice %arg6[%add3A_121] : memref<320000xi32, #tpu.memory_space<hbm>> -> memref<40xi32, #tpu.memory_space<hbm>>
        tpu.wait_dma2 semaphore(%run_scoped3A : memref<!tpu.dma_semaphore, #tpu.memory_space<semaphore_mem>>) src(%dma_wait3A_147 : memref<40xi32, #tpu.memory_space<hbm>>) dst(%arg9 : memref<40xi32, #tpu.memory_space<vmem>>)
        tpu.yield
      }) : () -> ()
      %dma_start3A = arith.constant 0 : i32
      %dma_start3A_122 = arith.constant 0 : i32
      %dma_start3A_123 = tpu.memref_slice %arg2[%dma_start3A, %dma_start3A_122] : memref<10000x128xf32, #tpu.memory_space<hbm>> -> memref<10000x128xf32, #tpu.memory_space<hbm>>
      tpu.enqueue_indirect_dma source(%dma_start3A_123 : memref<10000x128xf32, #tpu.memory_space<hbm>>) target(%arg10 : memref<40x128xf32, #tpu.memory_space<vmem>>) offsets(%arg9 : memref<40xi32, #tpu.memory_space<vmem>>) semaphore(%arg15 : memref<!tpu.dma_semaphore, #tpu.memory_space<semaphore_mem>>)
      %dma_start3A_124 = arith.constant 0 : i32
      %dma_start3A_125 = arith.constant 0 : i32
      %dma_start3A_126 = tpu.memref_slice %arg3[%dma_start3A_124, %dma_start3A_125] : memref<10000x128xf32, #tpu.memory_space<hbm>> -> memref<10000x128xf32, #tpu.memory_space<hbm>>
      tpu.enqueue_indirect_dma source(%dma_start3A_126 : memref<10000x128xf32, #tpu.memory_space<hbm>>) target(%arg11 : memref<40x128xf32, #tpu.memory_space<vmem>>) offsets(%arg8 : memref<40xi32, #tpu.memory_space<vmem>>) semaphore(%arg15 : memref<!tpu.dma_semaphore, #tpu.memory_space<semaphore_mem>>)
      %dma_start3A_127 = arith.constant 0 : i32
      %dma_start3A_128 = arith.constant 0 : i32
      %dma_start3A_129 = tpu.memref_slice %arg4[%dma_start3A_127, %dma_start3A_128] : memref<10000x128xf32, #tpu.memory_space<hbm>> -> memref<10000x128xf32, #tpu.memory_space<hbm>>
      tpu.enqueue_indirect_dma source(%dma_start3A_129 : memref<10000x128xf32, #tpu.memory_space<hbm>>) target(%arg12 : memref<40x128xf32, #tpu.memory_space<vmem>>) offsets(%arg8 : memref<40xi32, #tpu.memory_space<vmem>>) semaphore(%arg15 : memref<!tpu.dma_semaphore, #tpu.memory_space<semaphore_mem>>)
      %dma_wait3A = arith.constant 0 : i32
      %dma_wait3A_130 = arith.constant 0 : i32
      %dma_wait3A_131 = tpu.memref_slice %arg2[%dma_wait3A, %dma_wait3A_130] : memref<10000x128xf32, #tpu.memory_space<hbm>> -> memref<10000x128xf32, #tpu.memory_space<hbm>>
      tpu.wait_indirect_dma semaphore(%arg15 : memref<!tpu.dma_semaphore, #tpu.memory_space<semaphore_mem>>) src(%dma_wait3A_131 : memref<10000x128xf32, #tpu.memory_space<hbm>>) dst(%arg10 : memref<40x128xf32, #tpu.memory_space<vmem>>)
      %dma_wait3A_132 = arith.constant 0 : i32
      %dma_wait3A_133 = arith.constant 0 : i32
      %dma_wait3A_134 = tpu.memref_slice %arg3[%dma_wait3A_132, %dma_wait3A_133] : memref<10000x128xf32, #tpu.memory_space<hbm>> -> memref<10000x128xf32, #tpu.memory_space<hbm>>
      tpu.wait_indirect_dma semaphore(%arg15 : memref<!tpu.dma_semaphore, #tpu.memory_space<semaphore_mem>>) src(%dma_wait3A_134 : memref<10000x128xf32, #tpu.memory_space<hbm>>) dst(%arg11 : memref<40x128xf32, #tpu.memory_space<vmem>>)
      %dma_wait3A_135 = arith.constant 0 : i32
      %dma_wait3A_136 = arith.constant 0 : i32
      %dma_wait3A_137 = tpu.memref_slice %arg4[%dma_wait3A_135, %dma_wait3A_136] : memref<10000x128xf32, #tpu.memory_space<hbm>> -> memref<10000x128xf32, #tpu.memory_space<hbm>>
      tpu.wait_indirect_dma semaphore(%arg15 : memref<!tpu.dma_semaphore, #tpu.memory_space<semaphore_mem>>) src(%dma_wait3A_137 : memref<10000x128xf32, #tpu.memory_space<hbm>>) dst(%arg12 : memref<40x128xf32, #tpu.memory_space<vmem>>)
      %scan3A_138 = arith.constant 0 : i32
      %scan3A_139 = arith.constant 0 : i32
      %scan3A_140 = arith.constant 40 : i32
      %scan3A_141 = arith.addi %scan3A_139, %scan3A_140 : i32
      %scan3A_142 = arith.constant 1 : i32
      scf.for %scan3A_144 = %scan3A_139 to %scan3A_141 step %scan3A_142  : i32 {
        %broadcast_in_dim3A_145 = arith.constant 0.000000e+00 : f32
        %broadcast_in_dim3A_146 = vector.broadcast %broadcast_in_dim3A_145 : f32 to vector<16xf32>
        %get3A = arith.index_cast %scan3A_144 : i32 to index
        %get3A_147 = arith.constant 0 : index
        %get3A_148 = tpu.vector_load %arg10[%get3A, %get3A_147] {strides = array<i32>} : memref<40x128xf32, #tpu.memory_space<vmem>>, vector<16xf32>,
        %get3A_149 = arith.index_cast %scan3A_144 : i32 to index
        %get3A_150 = arith.constant 0 : index
        %get3A_151 = tpu.vector_load %arg11[%get3A_149, %get3A_150] {strides = array<i32>} : memref<40x128xf32, #tpu.memory_space<vmem>>, vector<16xf32>,
        %mul3A_152 = arith.mulf %get3A_148, %get3A_151 : vector<16xf32>
        %reduce_sum3A = arith.constant true
        %reduce_sum3A_153 = vector.broadcast %reduce_sum3A : i1 to vector<16xi1>
        %reduce_sum3A_154 = tpu.scan <sum>, %mul3A_152 masked %reduce_sum3A_153 : vector<16xf32>, vector<16xi1> -> vector<16xf32>
        %reduce_sum3A_155 = vector.extract %reduce_sum3A_154[15] : f32 from vector<16xf32>
        %broadcast_in_dim3A_156 = vector.broadcast %reduce_sum3A_155 : f32 to vector<16xf32>
        %mul3A_157 = arith.constant 2.500000e-01 : f32
        %mul3A_158 = vector.broadcast %mul3A_157 : f32 to vector<16xf32>
        %mul3A_159 = arith.mulf %broadcast_in_dim3A_156, %mul3A_158 : vector<16xf32>
        %exp3A = math.exp %mul3A_159 : vector<16xf32>
        %get3A_160 = arith.index_cast %scan3A_144 : i32 to index
        %get3A_161 = arith.constant 0 : index
        %get3A_162 = tpu.vector_load %arg12[%get3A_160, %get3A_161] {strides = array<i32>} : memref<40x128xf32, #tpu.memory_space<vmem>>, vector<16xf32>,
        %mul3A_163 = arith.mulf %exp3A, %get3A_162 : vector<16xf32>
        %swap3A = arith.index_cast %scan3A_144 : i32 to index
        %swap3A_164 = arith.constant 0 : index
        %swap3A_165 = tpu.vector_load %arg13[%swap3A, %swap3A_164] {strides = array<i32>} : memref<40x144xf32, #tpu.memory_space<vmem>>, vector<16xf32>,
        tpu.vector_store %arg13[%swap3A, %swap3A_164], %mul3A_163 {strides = array<i32>} : memref<40x144xf32, #tpu.memory_space<vmem>>, vector<16xf32>,
        %eq3A = arith.constant 0 : i32
        %eq3A_166 = vector.broadcast %eq3A : i32 to vector<16xi32>
        %eq3A_167 = arith.cmpi eq, %iota3A, %eq3A_166 : vector<16xi32>
        %select_n3A = arith.select %eq3A_167, %exp3A, %broadcast_in_dim3A_146 : vector<16xi1>, vector<16xf32>
        %get3A_168 = arith.index_cast %scan3A_144 : i32 to index
        %get3A_169 = arith.constant 16 : index
        %get3A_170 = tpu.vector_load %arg10[%get3A_168, %get3A_169] {strides = array<i32>} : memref<40x128xf32, #tpu.memory_space<vmem>>, vector<16xf32>,
        %get3A_171 = arith.index_cast %scan3A_144 : i32 to index
        %get3A_172 = arith.constant 16 : index
        %get3A_173 = tpu.vector_load %arg11[%get3A_171, %get3A_172] {strides = array<i32>} : memref<40x128xf32, #tpu.memory_space<vmem>>, vector<16xf32>,
        %mul3A_174 = arith.mulf %get3A_170, %get3A_173 : vector<16xf32>
        %reduce_sum3A_175 = arith.constant true
        %reduce_sum3A_176 = vector.broadcast %reduce_sum3A_175 : i1 to vector<16xi1>
        %reduce_sum3A_177 = tpu.scan <sum>, %mul3A_174 masked %reduce_sum3A_176 : vector<16xf32>, vector<16xi1> -> vector<16xf32>
        %reduce_sum3A_178 = vector.extract %reduce_sum3A_177[15] : f32 from vector<16xf32>
        %broadcast_in_dim3A_179 = vector.broadcast %reduce_sum3A_178 : f32 to vector<16xf32>
        %mul3A_180 = arith.constant 2.500000e-01 : f32
        %mul3A_181 = vector.broadcast %mul3A_180 : f32 to vector<16xf32>
        %mul3A_182 = arith.mulf %broadcast_in_dim3A_179, %mul3A_181 : vector<16xf32>
        %exp3A_183 = math.exp %mul3A_182 : vector<16xf32>
        %get3A_184 = arith.index_cast %scan3A_144 : i32 to index
        %get3A_185 = arith.constant 16 : index
        %get3A_186 = tpu.vector_load %arg12[%get3A_184, %get3A_185] {strides = array<i32>} : memref<40x128xf32, #tpu.memory_space<vmem>>, vector<16xf32>,
        %mul3A_187 = arith.mulf %exp3A_183, %get3A_186 : vector<16xf32>
        %swap3A_188 = arith.index_cast %scan3A_144 : i32 to index
        %swap3A_189 = arith.constant 16 : index
        %swap3A_190 = tpu.vector_load %arg13[%swap3A_188, %swap3A_189] {strides = array<i32>} : memref<40x144xf32, #tpu.memory_space<vmem>>, vector<16xf32>,
        tpu.vector_store %arg13[%swap3A_188, %swap3A_189], %mul3A_187 {strides = array<i32>} : memref<40x144xf32, #tpu.memory_space<vmem>>, vector<16xf32>,
        %eq3A_191 = arith.constant 1 : i32
        %eq3A_192 = vector.broadcast %eq3A_191 : i32 to vector<16xi32>
        %eq3A_193 = arith.cmpi eq, %iota3A, %eq3A_192 : vector<16xi32>
        %select_n3A_194 = arith.select %eq3A_193, %exp3A_183, %select_n3A : vector<16xi1>, vector<16xf32>
        %get3A_195 = arith.index_cast %scan3A_144 : i32 to index
        %get3A_196 = arith.constant 32 : index
        %get3A_197 = tpu.vector_load %arg10[%get3A_195, %get3A_196] {strides = array<i32>} : memref<40x128xf32, #tpu.memory_space<vmem>>, vector<16xf32>,
        %get3A_198 = arith.index_cast %scan3A_144 : i32 to index
        %get3A_199 = arith.constant 32 : index
        %get3A_200 = tpu.vector_load %arg11[%get3A_198, %get3A_199] {strides = array<i32>} : memref<40x128xf32, #tpu.memory_space<vmem>>, vector<16xf32>,
        %mul3A_201 = arith.mulf %get3A_197, %get3A_200 : vector<16xf32>
        %reduce_sum3A_202 = arith.constant true
        %reduce_sum3A_203 = vector.broadcast %reduce_sum3A_202 : i1 to vector<16xi1>
        %reduce_sum3A_204 = tpu.scan <sum>, %mul3A_201 masked %reduce_sum3A_203 : vector<16xf32>, vector<16xi1> -> vector<16xf32>
        %reduce_sum3A_205 = vector.extract %reduce_sum3A_204[15] : f32 from vector<16xf32>
        %broadcast_in_dim3A_206 = vector.broadcast %reduce_sum3A_205 : f32 to vector<16xf32>
        %mul3A_207 = arith.constant 2.500000e-01 : f32
        %mul3A_208 = vector.broadcast %mul3A_207 : f32 to vector<16xf32>
        %mul3A_209 = arith.mulf %broadcast_in_dim3A_206, %mul3A_208 : vector<16xf32>
        %exp3A_210 = math.exp %mul3A_209 : vector<16xf32>
        %get3A_211 = arith.index_cast %scan3A_144 : i32 to index
        %get3A_212 = arith.constant 32 : index
        %get3A_213 = tpu.vector_load %arg12[%get3A_211, %get3A_212] {strides = array<i32>} : memref<40x128xf32, #tpu.memory_space<vmem>>, vector<16xf32>,
        %mul3A_214 = arith.mulf %exp3A_210, %get3A_213 : vector<16xf32>
        %swap3A_215 = arith.index_cast %scan3A_144 : i32 to index
        %swap3A_216 = arith.constant 32 : index
        %swap3A_217 = tpu.vector_load %arg13[%swap3A_215, %swap3A_216] {strides = array<i32>} : memref<40x144xf32, #tpu.memory_space<vmem>>, vector<16xf32>,
        tpu.vector_store %arg13[%swap3A_215, %swap3A_216], %mul3A_214 {strides = array<i32>} : memref<40x144xf32, #tpu.memory_space<vmem>>, vector<16xf32>,
        %eq3A_218 = arith.constant 2 : i32
        %eq3A_219 = vector.broadcast %eq3A_218 : i32 to vector<16xi32>
        %eq3A_220 = arith.cmpi eq, %iota3A, %eq3A_219 : vector<16xi32>
        %select_n3A_221 = arith.select %eq3A_220, %exp3A_210, %select_n3A_194 : vector<16xi1>, vector<16xf32>
        %get3A_222 = arith.index_cast %scan3A_144 : i32 to index
        %get3A_223 = arith.constant 48 : index
        %get3A_224 = tpu.vector_load %arg10[%get3A_222, %get3A_223] {strides = array<i32>} : memref<40x128xf32, #tpu.memory_space<vmem>>, vector<16xf32>,
        %get3A_225 = arith.index_cast %scan3A_144 : i32 to index
        %get3A_226 = arith.constant 48 : index
        %get3A_227 = tpu.vector_load %arg11[%get3A_225, %get3A_226] {strides = array<i32>} : memref<40x128xf32, #tpu.memory_space<vmem>>, vector<16xf32>,
        %mul3A_228 = arith.mulf %get3A_224, %get3A_227 : vector<16xf32>
        %reduce_sum3A_229 = arith.constant true
        %reduce_sum3A_230 = vector.broadcast %reduce_sum3A_229 : i1 to vector<16xi1>
        %reduce_sum3A_231 = tpu.scan <sum>, %mul3A_228 masked %reduce_sum3A_230 : vector<16xf32>, vector<16xi1> -> vector<16xf32>
        %reduce_sum3A_232 = vector.extract %reduce_sum3A_231[15] : f32 from vector<16xf32>
        %broadcast_in_dim3A_233 = vector.broadcast %reduce_sum3A_232 : f32 to vector<16xf32>
        %mul3A_234 = arith.constant 2.500000e-01 : f32
        %mul3A_235 = vector.broadcast %mul3A_234 : f32 to vector<16xf32>
        %mul3A_236 = arith.mulf %broadcast_in_dim3A_233, %mul3A_235 : vector<16xf32>
        %exp3A_237 = math.exp %mul3A_236 : vector<16xf32>
        %get3A_238 = arith.index_cast %scan3A_144 : i32 to index
        %get3A_239 = arith.constant 48 : index
        %get3A_240 = tpu.vector_load %arg12[%get3A_238, %get3A_239] {strides = array<i32>} : memref<40x128xf32, #tpu.memory_space<vmem>>, vector<16xf32>,
        %mul3A_241 = arith.mulf %exp3A_237, %get3A_240 : vector<16xf32>
        %swap3A_242 = arith.index_cast %scan3A_144 : i32 to index
        %swap3A_243 = arith.constant 48 : index
        %swap3A_244 = tpu.vector_load %arg13[%swap3A_242, %swap3A_243] {strides = array<i32>} : memref<40x144xf32, #tpu.memory_space<vmem>>, vector<16xf32>,
        tpu.vector_store %arg13[%swap3A_242, %swap3A_243], %mul3A_241 {strides = array<i32>} : memref<40x144xf32, #tpu.memory_space<vmem>>, vector<16xf32>,
        %eq3A_245 = arith.constant 3 : i32
        %eq3A_246 = vector.broadcast %eq3A_245 : i32 to vector<16xi32>
        %eq3A_247 = arith.cmpi eq, %iota3A, %eq3A_246 : vector<16xi32>
        %select_n3A_248 = arith.select %eq3A_247, %exp3A_237, %select_n3A_221 : vector<16xi1>, vector<16xf32>
        %get3A_249 = arith.index_cast %scan3A_144 : i32 to index
        %get3A_250 = arith.constant 64 : index
        %get3A_251 = tpu.vector_load %arg10[%get3A_249, %get3A_250] {strides = array<i32>} : memref<40x128xf32, #tpu.memory_space<vmem>>, vector<16xf32>,
        %get3A_252 = arith.index_cast %scan3A_144 : i32 to index
        %get3A_253 = arith.constant 64 : index
        %get3A_254 = tpu.vector_load %arg11[%get3A_252, %get3A_253] {strides = array<i32>} : memref<40x128xf32, #tpu.memory_space<vmem>>, vector<16xf32>,
        %mul3A_255 = arith.mulf %get3A_251, %get3A_254 : vector<16xf32>
        %reduce_sum3A_256 = arith.constant true
        %reduce_sum3A_257 = vector.broadcast %reduce_sum3A_256 : i1 to vector<16xi1>
        %reduce_sum3A_258 = tpu.scan <sum>, %mul3A_255 masked %reduce_sum3A_257 : vector<16xf32>, vector<16xi1> -> vector<16xf32>
        %reduce_sum3A_259 = vector.extract %reduce_sum3A_258[15] : f32 from vector<16xf32>
        %broadcast_in_dim3A_260 = vector.broadcast %reduce_sum3A_259 : f32 to vector<16xf32>
        %mul3A_261 = arith.constant 2.500000e-01 : f32
        %mul3A_262 = vector.broadcast %mul3A_261 : f32 to vector<16xf32>
        %mul3A_263 = arith.mulf %broadcast_in_dim3A_260, %mul3A_262 : vector<16xf32>
        %exp3A_264 = math.exp %mul3A_263 : vector<16xf32>
        %get3A_265 = arith.index_cast %scan3A_144 : i32 to index
        %get3A_266 = arith.constant 64 : index
        %get3A_267 = tpu.vector_load %arg12[%get3A_265, %get3A_266] {strides = array<i32>} : memref<40x128xf32, #tpu.memory_space<vmem>>, vector<16xf32>,
        %mul3A_268 = arith.mulf %exp3A_264, %get3A_267 : vector<16xf32>
        %swap3A_269 = arith.index_cast %scan3A_144 : i32 to index
        %swap3A_270 = arith.constant 64 : index
        %swap3A_271 = tpu.vector_load %arg13[%swap3A_269, %swap3A_270] {strides = array<i32>} : memref<40x144xf32, #tpu.memory_space<vmem>>, vector<16xf32>,
        tpu.vector_store %arg13[%swap3A_269, %swap3A_270], %mul3A_268 {strides = array<i32>} : memref<40x144xf32, #tpu.memory_space<vmem>>, vector<16xf32>,
        %eq3A_272 = arith.constant 4 : i32
        %eq3A_273 = vector.broadcast %eq3A_272 : i32 to vector<16xi32>
        %eq3A_274 = arith.cmpi eq, %iota3A, %eq3A_273 : vector<16xi32>
        %select_n3A_275 = arith.select %eq3A_274, %exp3A_264, %select_n3A_248 : vector<16xi1>, vector<16xf32>
        %get3A_276 = arith.index_cast %scan3A_144 : i32 to index
        %get3A_277 = arith.constant 80 : index
        %get3A_278 = tpu.vector_load %arg10[%get3A_276, %get3A_277] {strides = array<i32>} : memref<40x128xf32, #tpu.memory_space<vmem>>, vector<16xf32>,
        %get3A_279 = arith.index_cast %scan3A_144 : i32 to index
        %get3A_280 = arith.constant 80 : index
        %get3A_281 = tpu.vector_load %arg11[%get3A_279, %get3A_280] {strides = array<i32>} : memref<40x128xf32, #tpu.memory_space<vmem>>, vector<16xf32>,
        %mul3A_282 = arith.mulf %get3A_278, %get3A_281 : vector<16xf32>
        %reduce_sum3A_283 = arith.constant true
        %reduce_sum3A_284 = vector.broadcast %reduce_sum3A_283 : i1 to vector<16xi1>
        %reduce_sum3A_285 = tpu.scan <sum>, %mul3A_282 masked %reduce_sum3A_284 : vector<16xf32>, vector<16xi1> -> vector<16xf32>
        %reduce_sum3A_286 = vector.extract %reduce_sum3A_285[15] : f32 from vector<16xf32>
        %broadcast_in_dim3A_287 = vector.broadcast %reduce_sum3A_286 : f32 to vector<16xf32>
        %mul3A_288 = arith.constant 2.500000e-01 : f32
        %mul3A_289 = vector.broadcast %mul3A_288 : f32 to vector<16xf32>
        %mul3A_290 = arith.mulf %broadcast_in_dim3A_287, %mul3A_289 : vector<16xf32>
        %exp3A_291 = math.exp %mul3A_290 : vector<16xf32>
        %get3A_292 = arith.index_cast %scan3A_144 : i32 to index
        %get3A_293 = arith.constant 80 : index
        %get3A_294 = tpu.vector_load %arg12[%get3A_292, %get3A_293] {strides = array<i32>} : memref<40x128xf32, #tpu.memory_space<vmem>>, vector<16xf32>,
        %mul3A_295 = arith.mulf %exp3A_291, %get3A_294 : vector<16xf32>
        %swap3A_296 = arith.index_cast %scan3A_144 : i32 to index
        %swap3A_297 = arith.constant 80 : index
        %swap3A_298 = tpu.vector_load %arg13[%swap3A_296, %swap3A_297] {strides = array<i32>} : memref<40x144xf32, #tpu.memory_space<vmem>>, vector<16xf32>,
        tpu.vector_store %arg13[%swap3A_296, %swap3A_297], %mul3A_295 {strides = array<i32>} : memref<40x144xf32, #tpu.memory_space<vmem>>, vector<16xf32>,
        %eq3A_299 = arith.constant 5 : i32
        %eq3A_300 = vector.broadcast %eq3A_299 : i32 to vector<16xi32>
        %eq3A_301 = arith.cmpi eq, %iota3A, %eq3A_300 : vector<16xi32>
        %select_n3A_302 = arith.select %eq3A_301, %exp3A_291, %select_n3A_275 : vector<16xi1>, vector<16xf32>
        %get3A_303 = arith.index_cast %scan3A_144 : i32 to index
        %get3A_304 = arith.constant 96 : index
        %get3A_305 = tpu.vector_load %arg10[%get3A_303, %get3A_304] {strides = array<i32>} : memref<40x128xf32, #tpu.memory_space<vmem>>, vector<16xf32>,
        %get3A_306 = arith.index_cast %scan3A_144 : i32 to index
        %get3A_307 = arith.constant 96 : index
        %get3A_308 = tpu.vector_load %arg11[%get3A_306, %get3A_307] {strides = array<i32>} : memref<40x128xf32, #tpu.memory_space<vmem>>, vector<16xf32>,
        %mul3A_309 = arith.mulf %get3A_305, %get3A_308 : vector<16xf32>
        %reduce_sum3A_310 = arith.constant true
        %reduce_sum3A_311 = vector.broadcast %reduce_sum3A_310 : i1 to vector<16xi1>
        %reduce_sum3A_312 = tpu.scan <sum>, %mul3A_309 masked %reduce_sum3A_311 : vector<16xf32>, vector<16xi1> -> vector<16xf32>
        %reduce_sum3A_313 = vector.extract %reduce_sum3A_312[15] : f32 from vector<16xf32>
        %broadcast_in_dim3A_314 = vector.broadcast %reduce_sum3A_313 : f32 to vector<16xf32>
        %mul3A_315 = arith.constant 2.500000e-01 : f32
        %mul3A_316 = vector.broadcast %mul3A_315 : f32 to vector<16xf32>
        %mul3A_317 = arith.mulf %broadcast_in_dim3A_314, %mul3A_316 : vector<16xf32>
        %exp3A_318 = math.exp %mul3A_317 : vector<16xf32>
        %get3A_319 = arith.index_cast %scan3A_144 : i32 to index
        %get3A_320 = arith.constant 96 : index
        %get3A_321 = tpu.vector_load %arg12[%get3A_319, %get3A_320] {strides = array<i32>} : memref<40x128xf32, #tpu.memory_space<vmem>>, vector<16xf32>,
        %mul3A_322 = arith.mulf %exp3A_318, %get3A_321 : vector<16xf32>
        %swap3A_323 = arith.index_cast %scan3A_144 : i32 to index
        %swap3A_324 = arith.constant 96 : index
        %swap3A_325 = tpu.vector_load %arg13[%swap3A_323, %swap3A_324] {strides = array<i32>} : memref<40x144xf32, #tpu.memory_space<vmem>>, vector<16xf32>,
        tpu.vector_store %arg13[%swap3A_323, %swap3A_324], %mul3A_322 {strides = array<i32>} : memref<40x144xf32, #tpu.memory_space<vmem>>, vector<16xf32>,
        %eq3A_326 = arith.constant 6 : i32
        %eq3A_327 = vector.broadcast %eq3A_326 : i32 to vector<16xi32>
        %eq3A_328 = arith.cmpi eq, %iota3A, %eq3A_327 : vector<16xi32>
        %select_n3A_329 = arith.select %eq3A_328, %exp3A_318, %select_n3A_302 : vector<16xi1>, vector<16xf32>
        %get3A_330 = arith.index_cast %scan3A_144 : i32 to index
        %get3A_331 = arith.constant 112 : index
        %get3A_332 = tpu.vector_load %arg10[%get3A_330, %get3A_331] {strides = array<i32>} : memref<40x128xf32, #tpu.memory_space<vmem>>, vector<16xf32>,
        %get3A_333 = arith.index_cast %scan3A_144 : i32 to index
        %get3A_334 = arith.constant 112 : index
        %get3A_335 = tpu.vector_load %arg11[%get3A_333, %get3A_334] {strides = array<i32>} : memref<40x128xf32, #tpu.memory_space<vmem>>, vector<16xf32>,
        %mul3A_336 = arith.mulf %get3A_332, %get3A_335 : vector<16xf32>
        %reduce_sum3A_337 = arith.constant true
        %reduce_sum3A_338 = vector.broadcast %reduce_sum3A_337 : i1 to vector<16xi1>
        %reduce_sum3A_339 = tpu.scan <sum>, %mul3A_336 masked %reduce_sum3A_338 : vector<16xf32>, vector<16xi1> -> vector<16xf32>
        %reduce_sum3A_340 = vector.extract %reduce_sum3A_339[15] : f32 from vector<16xf32>
        %broadcast_in_dim3A_341 = vector.broadcast %reduce_sum3A_340 : f32 to vector<16xf32>
        %mul3A_342 = arith.constant 2.500000e-01 : f32
        %mul3A_343 = vector.broadcast %mul3A_342 : f32 to vector<16xf32>
        %mul3A_344 = arith.mulf %broadcast_in_dim3A_341, %mul3A_343 : vector<16xf32>
        %exp3A_345 = math.exp %mul3A_344 : vector<16xf32>
        %get3A_346 = arith.index_cast %scan3A_144 : i32 to index
        %get3A_347 = arith.constant 112 : index
        %get3A_348 = tpu.vector_load %arg12[%get3A_346, %get3A_347] {strides = array<i32>} : memref<40x128xf32, #tpu.memory_space<vmem>>, vector<16xf32>,
        %mul3A_349 = arith.mulf %exp3A_345, %get3A_348 : vector<16xf32>
        %swap3A_350 = arith.index_cast %scan3A_144 : i32 to index
        %swap3A_351 = arith.constant 112 : index
        %swap3A_352 = tpu.vector_load %arg13[%swap3A_350, %swap3A_351] {strides = array<i32>} : memref<40x144xf32, #tpu.memory_space<vmem>>, vector<16xf32>,
        tpu.vector_store %arg13[%swap3A_350, %swap3A_351], %mul3A_349 {strides = array<i32>} : memref<40x144xf32, #tpu.memory_space<vmem>>, vector<16xf32>,
        %eq3A_353 = arith.constant 7 : i32
        %eq3A_354 = vector.broadcast %eq3A_353 : i32 to vector<16xi32>
        %eq3A_355 = arith.cmpi eq, %iota3A, %eq3A_354 : vector<16xi32>
        %select_n3A_356 = arith.select %eq3A_355, %exp3A_345, %select_n3A_329 : vector<16xi1>, vector<16xf32>
        %swap3A_357 = arith.index_cast %scan3A_144 : i32 to index
        %swap3A_358 = arith.constant 128 : index
        %swap3A_359 = tpu.vector_load %arg13[%swap3A_357, %swap3A_358] {strides = array<i32>} : memref<40x144xf32, #tpu.memory_space<vmem>>, vector<16xf32>,
        tpu.vector_store %arg13[%swap3A_357, %swap3A_358], %select_n3A_356 {strides = array<i32>} : memref<40x144xf32, #tpu.memory_space<vmem>>, vector<16xf32>,
      }
      %scan3A_143 = arith.constant 40 : i32
      "tpu.region"() ({
        %run_scoped3A = tpu.sem_alloc : memref<!tpu.dma_semaphore, #tpu.memory_space<semaphore_mem>>
        %dma_start3A_144 = arith.constant 0 : i32
        %dma_start3A_145 = arith.constant 0 : i32
        %dma_start3A_146 = tpu.memref_slice %arg16[%dma_start3A_144, %dma_start3A_145] : memref<10000x144xf32, #tpu.memory_space<vmem_shared>> -> memref<10000x144xf32, #tpu.memory_space<vmem_shared>>
        tpu.enqueue_indirect_dma source(%arg13 : memref<40x144xf32, #tpu.memory_space<vmem>>) target(%dma_start3A_146 : memref<10000x144xf32, #tpu.memory_space<vmem_shared>>) offsets(%arg9 : memref<40xi32, #tpu.memory_space<vmem>>) semaphore(%run_scoped3A : memref<!tpu.dma_semaphore, #tpu.memory_space<semaphore_mem>>) {add = true}
        %dma_wait3A_147 = arith.constant 0 : i32
        %dma_wait3A_148 = arith.constant 0 : i32
        %dma_wait3A_149 = tpu.memref_slice %arg16[%dma_wait3A_147, %dma_wait3A_148] : memref<10000x144xf32, #tpu.memory_space<vmem_shared>> -> memref<10000x144xf32, #tpu.memory_space<vmem_shared>>
        tpu.wait_indirect_dma semaphore(%run_scoped3A : memref<!tpu.dma_semaphore, #tpu.memory_space<semaphore_mem>>) src(%arg13 : memref<40x144xf32, #tpu.memory_space<vmem>>) dst(%dma_wait3A_149 : memref<10000x144xf32, #tpu.memory_space<vmem_shared>>)
        tpu.yield
      }) : () -> ()
    }
    %scan3A_66 = arith.constant 250 : i32
    %barrier3A_67 = arith.constant 0 : index
    tpu.barrier barrier_id(%barrier3A_67)
    %add3A_68 = arith.constant 0 : i32
    %add3A_69 = arith.addi %mul3A_8, %add3A_68 : i32
    "tpu.region"() ({
      %run_scoped3A = tpu.sem_alloc : memref<!tpu.dma_semaphore, #tpu.memory_space<semaphore_mem>>
      %dma_start3A = arith.constant 0 : i32
      %dma_start3A_118 = tpu.memref_slice %arg16[%add3A_69, %dma_start3A] : memref<10000x144xf32, #tpu.memory_space<vmem_shared>> -> memref<25x144xf32, #tpu.memory_space<vmem_shared>>
      %dma_start3A_119 = arith.constant 0 : i32
      %dma_start3A_120 = tpu.memref_slice %arg16[%add3A_69, %dma_start3A_119] : memref<10000x144xf32, #tpu.memory_space<vmem_shared>> -> memref<25x144xf32, #tpu.memory_space<vmem_shared>>
      tpu.enqueue_dma source(%dma_start3A_120 : memref<25x144xf32, #tpu.memory_space<vmem_shared>>) target(%arg14 : memref<25x144xf32, #tpu.memory_space<vmem>>) target_semaphore(%run_scoped3A : memref<!tpu.dma_semaphore, #tpu.memory_space<semaphore_mem>>)
      %dma_wait3A = arith.constant 0 : i32
      %dma_wait3A_121 = tpu.memref_slice %arg16[%add3A_69, %dma_wait3A] : memref<10000x144xf32, #tpu.memory_space<vmem_shared>> -> memref<25x144xf32, #tpu.memory_space<vmem_shared>>
      %dma_wait3A_122 = arith.constant 0 : i32
      %dma_wait3A_123 = tpu.memref_slice %arg16[%add3A_69, %dma_wait3A_122] : memref<10000x144xf32, #tpu.memory_space<vmem_shared>> -> memref<25x144xf32, #tpu.memory_space<vmem_shared>>
      tpu.wait_dma2 semaphore(%run_scoped3A : memref<!tpu.dma_semaphore, #tpu.memory_space<semaphore_mem>>) src(%dma_wait3A_123 : memref<25x144xf32, #tpu.memory_space<vmem_shared>>) dst(%arg14 : memref<25x144xf32, #tpu.memory_space<vmem>>)
      tpu.yield
    }) : () -> ()
    "tpu.region"() ({
      %run_scoped3A = tpu.sem_alloc : memref<!tpu.dma_semaphore, #tpu.memory_space<semaphore_mem>>
      %dma_start3A = arith.constant 0 : i32
      %dma_start3A_118 = arith.constant 0 : i32
      %dma_start3A_119 = tpu.memref_slice %arg7[%arg0, %dma_start3A, %dma_start3A_118] : memref<2x10000x144xf32, #tpu.memory_space<hbm>> -> memref<1x10000x144xf32, #tpu.memory_space<hbm>>
      %dma_start3A_120 = tpu.memref_squeeze %dma_start3A_119 : memref<1x10000x144xf32, #tpu.memory_space<hbm>> -> memref<10000x144xf32, #tpu.memory_space<hbm>>
      %dma_start3A_121 = arith.constant 0 : i32
      %dma_start3A_122 = tpu.memref_slice %dma_start3A_120[%add3A_69, %dma_start3A_121] : memref<10000x144xf32, #tpu.memory_space<hbm>> -> memref<25x144xf32, #tpu.memory_space<hbm>>
      %dma_start3A_123 = arith.constant 0 : i32
      %dma_start3A_124 = arith.constant 0 : i32
      %dma_start3A_125 = tpu.memref_slice %arg7[%arg0, %dma_start3A_123, %dma_start3A_124] : memref<2x10000x144xf32, #tpu.memory_space<hbm>> -> memref<1x10000x144xf32, #tpu.memory_space<hbm>>
      %dma_start3A_126 = tpu.memref_squeeze %dma_start3A_125 : memref<1x10000x144xf32, #tpu.memory_space<hbm>> -> memref<10000x144xf32, #tpu.memory_space<hbm>>
      %dma_start3A_127 = arith.constant 0 : i32
      %dma_start3A_128 = tpu.memref_slice %dma_start3A_126[%add3A_69, %dma_start3A_127] : memref<10000x144xf32, #tpu.memory_space<hbm>> -> memref<25x144xf32, #tpu.memory_space<hbm>>
      tpu.enqueue_dma source(%arg14 : memref<25x144xf32, #tpu.memory_space<vmem>>) target(%dma_start3A_128 : memref<25x144xf32, #tpu.memory_space<hbm>>) target_semaphore(%run_scoped3A : memref<!tpu.dma_semaphore, #tpu.memory_space<semaphore_mem>>)
      %dma_wait3A = arith.constant 0 : i32
      %dma_wait3A_129 = arith.constant 0 : i32
      %dma_wait3A_130 = tpu.memref_slice %arg7[%arg0, %dma_wait3A, %dma_wait3A_129] : memref<2x10000x144xf32, #tpu.memory_space<hbm>> -> memref<1x10000x144xf32, #tpu.memory_space<hbm>>
      %dma_wait3A_131 = tpu.memref_squeeze %dma_wait3A_130 : memref<1x10000x144xf32, #tpu.memory_space<hbm>> -> memref<10000x144xf32, #tpu.memory_space<hbm>>
      %dma_wait3A_132 = arith.constant 0 : i32
      %dma_wait3A_133 = tpu.memref_slice %dma_wait3A_131[%add3A_69, %dma_wait3A_132] : memref<10000x144xf32, #tpu.memory_space<hbm>> -> memref<25x144xf32, #tpu.memory_space<hbm>>
      %dma_wait3A_134 = arith.constant 0 : i32
      %dma_wait3A_135 = arith.constant 0 : i32
      %dma_wait3A_136 = tpu.memref_slice %arg7[%arg0, %dma_wait3A_134, %dma_wait3A_135] : memref<2x10000x144xf32, #tpu.memory_space<hbm>> -> memref<1x10000x144xf32, #tpu.memory_space<hbm>>
      %dma_wait3A_137 = tpu.memref_squeeze %dma_wait3A_136 : memref<1x10000x144xf32, #tpu.memory_space<hbm>> -> memref<10000x144xf32, #tpu.memory_space<hbm>>
      %dma_wait3A_138 = arith.constant 0 : i32
      %dma_wait3A_139 = tpu.memref_slice %dma_wait3A_137[%add3A_69, %dma_wait3A_138] : memref<10000x144xf32, #tpu.memory_space<hbm>> -> memref<25x144xf32, #tpu.memory_space<hbm>>
      tpu.wait_dma2 semaphore(%run_scoped3A : memref<!tpu.dma_semaphore, #tpu.memory_space<semaphore_mem>>) src(%arg14 : memref<25x144xf32, #tpu.memory_space<vmem>>) dst(%dma_wait3A_139 : memref<25x144xf32, #tpu.memory_space<hbm>>)
      tpu.yield
    }) : () -> ()
    %add3A_70 = arith.constant 25 : i32
    %add3A_71 = arith.addi %mul3A_8, %add3A_70 : i32
    "tpu.region"() ({
      %run_scoped3A = tpu.sem_alloc : memref<!tpu.dma_semaphore, #tpu.memory_space<semaphore_mem>>
      %dma_start3A = arith.constant 0 : i32
      %dma_start3A_118 = tpu.memref_slice %arg16[%add3A_71, %dma_start3A] : memref<10000x144xf32, #tpu.memory_space<vmem_shared>> -> memref<25x144xf32, #tpu.memory_space<vmem_shared>>
      %dma_start3A_119 = arith.constant 0 : i32
      %dma_start3A_120 = tpu.memref_slice %arg16[%add3A_71, %dma_start3A_119] : memref<10000x144xf32, #tpu.memory_space<vmem_shared>> -> memref<25x144xf32, #tpu.memory_space<vmem_shared>>
      tpu.enqueue_dma source(%dma_start3A_120 : memref<25x144xf32, #tpu.memory_space<vmem_shared>>) target(%arg14 : memref<25x144xf32, #tpu.memory_space<vmem>>) target_semaphore(%run_scoped3A : memref<!tpu.dma_semaphore, #tpu.memory_space<semaphore_mem>>)
      %dma_wait3A = arith.constant 0 : i32
      %dma_wait3A_121 = tpu.memref_slice %arg16[%add3A_71, %dma_wait3A] : memref<10000x144xf32, #tpu.memory_space<vmem_shared>> -> memref<25x144xf32, #tpu.memory_space<vmem_shared>>
      %dma_wait3A_122 = arith.constant 0 : i32
      %dma_wait3A_123 = tpu.memref_slice %arg16[%add3A_71, %dma_wait3A_122] : memref<10000x144xf32, #tpu.memory_space<vmem_shared>> -> memref<25x144xf32, #tpu.memory_space<vmem_shared>>
      tpu.wait_dma2 semaphore(%run_scoped3A : memref<!tpu.dma_semaphore, #tpu.memory_space<semaphore_mem>>) src(%dma_wait3A_123 : memref<25x144xf32, #tpu.memory_space<vmem_shared>>) dst(%arg14 : memref<25x144xf32, #tpu.memory_space<vmem>>)
      tpu.yield
    }) : () -> ()
    "tpu.region"() ({
      %run_scoped3A = tpu.sem_alloc : memref<!tpu.dma_semaphore, #tpu.memory_space<semaphore_mem>>
      %dma_start3A = arith.constant 0 : i32
      %dma_start3A_118 = arith.constant 0 : i32
      %dma_start3A_119 = tpu.memref_slice %arg7[%arg0, %dma_start3A, %dma_start3A_118] : memref<2x10000x144xf32, #tpu.memory_space<hbm>> -> memref<1x10000x144xf32, #tpu.memory_space<hbm>>
      %dma_start3A_120 = tpu.memref_squeeze %dma_start3A_119 : memref<1x10000x144xf32, #tpu.memory_space<hbm>> -> memref<10000x144xf32, #tpu.memory_space<hbm>>
      %dma_start3A_121 = arith.constant 0 : i32
      %dma_start3A_122 = tpu.memref_slice %dma_start3A_120[%add3A_71, %dma_start3A_121] : memref<10000x144xf32, #tpu.memory_space<hbm>> -> memref<25x144xf32, #tpu.memory_space<hbm>>
      %dma_start3A_123 = arith.constant 0 : i32
      %dma_start3A_124 = arith.constant 0 : i32
      %dma_start3A_125 = tpu.memref_slice %arg7[%arg0, %dma_start3A_123, %dma_start3A_124] : memref<2x10000x144xf32, #tpu.memory_space<hbm>> -> memref<1x10000x144xf32, #tpu.memory_space<hbm>>
      %dma_start3A_126 = tpu.memref_squeeze %dma_start3A_125 : memref<1x10000x144xf32, #tpu.memory_space<hbm>> -> memref<10000x144xf32, #tpu.memory_space<hbm>>
      %dma_start3A_127 = arith.constant 0 : i32
      %dma_start3A_128 = tpu.memref_slice %dma_start3A_126[%add3A_71, %dma_start3A_127] : memref<10000x144xf32, #tpu.memory_space<hbm>> -> memref<25x144xf32, #tpu.memory_space<hbm>>
      tpu.enqueue_dma source(%arg14 : memref<25x144xf32, #tpu.memory_space<vmem>>) target(%dma_start3A_128 : memref<25x144xf32, #tpu.memory_space<hbm>>) target_semaphore(%run_scoped3A : memref<!tpu.dma_semaphore, #tpu.memory_space<semaphore_mem>>)
      %dma_wait3A = arith.constant 0 : i32
      %dma_wait3A_129 = arith.constant 0 : i32
      %dma_wait3A_130 = tpu.memref_slice %arg7[%arg0, %dma_wait3A, %dma_wait3A_129] : memref<2x10000x144xf32, #tpu.memory_space<hbm>> -> memref<1x10000x144xf32, #tpu.memory_space<hbm>>
      %dma_wait3A_131 = tpu.memref_squeeze %dma_wait3A_130 : memref<1x10000x144xf32, #tpu.memory_space<hbm>> -> memref<10000x144xf32, #tpu.memory_space<hbm>>
      %dma_wait3A_132 = arith.constant 0 : i32
      %dma_wait3A_133 = tpu.memref_slice %dma_wait3A_131[%add3A_71, %dma_wait3A_132] : memref<10000x144xf32, #tpu.memory_space<hbm>> -> memref<25x144xf32, #tpu.memory_space<hbm>>
      %dma_wait3A_134 = arith.constant 0 : i32
      %dma_wait3A_135 = arith.constant 0 : i32
      %dma_wait3A_136 = tpu.memref_slice %arg7[%arg0, %dma_wait3A_134, %dma_wait3A_135] : memref<2x10000x144xf32, #tpu.memory_space<hbm>> -> memref<1x10000x144xf32, #tpu.memory_space<hbm>>
      %dma_wait3A_137 = tpu.memref_squeeze %dma_wait3A_136 : memref<1x10000x144xf32, #tpu.memory_space<hbm>> -> memref<10000x144xf32, #tpu.memory_space<hbm>>
      %dma_wait3A_138 = arith.constant 0 : i32
      %dma_wait3A_139 = tpu.memref_slice %dma_wait3A_137[%add3A_71, %dma_wait3A_138] : memref<10000x144xf32, #tpu.memory_space<hbm>> -> memref<25x144xf32, #tpu.memory_space<hbm>>
      tpu.wait_dma2 semaphore(%run_scoped3A : memref<!tpu.dma_semaphore, #tpu.memory_space<semaphore_mem>>) src(%arg14 : memref<25x144xf32, #tpu.memory_space<vmem>>) dst(%dma_wait3A_139 : memref<25x144xf32, #tpu.memory_space<hbm>>)
      tpu.yield
    }) : () -> ()
    %add3A_72 = arith.constant 50 : i32
    %add3A_73 = arith.addi %mul3A_8, %add3A_72 : i32
    "tpu.region"() ({
      %run_scoped3A = tpu.sem_alloc : memref<!tpu.dma_semaphore, #tpu.memory_space<semaphore_mem>>
      %dma_start3A = arith.constant 0 : i32
      %dma_start3A_118 = tpu.memref_slice %arg16[%add3A_73, %dma_start3A] : memref<10000x144xf32, #tpu.memory_space<vmem_shared>> -> memref<25x144xf32, #tpu.memory_space<vmem_shared>>
      %dma_start3A_119 = arith.constant 0 : i32
      %dma_start3A_120 = tpu.memref_slice %arg16[%add3A_73, %dma_start3A_119] : memref<10000x144xf32, #tpu.memory_space<vmem_shared>> -> memref<25x144xf32, #tpu.memory_space<vmem_shared>>
      tpu.enqueue_dma source(%dma_start3A_120 : memref<25x144xf32, #tpu.memory_space<vmem_shared>>) target(%arg14 : memref<25x144xf32, #tpu.memory_space<vmem>>) target_semaphore(%run_scoped3A : memref<!tpu.dma_semaphore, #tpu.memory_space<semaphore_mem>>)
      %dma_wait3A = arith.constant 0 : i32
      %dma_wait3A_121 = tpu.memref_slice %arg16[%add3A_73, %dma_wait3A] : memref<10000x144xf32, #tpu.memory_space<vmem_shared>> -> memref<25x144xf32, #tpu.memory_space<vmem_shared>>
      %dma_wait3A_122 = arith.constant 0 : i32
      %dma_wait3A_123 = tpu.memref_slice %arg16[%add3A_73, %dma_wait3A_122] : memref<10000x144xf32, #tpu.memory_space<vmem_shared>> -> memref<25x144xf32, #tpu.memory_space<vmem_shared>>
      tpu.wait_dma2 semaphore(%run_scoped3A : memref<!tpu.dma_semaphore, #tpu.memory_space<semaphore_mem>>) src(%dma_wait3A_123 : memref<25x144xf32, #tpu.memory_space<vmem_shared>>) dst(%arg14 : memref<25x144xf32, #tpu.memory_space<vmem>>)
      tpu.yield
    }) : () -> ()
    "tpu.region"() ({
      %run_scoped3A = tpu.sem_alloc : memref<!tpu.dma_semaphore, #tpu.memory_space<semaphore_mem>>
      %dma_start3A = arith.constant 0 : i32
      %dma_start3A_118 = arith.constant 0 : i32
      %dma_start3A_119 = tpu.memref_slice %arg7[%arg0, %dma_start3A, %dma_start3A_118] : memref<2x10000x144xf32, #tpu.memory_space<hbm>> -> memref<1x10000x144xf32, #tpu.memory_space<hbm>>
      %dma_start3A_120 = tpu.memref_squeeze %dma_start3A_119 : memref<1x10000x144xf32, #tpu.memory_space<hbm>> -> memref<10000x144xf32, #tpu.memory_space<hbm>>
      %dma_start3A_121 = arith.constant 0 : i32
      %dma_start3A_122 = tpu.memref_slice %dma_start3A_120[%add3A_73, %dma_start3A_121] : memref<10000x144xf32, #tpu.memory_space<hbm>> -> memref<25x144xf32, #tpu.memory_space<hbm>>
      %dma_start3A_123 = arith.constant 0 : i32
      %dma_start3A_124 = arith.constant 0 : i32
      %dma_start3A_125 = tpu.memref_slice %arg7[%arg0, %dma_start3A_123, %dma_start3A_124] : memref<2x10000x144xf32, #tpu.memory_space<hbm>> -> memref<1x10000x144xf32, #tpu.memory_space<hbm>>
      %dma_start3A_126 = tpu.memref_squeeze %dma_start3A_125 : memref<1x10000x144xf32, #tpu.memory_space<hbm>> -> memref<10000x144xf32, #tpu.memory_space<hbm>>
      %dma_start3A_127 = arith.constant 0 : i32
      %dma_start3A_128 = tpu.memref_slice %dma_start3A_126[%add3A_73, %dma_start3A_127] : memref<10000x144xf32, #tpu.memory_space<hbm>> -> memref<25x144xf32, #tpu.memory_space<hbm>>
      tpu.enqueue_dma source(%arg14 : memref<25x144xf32, #tpu.memory_space<vmem>>) target(%dma_start3A_128 : memref<25x144xf32, #tpu.memory_space<hbm>>) target_semaphore(%run_scoped3A : memref<!tpu.dma_semaphore, #tpu.memory_space<semaphore_mem>>)
      %dma_wait3A = arith.constant 0 : i32
      %dma_wait3A_129 = arith.constant 0 : i32
      %dma_wait3A_130 = tpu.memref_slice %arg7[%arg0, %dma_wait3A, %dma_wait3A_129] : memref<2x10000x144xf32, #tpu.memory_space<hbm>> -> memref<1x10000x144xf32, #tpu.memory_space<hbm>>
      %dma_wait3A_131 = tpu.memref_squeeze %dma_wait3A_130 : memref<1x10000x144xf32, #tpu.memory_space<hbm>> -> memref<10000x144xf32, #tpu.memory_space<hbm>>
      %dma_wait3A_132 = arith.constant 0 : i32
      %dma_wait3A_133 = tpu.memref_slice %dma_wait3A_131[%add3A_73, %dma_wait3A_132] : memref<10000x144xf32, #tpu.memory_space<hbm>> -> memref<25x144xf32, #tpu.memory_space<hbm>>
      %dma_wait3A_134 = arith.constant 0 : i32
      %dma_wait3A_135 = arith.constant 0 : i32
      %dma_wait3A_136 = tpu.memref_slice %arg7[%arg0, %dma_wait3A_134, %dma_wait3A_135] : memref<2x10000x144xf32, #tpu.memory_space<hbm>> -> memref<1x10000x144xf32, #tpu.memory_space<hbm>>
      %dma_wait3A_137 = tpu.memref_squeeze %dma_wait3A_136 : memref<1x10000x144xf32, #tpu.memory_space<hbm>> -> memref<10000x144xf32, #tpu.memory_space<hbm>>
      %dma_wait3A_138 = arith.constant 0 : i32
      %dma_wait3A_139 = tpu.memref_slice %dma_wait3A_137[%add3A_73, %dma_wait3A_138] : memref<10000x144xf32, #tpu.memory_space<hbm>> -> memref<25x144xf32, #tpu.memory_space<hbm>>
      tpu.wait_dma2 semaphore(%run_scoped3A : memref<!tpu.dma_semaphore, #tpu.memory_space<semaphore_mem>>) src(%arg14 : memref<25x144xf32, #tpu.memory_space<vmem>>) dst(%dma_wait3A_139 : memref<25x144xf32, #tpu.memory_space<hbm>>)
      tpu.yield
    }) : () -> ()
    %add3A_74 = arith.constant 75 : i32
    %add3A_75 = arith.addi %mul3A_8, %add3A_74 : i32
    "tpu.region"() ({
      %run_scoped3A = tpu.sem_alloc : memref<!tpu.dma_semaphore, #tpu.memory_space<semaphore_mem>>
      %dma_start3A = arith.constant 0 : i32
      %dma_start3A_118 = tpu.memref_slice %arg16[%add3A_75, %dma_start3A] : memref<10000x144xf32, #tpu.memory_space<vmem_shared>> -> memref<25x144xf32, #tpu.memory_space<vmem_shared>>
      %dma_start3A_119 = arith.constant 0 : i32
      %dma_start3A_120 = tpu.memref_slice %arg16[%add3A_75, %dma_start3A_119] : memref<10000x144xf32, #tpu.memory_space<vmem_shared>> -> memref<25x144xf32, #tpu.memory_space<vmem_shared>>
      tpu.enqueue_dma source(%dma_start3A_120 : memref<25x144xf32, #tpu.memory_space<vmem_shared>>) target(%arg14 : memref<25x144xf32, #tpu.memory_space<vmem>>) target_semaphore(%run_scoped3A : memref<!tpu.dma_semaphore, #tpu.memory_space<semaphore_mem>>)
      %dma_wait3A = arith.constant 0 : i32
      %dma_wait3A_121 = tpu.memref_slice %arg16[%add3A_75, %dma_wait3A] : memref<10000x144xf32, #tpu.memory_space<vmem_shared>> -> memref<25x144xf32, #tpu.memory_space<vmem_shared>>
      %dma_wait3A_122 = arith.constant 0 : i32
      %dma_wait3A_123 = tpu.memref_slice %arg16[%add3A_75, %dma_wait3A_122] : memref<10000x144xf32, #tpu.memory_space<vmem_shared>> -> memref<25x144xf32, #tpu.memory_space<vmem_shared>>
      tpu.wait_dma2 semaphore(%run_scoped3A : memref<!tpu.dma_semaphore, #tpu.memory_space<semaphore_mem>>) src(%dma_wait3A_123 : memref<25x144xf32, #tpu.memory_space<vmem_shared>>) dst(%arg14 : memref<25x144xf32, #tpu.memory_space<vmem>>)
      tpu.yield
    }) : () -> ()
    "tpu.region"() ({
      %run_scoped3A = tpu.sem_alloc : memref<!tpu.dma_semaphore, #tpu.memory_space<semaphore_mem>>
      %dma_start3A = arith.constant 0 : i32
      %dma_start3A_118 = arith.constant 0 : i32
      %dma_start3A_119 = tpu.memref_slice %arg7[%arg0, %dma_start3A, %dma_start3A_118] : memref<2x10000x144xf32, #tpu.memory_space<hbm>> -> memref<1x10000x144xf32, #tpu.memory_space<hbm>>
      %dma_start3A_120 = tpu.memref_squeeze %dma_start3A_119 : memref<1x10000x144xf32, #tpu.memory_space<hbm>> -> memref<10000x144xf32, #tpu.memory_space<hbm>>
      %dma_start3A_121 = arith.constant 0 : i32
      %dma_start3A_122 = tpu.memref_slice %dma_start3A_120[%add3A_75, %dma_start3A_121] : memref<10000x144xf32, #tpu.memory_space<hbm>> -> memref<25x144xf32, #tpu.memory_space<hbm>>
      %dma_start3A_123 = arith.constant 0 : i32
      %dma_start3A_124 = arith.constant 0 : i32
      %dma_start3A_125 = tpu.memref_slice %arg7[%arg0, %dma_start3A_123, %dma_start3A_124] : memref<2x10000x144xf32, #tpu.memory_space<hbm>> -> memref<1x10000x144xf32, #tpu.memory_space<hbm>>
      %dma_start3A_126 = tpu.memref_squeeze %dma_start3A_125 : memref<1x10000x144xf32, #tpu.memory_space<hbm>> -> memref<10000x144xf32, #tpu.memory_space<hbm>>
      %dma_start3A_127 = arith.constant 0 : i32
      %dma_start3A_128 = tpu.memref_slice %dma_start3A_126[%add3A_75, %dma_start3A_127] : memref<10000x144xf32, #tpu.memory_space<hbm>> -> memref<25x144xf32, #tpu.memory_space<hbm>>
      tpu.enqueue_dma source(%arg14 : memref<25x144xf32, #tpu.memory_space<vmem>>) target(%dma_start3A_128 : memref<25x144xf32, #tpu.memory_space<hbm>>) target_semaphore(%run_scoped3A : memref<!tpu.dma_semaphore, #tpu.memory_space<semaphore_mem>>)
      %dma_wait3A = arith.constant 0 : i32
      %dma_wait3A_129 = arith.constant 0 : i32
      %dma_wait3A_130 = tpu.memref_slice %arg7[%arg0, %dma_wait3A, %dma_wait3A_129] : memref<2x10000x144xf32, #tpu.memory_space<hbm>> -> memref<1x10000x144xf32, #tpu.memory_space<hbm>>
      %dma_wait3A_131 = tpu.memref_squeeze %dma_wait3A_130 : memref<1x10000x144xf32, #tpu.memory_space<hbm>> -> memref<10000x144xf32, #tpu.memory_space<hbm>>
      %dma_wait3A_132 = arith.constant 0 : i32
      %dma_wait3A_133 = tpu.memref_slice %dma_wait3A_131[%add3A_75, %dma_wait3A_132] : memref<10000x144xf32, #tpu.memory_space<hbm>> -> memref<25x144xf32, #tpu.memory_space<hbm>>
      %dma_wait3A_134 = arith.constant 0 : i32
      %dma_wait3A_135 = arith.constant 0 : i32
      %dma_wait3A_136 = tpu.memref_slice %arg7[%arg0, %dma_wait3A_134, %dma_wait3A_135] : memref<2x10000x144xf32, #tpu.memory_space<hbm>> -> memref<1x10000x144xf32, #tpu.memory_space<hbm>>
      %dma_wait3A_137 = tpu.memref_squeeze %dma_wait3A_136 : memref<1x10000x144xf32, #tpu.memory_space<hbm>> -> memref<10000x144xf32, #tpu.memory_space<hbm>>
      %dma_wait3A_138 = arith.constant 0 : i32
      %dma_wait3A_139 = tpu.memref_slice %dma_wait3A_137[%add3A_75, %dma_wait3A_138] : memref<10000x144xf32, #tpu.memory_space<hbm>> -> memref<25x144xf32, #tpu.memory_space<hbm>>
      tpu.wait_dma2 semaphore(%run_scoped3A : memref<!tpu.dma_semaphore, #tpu.memory_space<semaphore_mem>>) src(%arg14 : memref<25x144xf32, #tpu.memory_space<vmem>>) dst(%dma_wait3A_139 : memref<25x144xf32, #tpu.memory_space<hbm>>)
      tpu.yield
    }) : () -> ()
    %add3A_76 = arith.constant 100 : i32
    %add3A_77 = arith.addi %mul3A_8, %add3A_76 : i32
    "tpu.region"() ({
      %run_scoped3A = tpu.sem_alloc : memref<!tpu.dma_semaphore, #tpu.memory_space<semaphore_mem>>
      %dma_start3A = arith.constant 0 : i32
      %dma_start3A_118 = tpu.memref_slice %arg16[%add3A_77, %dma_start3A] : memref<10000x144xf32, #tpu.memory_space<vmem_shared>> -> memref<25x144xf32, #tpu.memory_space<vmem_shared>>
      %dma_start3A_119 = arith.constant 0 : i32
      %dma_start3A_120 = tpu.memref_slice %arg16[%add3A_77, %dma_start3A_119] : memref<10000x144xf32, #tpu.memory_space<vmem_shared>> -> memref<25x144xf32, #tpu.memory_space<vmem_shared>>
      tpu.enqueue_dma source(%dma_start3A_120 : memref<25x144xf32, #tpu.memory_space<vmem_shared>>) target(%arg14 : memref<25x144xf32, #tpu.memory_space<vmem>>) target_semaphore(%run_scoped3A : memref<!tpu.dma_semaphore, #tpu.memory_space<semaphore_mem>>)
      %dma_wait3A = arith.constant 0 : i32
      %dma_wait3A_121 = tpu.memref_slice %arg16[%add3A_77, %dma_wait3A] : memref<10000x144xf32, #tpu.memory_space<vmem_shared>> -> memref<25x144xf32, #tpu.memory_space<vmem_shared>>
      %dma_wait3A_122 = arith.constant 0 : i32
      %dma_wait3A_123 = tpu.memref_slice %arg16[%add3A_77, %dma_wait3A_122] : memref<10000x144xf32, #tpu.memory_space<vmem_shared>> -> memref<25x144xf32, #tpu.memory_space<vmem_shared>>
      tpu.wait_dma2 semaphore(%run_scoped3A : memref<!tpu.dma_semaphore, #tpu.memory_space<semaphore_mem>>) src(%dma_wait3A_123 : memref<25x144xf32, #tpu.memory_space<vmem_shared>>) dst(%arg14 : memref<25x144xf32, #tpu.memory_space<vmem>>)
      tpu.yield
    }) : () -> ()
    "tpu.region"() ({
      %run_scoped3A = tpu.sem_alloc : memref<!tpu.dma_semaphore, #tpu.memory_space<semaphore_mem>>
      %dma_start3A = arith.constant 0 : i32
      %dma_start3A_118 = arith.constant 0 : i32
      %dma_start3A_119 = tpu.memref_slice %arg7[%arg0, %dma_start3A, %dma_start3A_118] : memref<2x10000x144xf32, #tpu.memory_space<hbm>> -> memref<1x10000x144xf32, #tpu.memory_space<hbm>>
      %dma_start3A_120 = tpu.memref_squeeze %dma_start3A_119 : memref<1x10000x144xf32, #tpu.memory_space<hbm>> -> memref<10000x144xf32, #tpu.memory_space<hbm>>
      %dma_start3A_121 = arith.constant 0 : i32
      %dma_start3A_122 = tpu.memref_slice %dma_start3A_120[%add3A_77, %dma_start3A_121] : memref<10000x144xf32, #tpu.memory_space<hbm>> -> memref<25x144xf32, #tpu.memory_space<hbm>>
      %dma_start3A_123 = arith.constant 0 : i32
      %dma_start3A_124 = arith.constant 0 : i32
      %dma_start3A_125 = tpu.memref_slice %arg7[%arg0, %dma_start3A_123, %dma_start3A_124] : memref<2x10000x144xf32, #tpu.memory_space<hbm>> -> memref<1x10000x144xf32, #tpu.memory_space<hbm>>
      %dma_start3A_126 = tpu.memref_squeeze %dma_start3A_125 : memref<1x10000x144xf32, #tpu.memory_space<hbm>> -> memref<10000x144xf32, #tpu.memory_space<hbm>>
      %dma_start3A_127 = arith.constant 0 : i32
      %dma_start3A_128 = tpu.memref_slice %dma_start3A_126[%add3A_77, %dma_start3A_127] : memref<10000x144xf32, #tpu.memory_space<hbm>> -> memref<25x144xf32, #tpu.memory_space<hbm>>
      tpu.enqueue_dma source(%arg14 : memref<25x144xf32, #tpu.memory_space<vmem>>) target(%dma_start3A_128 : memref<25x144xf32, #tpu.memory_space<hbm>>) target_semaphore(%run_scoped3A : memref<!tpu.dma_semaphore, #tpu.memory_space<semaphore_mem>>)
      %dma_wait3A = arith.constant 0 : i32
      %dma_wait3A_129 = arith.constant 0 : i32
      %dma_wait3A_130 = tpu.memref_slice %arg7[%arg0, %dma_wait3A, %dma_wait3A_129] : memref<2x10000x144xf32, #tpu.memory_space<hbm>> -> memref<1x10000x144xf32, #tpu.memory_space<hbm>>
      %dma_wait3A_131 = tpu.memref_squeeze %dma_wait3A_130 : memref<1x10000x144xf32, #tpu.memory_space<hbm>> -> memref<10000x144xf32, #tpu.memory_space<hbm>>
      %dma_wait3A_132 = arith.constant 0 : i32
      %dma_wait3A_133 = tpu.memref_slice %dma_wait3A_131[%add3A_77, %dma_wait3A_132] : memref<10000x144xf32, #tpu.memory_space<hbm>> -> memref<25x144xf32, #tpu.memory_space<hbm>>
      %dma_wait3A_134 = arith.constant 0 : i32
      %dma_wait3A_135 = arith.constant 0 : i32
      %dma_wait3A_136 = tpu.memref_slice %arg7[%arg0, %dma_wait3A_134, %dma_wait3A_135] : memref<2x10000x144xf32, #tpu.memory_space<hbm>> -> memref<1x10000x144xf32, #tpu.memory_space<hbm>>
      %dma_wait3A_137 = tpu.memref_squeeze %dma_wait3A_136 : memref<1x10000x144xf32, #tpu.memory_space<hbm>> -> memref<10000x144xf32, #tpu.memory_space<hbm>>
      %dma_wait3A_138 = arith.constant 0 : i32
      %dma_wait3A_139 = tpu.memref_slice %dma_wait3A_137[%add3A_77, %dma_wait3A_138] : memref<10000x144xf32, #tpu.memory_space<hbm>> -> memref<25x144xf32, #tpu.memory_space<hbm>>
      tpu.wait_dma2 semaphore(%run_scoped3A : memref<!tpu.dma_semaphore, #tpu.memory_space<semaphore_mem>>) src(%arg14 : memref<25x144xf32, #tpu.memory_space<vmem>>) dst(%dma_wait3A_139 : memref<25x144xf32, #tpu.memory_space<hbm>>)
      tpu.yield
    }) : () -> ()
    %add3A_78 = arith.constant 125 : i32
    %add3A_79 = arith.addi %mul3A_8, %add3A_78 : i32
    "tpu.region"() ({
      %run_scoped3A = tpu.sem_alloc : memref<!tpu.dma_semaphore, #tpu.memory_space<semaphore_mem>>
      %dma_start3A = arith.constant 0 : i32
      %dma_start3A_118 = tpu.memref_slice %arg16[%add3A_79, %dma_start3A] : memref<10000x144xf32, #tpu.memory_space<vmem_shared>> -> memref<25x144xf32, #tpu.memory_space<vmem_shared>>
      %dma_start3A_119 = arith.constant 0 : i32
      %dma_start3A_120 = tpu.memref_slice %arg16[%add3A_79, %dma_start3A_119] : memref<10000x144xf32, #tpu.memory_space<vmem_shared>> -> memref<25x144xf32, #tpu.memory_space<vmem_shared>>
      tpu.enqueue_dma source(%dma_start3A_120 : memref<25x144xf32, #tpu.memory_space<vmem_shared>>) target(%arg14 : memref<25x144xf32, #tpu.memory_space<vmem>>) target_semaphore(%run_scoped3A : memref<!tpu.dma_semaphore, #tpu.memory_space<semaphore_mem>>)
      %dma_wait3A = arith.constant 0 : i32
      %dma_wait3A_121 = tpu.memref_slice %arg16[%add3A_79, %dma_wait3A] : memref<10000x144xf32, #tpu.memory_space<vmem_shared>> -> memref<25x144xf32, #tpu.memory_space<vmem_shared>>
      %dma_wait3A_122 = arith.constant 0 : i32
      %dma_wait3A_123 = tpu.memref_slice %arg16[%add3A_79, %dma_wait3A_122] : memref<10000x144xf32, #tpu.memory_space<vmem_shared>> -> memref<25x144xf32, #tpu.memory_space<vmem_shared>>
      tpu.wait_dma2 semaphore(%run_scoped3A : memref<!tpu.dma_semaphore, #tpu.memory_space<semaphore_mem>>) src(%dma_wait3A_123 : memref<25x144xf32, #tpu.memory_space<vmem_shared>>) dst(%arg14 : memref<25x144xf32, #tpu.memory_space<vmem>>)
      tpu.yield
    }) : () -> ()
    "tpu.region"() ({
      %run_scoped3A = tpu.sem_alloc : memref<!tpu.dma_semaphore, #tpu.memory_space<semaphore_mem>>
      %dma_start3A = arith.constant 0 : i32
      %dma_start3A_118 = arith.constant 0 : i32
      %dma_start3A_119 = tpu.memref_slice %arg7[%arg0, %dma_start3A, %dma_start3A_118] : memref<2x10000x144xf32, #tpu.memory_space<hbm>> -> memref<1x10000x144xf32, #tpu.memory_space<hbm>>
      %dma_start3A_120 = tpu.memref_squeeze %dma_start3A_119 : memref<1x10000x144xf32, #tpu.memory_space<hbm>> -> memref<10000x144xf32, #tpu.memory_space<hbm>>
      %dma_start3A_121 = arith.constant 0 : i32
      %dma_start3A_122 = tpu.memref_slice %dma_start3A_120[%add3A_79, %dma_start3A_121] : memref<10000x144xf32, #tpu.memory_space<hbm>> -> memref<25x144xf32, #tpu.memory_space<hbm>>
      %dma_start3A_123 = arith.constant 0 : i32
      %dma_start3A_124 = arith.constant 0 : i32
      %dma_start3A_125 = tpu.memref_slice %arg7[%arg0, %dma_start3A_123, %dma_start3A_124] : memref<2x10000x144xf32, #tpu.memory_space<hbm>> -> memref<1x10000x144xf32, #tpu.memory_space<hbm>>
      %dma_start3A_126 = tpu.memref_squeeze %dma_start3A_125 : memref<1x10000x144xf32, #tpu.memory_space<hbm>> -> memref<10000x144xf32, #tpu.memory_space<hbm>>
      %dma_start3A_127 = arith.constant 0 : i32
      %dma_start3A_128 = tpu.memref_slice %dma_start3A_126[%add3A_79, %dma_start3A_127] : memref<10000x144xf32, #tpu.memory_space<hbm>> -> memref<25x144xf32, #tpu.memory_space<hbm>>
      tpu.enqueue_dma source(%arg14 : memref<25x144xf32, #tpu.memory_space<vmem>>) target(%dma_start3A_128 : memref<25x144xf32, #tpu.memory_space<hbm>>) target_semaphore(%run_scoped3A : memref<!tpu.dma_semaphore, #tpu.memory_space<semaphore_mem>>)
      %dma_wait3A = arith.constant 0 : i32
      %dma_wait3A_129 = arith.constant 0 : i32
      %dma_wait3A_130 = tpu.memref_slice %arg7[%arg0, %dma_wait3A, %dma_wait3A_129] : memref<2x10000x144xf32, #tpu.memory_space<hbm>> -> memref<1x10000x144xf32, #tpu.memory_space<hbm>>
      %dma_wait3A_131 = tpu.memref_squeeze %dma_wait3A_130 : memref<1x10000x144xf32, #tpu.memory_space<hbm>> -> memref<10000x144xf32, #tpu.memory_space<hbm>>
      %dma_wait3A_132 = arith.constant 0 : i32
      %dma_wait3A_133 = tpu.memref_slice %dma_wait3A_131[%add3A_79, %dma_wait3A_132] : memref<10000x144xf32, #tpu.memory_space<hbm>> -> memref<25x144xf32, #tpu.memory_space<hbm>>
      %dma_wait3A_134 = arith.constant 0 : i32
      %dma_wait3A_135 = arith.constant 0 : i32
      %dma_wait3A_136 = tpu.memref_slice %arg7[%arg0, %dma_wait3A_134, %dma_wait3A_135] : memref<2x10000x144xf32, #tpu.memory_space<hbm>> -> memref<1x10000x144xf32, #tpu.memory_space<hbm>>
      %dma_wait3A_137 = tpu.memref_squeeze %dma_wait3A_136 : memref<1x10000x144xf32, #tpu.memory_space<hbm>> -> memref<10000x144xf32, #tpu.memory_space<hbm>>
      %dma_wait3A_138 = arith.constant 0 : i32
      %dma_wait3A_139 = tpu.memref_slice %dma_wait3A_137[%add3A_79, %dma_wait3A_138] : memref<10000x144xf32, #tpu.memory_space<hbm>> -> memref<25x144xf32, #tpu.memory_space<hbm>>
      tpu.wait_dma2 semaphore(%run_scoped3A : memref<!tpu.dma_semaphore, #tpu.memory_space<semaphore_mem>>) src(%arg14 : memref<25x144xf32, #tpu.memory_space<vmem>>) dst(%dma_wait3A_139 : memref<25x144xf32, #tpu.memory_space<hbm>>)
      tpu.yield
    }) : () -> ()
    %add3A_80 = arith.constant 150 : i32
    %add3A_81 = arith.addi %mul3A_8, %add3A_80 : i32
    "tpu.region"() ({
      %run_scoped3A = tpu.sem_alloc : memref<!tpu.dma_semaphore, #tpu.memory_space<semaphore_mem>>
      %dma_start3A = arith.constant 0 : i32
      %dma_start3A_118 = tpu.memref_slice %arg16[%add3A_81, %dma_start3A] : memref<10000x144xf32, #tpu.memory_space<vmem_shared>> -> memref<25x144xf32, #tpu.memory_space<vmem_shared>>
      %dma_start3A_119 = arith.constant 0 : i32
      %dma_start3A_120 = tpu.memref_slice %arg16[%add3A_81, %dma_start3A_119] : memref<10000x144xf32, #tpu.memory_space<vmem_shared>> -> memref<25x144xf32, #tpu.memory_space<vmem_shared>>
      tpu.enqueue_dma source(%dma_start3A_120 : memref<25x144xf32, #tpu.memory_space<vmem_shared>>) target(%arg14 : memref<25x144xf32, #tpu.memory_space<vmem>>) target_semaphore(%run_scoped3A : memref<!tpu.dma_semaphore, #tpu.memory_space<semaphore_mem>>)
      %dma_wait3A = arith.constant 0 : i32
      %dma_wait3A_121 = tpu.memref_slice %arg16[%add3A_81, %dma_wait3A] : memref<10000x144xf32, #tpu.memory_space<vmem_shared>> -> memref<25x144xf32, #tpu.memory_space<vmem_shared>>
      %dma_wait3A_122 = arith.constant 0 : i32
      %dma_wait3A_123 = tpu.memref_slice %arg16[%add3A_81, %dma_wait3A_122] : memref<10000x144xf32, #tpu.memory_space<vmem_shared>> -> memref<25x144xf32, #tpu.memory_space<vmem_shared>>
      tpu.wait_dma2 semaphore(%run_scoped3A : memref<!tpu.dma_semaphore, #tpu.memory_space<semaphore_mem>>) src(%dma_wait3A_123 : memref<25x144xf32, #tpu.memory_space<vmem_shared>>) dst(%arg14 : memref<25x144xf32, #tpu.memory_space<vmem>>)
      tpu.yield
    }) : () -> ()
    "tpu.region"() ({
      %run_scoped3A = tpu.sem_alloc : memref<!tpu.dma_semaphore, #tpu.memory_space<semaphore_mem>>
      %dma_start3A = arith.constant 0 : i32
      %dma_start3A_118 = arith.constant 0 : i32
      %dma_start3A_119 = tpu.memref_slice %arg7[%arg0, %dma_start3A, %dma_start3A_118] : memref<2x10000x144xf32, #tpu.memory_space<hbm>> -> memref<1x10000x144xf32, #tpu.memory_space<hbm>>
      %dma_start3A_120 = tpu.memref_squeeze %dma_start3A_119 : memref<1x10000x144xf32, #tpu.memory_space<hbm>> -> memref<10000x144xf32, #tpu.memory_space<hbm>>
      %dma_start3A_121 = arith.constant 0 : i32
      %dma_start3A_122 = tpu.memref_slice %dma_start3A_120[%add3A_81, %dma_start3A_121] : memref<10000x144xf32, #tpu.memory_space<hbm>> -> memref<25x144xf32, #tpu.memory_space<hbm>>
      %dma_start3A_123 = arith.constant 0 : i32
      %dma_start3A_124 = arith.constant 0 : i32
      %dma_start3A_125 = tpu.memref_slice %arg7[%arg0, %dma_start3A_123, %dma_start3A_124] : memref<2x10000x144xf32, #tpu.memory_space<hbm>> -> memref<1x10000x144xf32, #tpu.memory_space<hbm>>
      %dma_start3A_126 = tpu.memref_squeeze %dma_start3A_125 : memref<1x10000x144xf32, #tpu.memory_space<hbm>> -> memref<10000x144xf32, #tpu.memory_space<hbm>>
      %dma_start3A_127 = arith.constant 0 : i32
      %dma_start3A_128 = tpu.memref_slice %dma_start3A_126[%add3A_81, %dma_start3A_127] : memref<10000x144xf32, #tpu.memory_space<hbm>> -> memref<25x144xf32, #tpu.memory_space<hbm>>
      tpu.enqueue_dma source(%arg14 : memref<25x144xf32, #tpu.memory_space<vmem>>) target(%dma_start3A_128 : memref<25x144xf32, #tpu.memory_space<hbm>>) target_semaphore(%run_scoped3A : memref<!tpu.dma_semaphore, #tpu.memory_space<semaphore_mem>>)
      %dma_wait3A = arith.constant 0 : i32
      %dma_wait3A_129 = arith.constant 0 : i32
      %dma_wait3A_130 = tpu.memref_slice %arg7[%arg0, %dma_wait3A, %dma_wait3A_129] : memref<2x10000x144xf32, #tpu.memory_space<hbm>> -> memref<1x10000x144xf32, #tpu.memory_space<hbm>>
      %dma_wait3A_131 = tpu.memref_squeeze %dma_wait3A_130 : memref<1x10000x144xf32, #tpu.memory_space<hbm>> -> memref<10000x144xf32, #tpu.memory_space<hbm>>
      %dma_wait3A_132 = arith.constant 0 : i32
      %dma_wait3A_133 = tpu.memref_slice %dma_wait3A_131[%add3A_81, %dma_wait3A_132] : memref<10000x144xf32, #tpu.memory_space<hbm>> -> memref<25x144xf32, #tpu.memory_space<hbm>>
      %dma_wait3A_134 = arith.constant 0 : i32
      %dma_wait3A_135 = arith.constant 0 : i32
      %dma_wait3A_136 = tpu.memref_slice %arg7[%arg0, %dma_wait3A_134, %dma_wait3A_135] : memref<2x10000x144xf32, #tpu.memory_space<hbm>> -> memref<1x10000x144xf32, #tpu.memory_space<hbm>>
      %dma_wait3A_137 = tpu.memref_squeeze %dma_wait3A_136 : memref<1x10000x144xf32, #tpu.memory_space<hbm>> -> memref<10000x144xf32, #tpu.memory_space<hbm>>
      %dma_wait3A_138 = arith.constant 0 : i32
      %dma_wait3A_139 = tpu.memref_slice %dma_wait3A_137[%add3A_81, %dma_wait3A_138] : memref<10000x144xf32, #tpu.memory_space<hbm>> -> memref<25x144xf32, #tpu.memory_space<hbm>>
      tpu.wait_dma2 semaphore(%run_scoped3A : memref<!tpu.dma_semaphore, #tpu.memory_space<semaphore_mem>>) src(%arg14 : memref<25x144xf32, #tpu.memory_space<vmem>>) dst(%dma_wait3A_139 : memref<25x144xf32, #tpu.memory_space<hbm>>)
      tpu.yield
    }) : () -> ()
    %add3A_82 = arith.constant 175 : i32
    %add3A_83 = arith.addi %mul3A_8, %add3A_82 : i32
    "tpu.region"() ({
      %run_scoped3A = tpu.sem_alloc : memref<!tpu.dma_semaphore, #tpu.memory_space<semaphore_mem>>
      %dma_start3A = arith.constant 0 : i32
      %dma_start3A_118 = tpu.memref_slice %arg16[%add3A_83, %dma_start3A] : memref<10000x144xf32, #tpu.memory_space<vmem_shared>> -> memref<25x144xf32, #tpu.memory_space<vmem_shared>>
      %dma_start3A_119 = arith.constant 0 : i32
      %dma_start3A_120 = tpu.memref_slice %arg16[%add3A_83, %dma_start3A_119] : memref<10000x144xf32, #tpu.memory_space<vmem_shared>> -> memref<25x144xf32, #tpu.memory_space<vmem_shared>>
      tpu.enqueue_dma source(%dma_start3A_120 : memref<25x144xf32, #tpu.memory_space<vmem_shared>>) target(%arg14 : memref<25x144xf32, #tpu.memory_space<vmem>>) target_semaphore(%run_scoped3A : memref<!tpu.dma_semaphore, #tpu.memory_space<semaphore_mem>>)
      %dma_wait3A = arith.constant 0 : i32
      %dma_wait3A_121 = tpu.memref_slice %arg16[%add3A_83, %dma_wait3A] : memref<10000x144xf32, #tpu.memory_space<vmem_shared>> -> memref<25x144xf32, #tpu.memory_space<vmem_shared>>
      %dma_wait3A_122 = arith.constant 0 : i32
      %dma_wait3A_123 = tpu.memref_slice %arg16[%add3A_83, %dma_wait3A_122] : memref<10000x144xf32, #tpu.memory_space<vmem_shared>> -> memref<25x144xf32, #tpu.memory_space<vmem_shared>>
      tpu.wait_dma2 semaphore(%run_scoped3A : memref<!tpu.dma_semaphore, #tpu.memory_space<semaphore_mem>>) src(%dma_wait3A_123 : memref<25x144xf32, #tpu.memory_space<vmem_shared>>) dst(%arg14 : memref<25x144xf32, #tpu.memory_space<vmem>>)
      tpu.yield
    }) : () -> ()
    "tpu.region"() ({
      %run_scoped3A = tpu.sem_alloc : memref<!tpu.dma_semaphore, #tpu.memory_space<semaphore_mem>>
      %dma_start3A = arith.constant 0 : i32
      %dma_start3A_118 = arith.constant 0 : i32
      %dma_start3A_119 = tpu.memref_slice %arg7[%arg0, %dma_start3A, %dma_start3A_118] : memref<2x10000x144xf32, #tpu.memory_space<hbm>> -> memref<1x10000x144xf32, #tpu.memory_space<hbm>>
      %dma_start3A_120 = tpu.memref_squeeze %dma_start3A_119 : memref<1x10000x144xf32, #tpu.memory_space<hbm>> -> memref<10000x144xf32, #tpu.memory_space<hbm>>
      %dma_start3A_121 = arith.constant 0 : i32
      %dma_start3A_122 = tpu.memref_slice %dma_start3A_120[%add3A_83, %dma_start3A_121] : memref<10000x144xf32, #tpu.memory_space<hbm>> -> memref<25x144xf32, #tpu.memory_space<hbm>>
      %dma_start3A_123 = arith.constant 0 : i32
      %dma_start3A_124 = arith.constant 0 : i32
      %dma_start3A_125 = tpu.memref_slice %arg7[%arg0, %dma_start3A_123, %dma_start3A_124] : memref<2x10000x144xf32, #tpu.memory_space<hbm>> -> memref<1x10000x144xf32, #tpu.memory_space<hbm>>
      %dma_start3A_126 = tpu.memref_squeeze %dma_start3A_125 : memref<1x10000x144xf32, #tpu.memory_space<hbm>> -> memref<10000x144xf32, #tpu.memory_space<hbm>>
      %dma_start3A_127 = arith.constant 0 : i32
      %dma_start3A_128 = tpu.memref_slice %dma_start3A_126[%add3A_83, %dma_start3A_127] : memref<10000x144xf32, #tpu.memory_space<hbm>> -> memref<25x144xf32, #tpu.memory_space<hbm>>
      tpu.enqueue_dma source(%arg14 : memref<25x144xf32, #tpu.memory_space<vmem>>) target(%dma_start3A_128 : memref<25x144xf32, #tpu.memory_space<hbm>>) target_semaphore(%run_scoped3A : memref<!tpu.dma_semaphore, #tpu.memory_space<semaphore_mem>>)
      %dma_wait3A = arith.constant 0 : i32
      %dma_wait3A_129 = arith.constant 0 : i32
      %dma_wait3A_130 = tpu.memref_slice %arg7[%arg0, %dma_wait3A, %dma_wait3A_129] : memref<2x10000x144xf32, #tpu.memory_space<hbm>> -> memref<1x10000x144xf32, #tpu.memory_space<hbm>>
      %dma_wait3A_131 = tpu.memref_squeeze %dma_wait3A_130 : memref<1x10000x144xf32, #tpu.memory_space<hbm>> -> memref<10000x144xf32, #tpu.memory_space<hbm>>
      %dma_wait3A_132 = arith.constant 0 : i32
      %dma_wait3A_133 = tpu.memref_slice %dma_wait3A_131[%add3A_83, %dma_wait3A_132] : memref<10000x144xf32, #tpu.memory_space<hbm>> -> memref<25x144xf32, #tpu.memory_space<hbm>>
      %dma_wait3A_134 = arith.constant 0 : i32
      %dma_wait3A_135 = arith.constant 0 : i32
      %dma_wait3A_136 = tpu.memref_slice %arg7[%arg0, %dma_wait3A_134, %dma_wait3A_135] : memref<2x10000x144xf32, #tpu.memory_space<hbm>> -> memref<1x10000x144xf32, #tpu.memory_space<hbm>>
      %dma_wait3A_137 = tpu.memref_squeeze %dma_wait3A_136 : memref<1x10000x144xf32, #tpu.memory_space<hbm>> -> memref<10000x144xf32, #tpu.memory_space<hbm>>
      %dma_wait3A_138 = arith.constant 0 : i32
      %dma_wait3A_139 = tpu.memref_slice %dma_wait3A_137[%add3A_83, %dma_wait3A_138] : memref<10000x144xf32, #tpu.memory_space<hbm>> -> memref<25x144xf32, #tpu.memory_space<hbm>>
      tpu.wait_dma2 semaphore(%run_scoped3A : memref<!tpu.dma_semaphore, #tpu.memory_space<semaphore_mem>>) src(%arg14 : memref<25x144xf32, #tpu.memory_space<vmem>>) dst(%dma_wait3A_139 : memref<25x144xf32, #tpu.memory_space<hbm>>)
      tpu.yield
    }) : () -> ()
    %add3A_84 = arith.constant 200 : i32
    %add3A_85 = arith.addi %mul3A_8, %add3A_84 : i32
    "tpu.region"() ({
      %run_scoped3A = tpu.sem_alloc : memref<!tpu.dma_semaphore, #tpu.memory_space<semaphore_mem>>
      %dma_start3A = arith.constant 0 : i32
      %dma_start3A_118 = tpu.memref_slice %arg16[%add3A_85, %dma_start3A] : memref<10000x144xf32, #tpu.memory_space<vmem_shared>> -> memref<25x144xf32, #tpu.memory_space<vmem_shared>>
      %dma_start3A_119 = arith.constant 0 : i32
      %dma_start3A_120 = tpu.memref_slice %arg16[%add3A_85, %dma_start3A_119] : memref<10000x144xf32, #tpu.memory_space<vmem_shared>> -> memref<25x144xf32, #tpu.memory_space<vmem_shared>>
      tpu.enqueue_dma source(%dma_start3A_120 : memref<25x144xf32, #tpu.memory_space<vmem_shared>>) target(%arg14 : memref<25x144xf32, #tpu.memory_space<vmem>>) target_semaphore(%run_scoped3A : memref<!tpu.dma_semaphore, #tpu.memory_space<semaphore_mem>>)
      %dma_wait3A = arith.constant 0 : i32
      %dma_wait3A_121 = tpu.memref_slice %arg16[%add3A_85, %dma_wait3A] : memref<10000x144xf32, #tpu.memory_space<vmem_shared>> -> memref<25x144xf32, #tpu.memory_space<vmem_shared>>
      %dma_wait3A_122 = arith.constant 0 : i32
      %dma_wait3A_123 = tpu.memref_slice %arg16[%add3A_85, %dma_wait3A_122] : memref<10000x144xf32, #tpu.memory_space<vmem_shared>> -> memref<25x144xf32, #tpu.memory_space<vmem_shared>>
      tpu.wait_dma2 semaphore(%run_scoped3A : memref<!tpu.dma_semaphore, #tpu.memory_space<semaphore_mem>>) src(%dma_wait3A_123 : memref<25x144xf32, #tpu.memory_space<vmem_shared>>) dst(%arg14 : memref<25x144xf32, #tpu.memory_space<vmem>>)
      tpu.yield
    }) : () -> ()
    "tpu.region"() ({
      %run_scoped3A = tpu.sem_alloc : memref<!tpu.dma_semaphore, #tpu.memory_space<semaphore_mem>>
      %dma_start3A = arith.constant 0 : i32
      %dma_start3A_118 = arith.constant 0 : i32
      %dma_start3A_119 = tpu.memref_slice %arg7[%arg0, %dma_start3A, %dma_start3A_118] : memref<2x10000x144xf32, #tpu.memory_space<hbm>> -> memref<1x10000x144xf32, #tpu.memory_space<hbm>>
      %dma_start3A_120 = tpu.memref_squeeze %dma_start3A_119 : memref<1x10000x144xf32, #tpu.memory_space<hbm>> -> memref<10000x144xf32, #tpu.memory_space<hbm>>
      %dma_start3A_121 = arith.constant 0 : i32
      %dma_start3A_122 = tpu.memref_slice %dma_start3A_120[%add3A_85, %dma_start3A_121] : memref<10000x144xf32, #tpu.memory_space<hbm>> -> memref<25x144xf32, #tpu.memory_space<hbm>>
      %dma_start3A_123 = arith.constant 0 : i32
      %dma_start3A_124 = arith.constant 0 : i32
      %dma_start3A_125 = tpu.memref_slice %arg7[%arg0, %dma_start3A_123, %dma_start3A_124] : memref<2x10000x144xf32, #tpu.memory_space<hbm>> -> memref<1x10000x144xf32, #tpu.memory_space<hbm>>
      %dma_start3A_126 = tpu.memref_squeeze %dma_start3A_125 : memref<1x10000x144xf32, #tpu.memory_space<hbm>> -> memref<10000x144xf32, #tpu.memory_space<hbm>>
      %dma_start3A_127 = arith.constant 0 : i32
      %dma_start3A_128 = tpu.memref_slice %dma_start3A_126[%add3A_85, %dma_start3A_127] : memref<10000x144xf32, #tpu.memory_space<hbm>> -> memref<25x144xf32, #tpu.memory_space<hbm>>
      tpu.enqueue_dma source(%arg14 : memref<25x144xf32, #tpu.memory_space<vmem>>) target(%dma_start3A_128 : memref<25x144xf32, #tpu.memory_space<hbm>>) target_semaphore(%run_scoped3A : memref<!tpu.dma_semaphore, #tpu.memory_space<semaphore_mem>>)
      %dma_wait3A = arith.constant 0 : i32
      %dma_wait3A_129 = arith.constant 0 : i32
      %dma_wait3A_130 = tpu.memref_slice %arg7[%arg0, %dma_wait3A, %dma_wait3A_129] : memref<2x10000x144xf32, #tpu.memory_space<hbm>> -> memref<1x10000x144xf32, #tpu.memory_space<hbm>>
      %dma_wait3A_131 = tpu.memref_squeeze %dma_wait3A_130 : memref<1x10000x144xf32, #tpu.memory_space<hbm>> -> memref<10000x144xf32, #tpu.memory_space<hbm>>
      %dma_wait3A_132 = arith.constant 0 : i32
      %dma_wait3A_133 = tpu.memref_slice %dma_wait3A_131[%add3A_85, %dma_wait3A_132] : memref<10000x144xf32, #tpu.memory_space<hbm>> -> memref<25x144xf32, #tpu.memory_space<hbm>>
      %dma_wait3A_134 = arith.constant 0 : i32
      %dma_wait3A_135 = arith.constant 0 : i32
      %dma_wait3A_136 = tpu.memref_slice %arg7[%arg0, %dma_wait3A_134, %dma_wait3A_135] : memref<2x10000x144xf32, #tpu.memory_space<hbm>> -> memref<1x10000x144xf32, #tpu.memory_space<hbm>>
      %dma_wait3A_137 = tpu.memref_squeeze %dma_wait3A_136 : memref<1x10000x144xf32, #tpu.memory_space<hbm>> -> memref<10000x144xf32, #tpu.memory_space<hbm>>
      %dma_wait3A_138 = arith.constant 0 : i32
      %dma_wait3A_139 = tpu.memref_slice %dma_wait3A_137[%add3A_85, %dma_wait3A_138] : memref<10000x144xf32, #tpu.memory_space<hbm>> -> memref<25x144xf32, #tpu.memory_space<hbm>>
      tpu.wait_dma2 semaphore(%run_scoped3A : memref<!tpu.dma_semaphore, #tpu.memory_space<semaphore_mem>>) src(%arg14 : memref<25x144xf32, #tpu.memory_space<vmem>>) dst(%dma_wait3A_139 : memref<25x144xf32, #tpu.memory_space<hbm>>)
      tpu.yield
    }) : () -> ()
    %add3A_86 = arith.constant 225 : i32
    %add3A_87 = arith.addi %mul3A_8, %add3A_86 : i32
    "tpu.region"() ({
      %run_scoped3A = tpu.sem_alloc : memref<!tpu.dma_semaphore, #tpu.memory_space<semaphore_mem>>
      %dma_start3A = arith.constant 0 : i32
      %dma_start3A_118 = tpu.memref_slice %arg16[%add3A_87, %dma_start3A] : memref<10000x144xf32, #tpu.memory_space<vmem_shared>> -> memref<25x144xf32, #tpu.memory_space<vmem_shared>>
      %dma_start3A_119 = arith.constant 0 : i32
      %dma_start3A_120 = tpu.memref_slice %arg16[%add3A_87, %dma_start3A_119] : memref<10000x144xf32, #tpu.memory_space<vmem_shared>> -> memref<25x144xf32, #tpu.memory_space<vmem_shared>>
      tpu.enqueue_dma source(%dma_start3A_120 : memref<25x144xf32, #tpu.memory_space<vmem_shared>>) target(%arg14 : memref<25x144xf32, #tpu.memory_space<vmem>>) target_semaphore(%run_scoped3A : memref<!tpu.dma_semaphore, #tpu.memory_space<semaphore_mem>>)
      %dma_wait3A = arith.constant 0 : i32
      %dma_wait3A_121 = tpu.memref_slice %arg16[%add3A_87, %dma_wait3A] : memref<10000x144xf32, #tpu.memory_space<vmem_shared>> -> memref<25x144xf32, #tpu.memory_space<vmem_shared>>
      %dma_wait3A_122 = arith.constant 0 : i32
      %dma_wait3A_123 = tpu.memref_slice %arg16[%add3A_87, %dma_wait3A_122] : memref<10000x144xf32, #tpu.memory_space<vmem_shared>> -> memref<25x144xf32, #tpu.memory_space<vmem_shared>>
      tpu.wait_dma2 semaphore(%run_scoped3A : memref<!tpu.dma_semaphore, #tpu.memory_space<semaphore_mem>>) src(%dma_wait3A_123 : memref<25x144xf32, #tpu.memory_space<vmem_shared>>) dst(%arg14 : memref<25x144xf32, #tpu.memory_space<vmem>>)
      tpu.yield
    }) : () -> ()
    "tpu.region"() ({
      %run_scoped3A = tpu.sem_alloc : memref<!tpu.dma_semaphore, #tpu.memory_space<semaphore_mem>>
      %dma_start3A = arith.constant 0 : i32
      %dma_start3A_118 = arith.constant 0 : i32
      %dma_start3A_119 = tpu.memref_slice %arg7[%arg0, %dma_start3A, %dma_start3A_118] : memref<2x10000x144xf32, #tpu.memory_space<hbm>> -> memref<1x10000x144xf32, #tpu.memory_space<hbm>>
      %dma_start3A_120 = tpu.memref_squeeze %dma_start3A_119 : memref<1x10000x144xf32, #tpu.memory_space<hbm>> -> memref<10000x144xf32, #tpu.memory_space<hbm>>
      %dma_start3A_121 = arith.constant 0 : i32
      %dma_start3A_122 = tpu.memref_slice %dma_start3A_120[%add3A_87, %dma_start3A_121] : memref<10000x144xf32, #tpu.memory_space<hbm>> -> memref<25x144xf32, #tpu.memory_space<hbm>>
      %dma_start3A_123 = arith.constant 0 : i32
      %dma_start3A_124 = arith.constant 0 : i32
      %dma_start3A_125 = tpu.memref_slice %arg7[%arg0, %dma_start3A_123, %dma_start3A_124] : memref<2x10000x144xf32, #tpu.memory_space<hbm>> -> memref<1x10000x144xf32, #tpu.memory_space<hbm>>
      %dma_start3A_126 = tpu.memref_squeeze %dma_start3A_125 : memref<1x10000x144xf32, #tpu.memory_space<hbm>> -> memref<10000x144xf32, #tpu.memory_space<hbm>>
      %dma_start3A_127 = arith.constant 0 : i32
      %dma_start3A_128 = tpu.memref_slice %dma_start3A_126[%add3A_87, %dma_start3A_127] : memref<10000x144xf32, #tpu.memory_space<hbm>> -> memref<25x144xf32, #tpu.memory_space<hbm>>
      tpu.enqueue_dma source(%arg14 : memref<25x144xf32, #tpu.memory_space<vmem>>) target(%dma_start3A_128 : memref<25x144xf32, #tpu.memory_space<hbm>>) target_semaphore(%run_scoped3A : memref<!tpu.dma_semaphore, #tpu.memory_space<semaphore_mem>>)
      %dma_wait3A = arith.constant 0 : i32
      %dma_wait3A_129 = arith.constant 0 : i32
      %dma_wait3A_130 = tpu.memref_slice %arg7[%arg0, %dma_wait3A, %dma_wait3A_129] : memref<2x10000x144xf32, #tpu.memory_space<hbm>> -> memref<1x10000x144xf32, #tpu.memory_space<hbm>>
      %dma_wait3A_131 = tpu.memref_squeeze %dma_wait3A_130 : memref<1x10000x144xf32, #tpu.memory_space<hbm>> -> memref<10000x144xf32, #tpu.memory_space<hbm>>
      %dma_wait3A_132 = arith.constant 0 : i32
      %dma_wait3A_133 = tpu.memref_slice %dma_wait3A_131[%add3A_87, %dma_wait3A_132] : memref<10000x144xf32, #tpu.memory_space<hbm>> -> memref<25x144xf32, #tpu.memory_space<hbm>>
      %dma_wait3A_134 = arith.constant 0 : i32
      %dma_wait3A_135 = arith.constant 0 : i32
      %dma_wait3A_136 = tpu.memref_slice %arg7[%arg0, %dma_wait3A_134, %dma_wait3A_135] : memref<2x10000x144xf32, #tpu.memory_space<hbm>> -> memref<1x10000x144xf32, #tpu.memory_space<hbm>>
      %dma_wait3A_137 = tpu.memref_squeeze %dma_wait3A_136 : memref<1x10000x144xf32, #tpu.memory_space<hbm>> -> memref<10000x144xf32, #tpu.memory_space<hbm>>
      %dma_wait3A_138 = arith.constant 0 : i32
      %dma_wait3A_139 = tpu.memref_slice %dma_wait3A_137[%add3A_87, %dma_wait3A_138] : memref<10000x144xf32, #tpu.memory_space<hbm>> -> memref<25x144xf32, #tpu.memory_space<hbm>>
      tpu.wait_dma2 semaphore(%run_scoped3A : memref<!tpu.dma_semaphore, #tpu.memory_space<semaphore_mem>>) src(%arg14 : memref<25x144xf32, #tpu.memory_space<vmem>>) dst(%dma_wait3A_139 : memref<25x144xf32, #tpu.memory_space<hbm>>)
      tpu.yield
    }) : () -> ()
    %add3A_88 = arith.constant 250 : i32
    %add3A_89 = arith.addi %mul3A_8, %add3A_88 : i32
    "tpu.region"() ({
      %run_scoped3A = tpu.sem_alloc : memref<!tpu.dma_semaphore, #tpu.memory_space<semaphore_mem>>
      %dma_start3A = arith.constant 0 : i32
      %dma_start3A_118 = tpu.memref_slice %arg16[%add3A_89, %dma_start3A] : memref<10000x144xf32, #tpu.memory_space<vmem_shared>> -> memref<25x144xf32, #tpu.memory_space<vmem_shared>>
      %dma_start3A_119 = arith.constant 0 : i32
      %dma_start3A_120 = tpu.memref_slice %arg16[%add3A_89, %dma_start3A_119] : memref<10000x144xf32, #tpu.memory_space<vmem_shared>> -> memref<25x144xf32, #tpu.memory_space<vmem_shared>>
      tpu.enqueue_dma source(%dma_start3A_120 : memref<25x144xf32, #tpu.memory_space<vmem_shared>>) target(%arg14 : memref<25x144xf32, #tpu.memory_space<vmem>>) target_semaphore(%run_scoped3A : memref<!tpu.dma_semaphore, #tpu.memory_space<semaphore_mem>>)
      %dma_wait3A = arith.constant 0 : i32
      %dma_wait3A_121 = tpu.memref_slice %arg16[%add3A_89, %dma_wait3A] : memref<10000x144xf32, #tpu.memory_space<vmem_shared>> -> memref<25x144xf32, #tpu.memory_space<vmem_shared>>
      %dma_wait3A_122 = arith.constant 0 : i32
      %dma_wait3A_123 = tpu.memref_slice %arg16[%add3A_89, %dma_wait3A_122] : memref<10000x144xf32, #tpu.memory_space<vmem_shared>> -> memref<25x144xf32, #tpu.memory_space<vmem_shared>>
      tpu.wait_dma2 semaphore(%run_scoped3A : memref<!tpu.dma_semaphore, #tpu.memory_space<semaphore_mem>>) src(%dma_wait3A_123 : memref<25x144xf32, #tpu.memory_space<vmem_shared>>) dst(%arg14 : memref<25x144xf32, #tpu.memory_space<vmem>>)
      tpu.yield
    }) : () -> ()
    "tpu.region"() ({
      %run_scoped3A = tpu.sem_alloc : memref<!tpu.dma_semaphore, #tpu.memory_space<semaphore_mem>>
      %dma_start3A = arith.constant 0 : i32
      %dma_start3A_118 = arith.constant 0 : i32
      %dma_start3A_119 = tpu.memref_slice %arg7[%arg0, %dma_start3A, %dma_start3A_118] : memref<2x10000x144xf32, #tpu.memory_space<hbm>> -> memref<1x10000x144xf32, #tpu.memory_space<hbm>>
      %dma_start3A_120 = tpu.memref_squeeze %dma_start3A_119 : memref<1x10000x144xf32, #tpu.memory_space<hbm>> -> memref<10000x144xf32, #tpu.memory_space<hbm>>
      %dma_start3A_121 = arith.constant 0 : i32
      %dma_start3A_122 = tpu.memref_slice %dma_start3A_120[%add3A_89, %dma_start3A_121] : memref<10000x144xf32, #tpu.memory_space<hbm>> -> memref<25x144xf32, #tpu.memory_space<hbm>>
      %dma_start3A_123 = arith.constant 0 : i32
      %dma_start3A_124 = arith.constant 0 : i32
      %dma_start3A_125 = tpu.memref_slice %arg7[%arg0, %dma_start3A_123, %dma_start3A_124] : memref<2x10000x144xf32, #tpu.memory_space<hbm>> -> memref<1x10000x144xf32, #tpu.memory_space<hbm>>
      %dma_start3A_126 = tpu.memref_squeeze %dma_start3A_125 : memref<1x10000x144xf32, #tpu.memory_space<hbm>> -> memref<10000x144xf32, #tpu.memory_space<hbm>>
      %dma_start3A_127 = arith.constant 0 : i32
      %dma_start3A_128 = tpu.memref_slice %dma_start3A_126[%add3A_89, %dma_start3A_127] : memref<10000x144xf32, #tpu.memory_space<hbm>> -> memref<25x144xf32, #tpu.memory_space<hbm>>
      tpu.enqueue_dma source(%arg14 : memref<25x144xf32, #tpu.memory_space<vmem>>) target(%dma_start3A_128 : memref<25x144xf32, #tpu.memory_space<hbm>>) target_semaphore(%run_scoped3A : memref<!tpu.dma_semaphore, #tpu.memory_space<semaphore_mem>>)
      %dma_wait3A = arith.constant 0 : i32
      %dma_wait3A_129 = arith.constant 0 : i32
      %dma_wait3A_130 = tpu.memref_slice %arg7[%arg0, %dma_wait3A, %dma_wait3A_129] : memref<2x10000x144xf32, #tpu.memory_space<hbm>> -> memref<1x10000x144xf32, #tpu.memory_space<hbm>>
      %dma_wait3A_131 = tpu.memref_squeeze %dma_wait3A_130 : memref<1x10000x144xf32, #tpu.memory_space<hbm>> -> memref<10000x144xf32, #tpu.memory_space<hbm>>
      %dma_wait3A_132 = arith.constant 0 : i32
      %dma_wait3A_133 = tpu.memref_slice %dma_wait3A_131[%add3A_89, %dma_wait3A_132] : memref<10000x144xf32, #tpu.memory_space<hbm>> -> memref<25x144xf32, #tpu.memory_space<hbm>>
      %dma_wait3A_134 = arith.constant 0 : i32
      %dma_wait3A_135 = arith.constant 0 : i32
      %dma_wait3A_136 = tpu.memref_slice %arg7[%arg0, %dma_wait3A_134, %dma_wait3A_135] : memref<2x10000x144xf32, #tpu.memory_space<hbm>> -> memref<1x10000x144xf32, #tpu.memory_space<hbm>>
      %dma_wait3A_137 = tpu.memref_squeeze %dma_wait3A_136 : memref<1x10000x144xf32, #tpu.memory_space<hbm>> -> memref<10000x144xf32, #tpu.memory_space<hbm>>
      %dma_wait3A_138 = arith.constant 0 : i32
      %dma_wait3A_139 = tpu.memref_slice %dma_wait3A_137[%add3A_89, %dma_wait3A_138] : memref<10000x144xf32, #tpu.memory_space<hbm>> -> memref<25x144xf32, #tpu.memory_space<hbm>>
      tpu.wait_dma2 semaphore(%run_scoped3A : memref<!tpu.dma_semaphore, #tpu.memory_space<semaphore_mem>>) src(%arg14 : memref<25x144xf32, #tpu.memory_space<vmem>>) dst(%dma_wait3A_139 : memref<25x144xf32, #tpu.memory_space<hbm>>)
      tpu.yield
    }) : () -> ()
    %add3A_90 = arith.constant 275 : i32
    %add3A_91 = arith.addi %mul3A_8, %add3A_90 : i32
    "tpu.region"() ({
      %run_scoped3A = tpu.sem_alloc : memref<!tpu.dma_semaphore, #tpu.memory_space<semaphore_mem>>
      %dma_start3A = arith.constant 0 : i32
      %dma_start3A_118 = tpu.memref_slice %arg16[%add3A_91, %dma_start3A] : memref<10000x144xf32, #tpu.memory_space<vmem_shared>> -> memref<25x144xf32, #tpu.memory_space<vmem_shared>>
      %dma_start3A_119 = arith.constant 0 : i32
      %dma_start3A_120 = tpu.memref_slice %arg16[%add3A_91, %dma_start3A_119] : memref<10000x144xf32, #tpu.memory_space<vmem_shared>> -> memref<25x144xf32, #tpu.memory_space<vmem_shared>>
      tpu.enqueue_dma source(%dma_start3A_120 : memref<25x144xf32, #tpu.memory_space<vmem_shared>>) target(%arg14 : memref<25x144xf32, #tpu.memory_space<vmem>>) target_semaphore(%run_scoped3A : memref<!tpu.dma_semaphore, #tpu.memory_space<semaphore_mem>>)
      %dma_wait3A = arith.constant 0 : i32
      %dma_wait3A_121 = tpu.memref_slice %arg16[%add3A_91, %dma_wait3A] : memref<10000x144xf32, #tpu.memory_space<vmem_shared>> -> memref<25x144xf32, #tpu.memory_space<vmem_shared>>
      %dma_wait3A_122 = arith.constant 0 : i32
      %dma_wait3A_123 = tpu.memref_slice %arg16[%add3A_91, %dma_wait3A_122] : memref<10000x144xf32, #tpu.memory_space<vmem_shared>> -> memref<25x144xf32, #tpu.memory_space<vmem_shared>>
      tpu.wait_dma2 semaphore(%run_scoped3A : memref<!tpu.dma_semaphore, #tpu.memory_space<semaphore_mem>>) src(%dma_wait3A_123 : memref<25x144xf32, #tpu.memory_space<vmem_shared>>) dst(%arg14 : memref<25x144xf32, #tpu.memory_space<vmem>>)
      tpu.yield
    }) : () -> ()
    "tpu.region"() ({
      %run_scoped3A = tpu.sem_alloc : memref<!tpu.dma_semaphore, #tpu.memory_space<semaphore_mem>>
      %dma_start3A = arith.constant 0 : i32
      %dma_start3A_118 = arith.constant 0 : i32
      %dma_start3A_119 = tpu.memref_slice %arg7[%arg0, %dma_start3A, %dma_start3A_118] : memref<2x10000x144xf32, #tpu.memory_space<hbm>> -> memref<1x10000x144xf32, #tpu.memory_space<hbm>>
      %dma_start3A_120 = tpu.memref_squeeze %dma_start3A_119 : memref<1x10000x144xf32, #tpu.memory_space<hbm>> -> memref<10000x144xf32, #tpu.memory_space<hbm>>
      %dma_start3A_121 = arith.constant 0 : i32
      %dma_start3A_122 = tpu.memref_slice %dma_start3A_120[%add3A_91, %dma_start3A_121] : memref<10000x144xf32, #tpu.memory_space<hbm>> -> memref<25x144xf32, #tpu.memory_space<hbm>>
      %dma_start3A_123 = arith.constant 0 : i32
      %dma_start3A_124 = arith.constant 0 : i32
      %dma_start3A_125 = tpu.memref_slice %arg7[%arg0, %dma_start3A_123, %dma_start3A_124] : memref<2x10000x144xf32, #tpu.memory_space<hbm>> -> memref<1x10000x144xf32, #tpu.memory_space<hbm>>
      %dma_start3A_126 = tpu.memref_squeeze %dma_start3A_125 : memref<1x10000x144xf32, #tpu.memory_space<hbm>> -> memref<10000x144xf32, #tpu.memory_space<hbm>>
      %dma_start3A_127 = arith.constant 0 : i32
      %dma_start3A_128 = tpu.memref_slice %dma_start3A_126[%add3A_91, %dma_start3A_127] : memref<10000x144xf32, #tpu.memory_space<hbm>> -> memref<25x144xf32, #tpu.memory_space<hbm>>
      tpu.enqueue_dma source(%arg14 : memref<25x144xf32, #tpu.memory_space<vmem>>) target(%dma_start3A_128 : memref<25x144xf32, #tpu.memory_space<hbm>>) target_semaphore(%run_scoped3A : memref<!tpu.dma_semaphore, #tpu.memory_space<semaphore_mem>>)
      %dma_wait3A = arith.constant 0 : i32
      %dma_wait3A_129 = arith.constant 0 : i32
      %dma_wait3A_130 = tpu.memref_slice %arg7[%arg0, %dma_wait3A, %dma_wait3A_129] : memref<2x10000x144xf32, #tpu.memory_space<hbm>> -> memref<1x10000x144xf32, #tpu.memory_space<hbm>>
      %dma_wait3A_131 = tpu.memref_squeeze %dma_wait3A_130 : memref<1x10000x144xf32, #tpu.memory_space<hbm>> -> memref<10000x144xf32, #tpu.memory_space<hbm>>
      %dma_wait3A_132 = arith.constant 0 : i32
      %dma_wait3A_133 = tpu.memref_slice %dma_wait3A_131[%add3A_91, %dma_wait3A_132] : memref<10000x144xf32, #tpu.memory_space<hbm>> -> memref<25x144xf32, #tpu.memory_space<hbm>>
      %dma_wait3A_134 = arith.constant 0 : i32
      %dma_wait3A_135 = arith.constant 0 : i32
      %dma_wait3A_136 = tpu.memref_slice %arg7[%arg0, %dma_wait3A_134, %dma_wait3A_135] : memref<2x10000x144xf32, #tpu.memory_space<hbm>> -> memref<1x10000x144xf32, #tpu.memory_space<hbm>>
      %dma_wait3A_137 = tpu.memref_squeeze %dma_wait3A_136 : memref<1x10000x144xf32, #tpu.memory_space<hbm>> -> memref<10000x144xf32, #tpu.memory_space<hbm>>
      %dma_wait3A_138 = arith.constant 0 : i32
      %dma_wait3A_139 = tpu.memref_slice %dma_wait3A_137[%add3A_91, %dma_wait3A_138] : memref<10000x144xf32, #tpu.memory_space<hbm>> -> memref<25x144xf32, #tpu.memory_space<hbm>>
      tpu.wait_dma2 semaphore(%run_scoped3A : memref<!tpu.dma_semaphore, #tpu.memory_space<semaphore_mem>>) src(%arg14 : memref<25x144xf32, #tpu.memory_space<vmem>>) dst(%dma_wait3A_139 : memref<25x144xf32, #tpu.memory_space<hbm>>)
      tpu.yield
    }) : () -> ()
    %add3A_92 = arith.constant 300 : i32
    %add3A_93 = arith.addi %mul3A_8, %add3A_92 : i32
    "tpu.region"() ({
      %run_scoped3A = tpu.sem_alloc : memref<!tpu.dma_semaphore, #tpu.memory_space<semaphore_mem>>
      %dma_start3A = arith.constant 0 : i32
      %dma_start3A_118 = tpu.memref_slice %arg16[%add3A_93, %dma_start3A] : memref<10000x144xf32, #tpu.memory_space<vmem_shared>> -> memref<25x144xf32, #tpu.memory_space<vmem_shared>>
      %dma_start3A_119 = arith.constant 0 : i32
      %dma_start3A_120 = tpu.memref_slice %arg16[%add3A_93, %dma_start3A_119] : memref<10000x144xf32, #tpu.memory_space<vmem_shared>> -> memref<25x144xf32, #tpu.memory_space<vmem_shared>>
      tpu.enqueue_dma source(%dma_start3A_120 : memref<25x144xf32, #tpu.memory_space<vmem_shared>>) target(%arg14 : memref<25x144xf32, #tpu.memory_space<vmem>>) target_semaphore(%run_scoped3A : memref<!tpu.dma_semaphore, #tpu.memory_space<semaphore_mem>>)
      %dma_wait3A = arith.constant 0 : i32
      %dma_wait3A_121 = tpu.memref_slice %arg16[%add3A_93, %dma_wait3A] : memref<10000x144xf32, #tpu.memory_space<vmem_shared>> -> memref<25x144xf32, #tpu.memory_space<vmem_shared>>
      %dma_wait3A_122 = arith.constant 0 : i32
      %dma_wait3A_123 = tpu.memref_slice %arg16[%add3A_93, %dma_wait3A_122] : memref<10000x144xf32, #tpu.memory_space<vmem_shared>> -> memref<25x144xf32, #tpu.memory_space<vmem_shared>>
      tpu.wait_dma2 semaphore(%run_scoped3A : memref<!tpu.dma_semaphore, #tpu.memory_space<semaphore_mem>>) src(%dma_wait3A_123 : memref<25x144xf32, #tpu.memory_space<vmem_shared>>) dst(%arg14 : memref<25x144xf32, #tpu.memory_space<vmem>>)
      tpu.yield
    }) : () -> ()
    "tpu.region"() ({
      %run_scoped3A = tpu.sem_alloc : memref<!tpu.dma_semaphore, #tpu.memory_space<semaphore_mem>>
      %dma_start3A = arith.constant 0 : i32
      %dma_start3A_118 = arith.constant 0 : i32
      %dma_start3A_119 = tpu.memref_slice %arg7[%arg0, %dma_start3A, %dma_start3A_118] : memref<2x10000x144xf32, #tpu.memory_space<hbm>> -> memref<1x10000x144xf32, #tpu.memory_space<hbm>>
      %dma_start3A_120 = tpu.memref_squeeze %dma_start3A_119 : memref<1x10000x144xf32, #tpu.memory_space<hbm>> -> memref<10000x144xf32, #tpu.memory_space<hbm>>
      %dma_start3A_121 = arith.constant 0 : i32
      %dma_start3A_122 = tpu.memref_slice %dma_start3A_120[%add3A_93, %dma_start3A_121] : memref<10000x144xf32, #tpu.memory_space<hbm>> -> memref<25x144xf32, #tpu.memory_space<hbm>>
      %dma_start3A_123 = arith.constant 0 : i32
      %dma_start3A_124 = arith.constant 0 : i32
      %dma_start3A_125 = tpu.memref_slice %arg7[%arg0, %dma_start3A_123, %dma_start3A_124] : memref<2x10000x144xf32, #tpu.memory_space<hbm>> -> memref<1x10000x144xf32, #tpu.memory_space<hbm>>
      %dma_start3A_126 = tpu.memref_squeeze %dma_start3A_125 : memref<1x10000x144xf32, #tpu.memory_space<hbm>> -> memref<10000x144xf32, #tpu.memory_space<hbm>>
      %dma_start3A_127 = arith.constant 0 : i32
      %dma_start3A_128 = tpu.memref_slice %dma_start3A_126[%add3A_93, %dma_start3A_127] : memref<10000x144xf32, #tpu.memory_space<hbm>> -> memref<25x144xf32, #tpu.memory_space<hbm>>
      tpu.enqueue_dma source(%arg14 : memref<25x144xf32, #tpu.memory_space<vmem>>) target(%dma_start3A_128 : memref<25x144xf32, #tpu.memory_space<hbm>>) target_semaphore(%run_scoped3A : memref<!tpu.dma_semaphore, #tpu.memory_space<semaphore_mem>>)
      %dma_wait3A = arith.constant 0 : i32
      %dma_wait3A_129 = arith.constant 0 : i32
      %dma_wait3A_130 = tpu.memref_slice %arg7[%arg0, %dma_wait3A, %dma_wait3A_129] : memref<2x10000x144xf32, #tpu.memory_space<hbm>> -> memref<1x10000x144xf32, #tpu.memory_space<hbm>>
      %dma_wait3A_131 = tpu.memref_squeeze %dma_wait3A_130 : memref<1x10000x144xf32, #tpu.memory_space<hbm>> -> memref<10000x144xf32, #tpu.memory_space<hbm>>
      %dma_wait3A_132 = arith.constant 0 : i32
      %dma_wait3A_133 = tpu.memref_slice %dma_wait3A_131[%add3A_93, %dma_wait3A_132] : memref<10000x144xf32, #tpu.memory_space<hbm>> -> memref<25x144xf32, #tpu.memory_space<hbm>>
      %dma_wait3A_134 = arith.constant 0 : i32
      %dma_wait3A_135 = arith.constant 0 : i32
      %dma_wait3A_136 = tpu.memref_slice %arg7[%arg0, %dma_wait3A_134, %dma_wait3A_135] : memref<2x10000x144xf32, #tpu.memory_space<hbm>> -> memref<1x10000x144xf32, #tpu.memory_space<hbm>>
      %dma_wait3A_137 = tpu.memref_squeeze %dma_wait3A_136 : memref<1x10000x144xf32, #tpu.memory_space<hbm>> -> memref<10000x144xf32, #tpu.memory_space<hbm>>
      %dma_wait3A_138 = arith.constant 0 : i32
      %dma_wait3A_139 = tpu.memref_slice %dma_wait3A_137[%add3A_93, %dma_wait3A_138] : memref<10000x144xf32, #tpu.memory_space<hbm>> -> memref<25x144xf32, #tpu.memory_space<hbm>>
      tpu.wait_dma2 semaphore(%run_scoped3A : memref<!tpu.dma_semaphore, #tpu.memory_space<semaphore_mem>>) src(%arg14 : memref<25x144xf32, #tpu.memory_space<vmem>>) dst(%dma_wait3A_139 : memref<25x144xf32, #tpu.memory_space<hbm>>)
      tpu.yield
    }) : () -> ()
    %add3A_94 = arith.constant 325 : i32
    %add3A_95 = arith.addi %mul3A_8, %add3A_94 : i32
    "tpu.region"() ({
      %run_scoped3A = tpu.sem_alloc : memref<!tpu.dma_semaphore, #tpu.memory_space<semaphore_mem>>
      %dma_start3A = arith.constant 0 : i32
      %dma_start3A_118 = tpu.memref_slice %arg16[%add3A_95, %dma_start3A] : memref<10000x144xf32, #tpu.memory_space<vmem_shared>> -> memref<25x144xf32, #tpu.memory_space<vmem_shared>>
      %dma_start3A_119 = arith.constant 0 : i32
      %dma_start3A_120 = tpu.memref_slice %arg16[%add3A_95, %dma_start3A_119] : memref<10000x144xf32, #tpu.memory_space<vmem_shared>> -> memref<25x144xf32, #tpu.memory_space<vmem_shared>>
      tpu.enqueue_dma source(%dma_start3A_120 : memref<25x144xf32, #tpu.memory_space<vmem_shared>>) target(%arg14 : memref<25x144xf32, #tpu.memory_space<vmem>>) target_semaphore(%run_scoped3A : memref<!tpu.dma_semaphore, #tpu.memory_space<semaphore_mem>>)
      %dma_wait3A = arith.constant 0 : i32
      %dma_wait3A_121 = tpu.memref_slice %arg16[%add3A_95, %dma_wait3A] : memref<10000x144xf32, #tpu.memory_space<vmem_shared>> -> memref<25x144xf32, #tpu.memory_space<vmem_shared>>
      %dma_wait3A_122 = arith.constant 0 : i32
      %dma_wait3A_123 = tpu.memref_slice %arg16[%add3A_95, %dma_wait3A_122] : memref<10000x144xf32, #tpu.memory_space<vmem_shared>> -> memref<25x144xf32, #tpu.memory_space<vmem_shared>>
      tpu.wait_dma2 semaphore(%run_scoped3A : memref<!tpu.dma_semaphore, #tpu.memory_space<semaphore_mem>>) src(%dma_wait3A_123 : memref<25x144xf32, #tpu.memory_space<vmem_shared>>) dst(%arg14 : memref<25x144xf32, #tpu.memory_space<vmem>>)
      tpu.yield
    }) : () -> ()
    "tpu.region"() ({
      %run_scoped3A = tpu.sem_alloc : memref<!tpu.dma_semaphore, #tpu.memory_space<semaphore_mem>>
      %dma_start3A = arith.constant 0 : i32
      %dma_start3A_118 = arith.constant 0 : i32
      %dma_start3A_119 = tpu.memref_slice %arg7[%arg0, %dma_start3A, %dma_start3A_118] : memref<2x10000x144xf32, #tpu.memory_space<hbm>> -> memref<1x10000x144xf32, #tpu.memory_space<hbm>>
      %dma_start3A_120 = tpu.memref_squeeze %dma_start3A_119 : memref<1x10000x144xf32, #tpu.memory_space<hbm>> -> memref<10000x144xf32, #tpu.memory_space<hbm>>
      %dma_start3A_121 = arith.constant 0 : i32
      %dma_start3A_122 = tpu.memref_slice %dma_start3A_120[%add3A_95, %dma_start3A_121] : memref<10000x144xf32, #tpu.memory_space<hbm>> -> memref<25x144xf32, #tpu.memory_space<hbm>>
      %dma_start3A_123 = arith.constant 0 : i32
      %dma_start3A_124 = arith.constant 0 : i32
      %dma_start3A_125 = tpu.memref_slice %arg7[%arg0, %dma_start3A_123, %dma_start3A_124] : memref<2x10000x144xf32, #tpu.memory_space<hbm>> -> memref<1x10000x144xf32, #tpu.memory_space<hbm>>
      %dma_start3A_126 = tpu.memref_squeeze %dma_start3A_125 : memref<1x10000x144xf32, #tpu.memory_space<hbm>> -> memref<10000x144xf32, #tpu.memory_space<hbm>>
      %dma_start3A_127 = arith.constant 0 : i32
      %dma_start3A_128 = tpu.memref_slice %dma_start3A_126[%add3A_95, %dma_start3A_127] : memref<10000x144xf32, #tpu.memory_space<hbm>> -> memref<25x144xf32, #tpu.memory_space<hbm>>
      tpu.enqueue_dma source(%arg14 : memref<25x144xf32, #tpu.memory_space<vmem>>) target(%dma_start3A_128 : memref<25x144xf32, #tpu.memory_space<hbm>>) target_semaphore(%run_scoped3A : memref<!tpu.dma_semaphore, #tpu.memory_space<semaphore_mem>>)
      %dma_wait3A = arith.constant 0 : i32
      %dma_wait3A_129 = arith.constant 0 : i32
      %dma_wait3A_130 = tpu.memref_slice %arg7[%arg0, %dma_wait3A, %dma_wait3A_129] : memref<2x10000x144xf32, #tpu.memory_space<hbm>> -> memref<1x10000x144xf32, #tpu.memory_space<hbm>>
      %dma_wait3A_131 = tpu.memref_squeeze %dma_wait3A_130 : memref<1x10000x144xf32, #tpu.memory_space<hbm>> -> memref<10000x144xf32, #tpu.memory_space<hbm>>
      %dma_wait3A_132 = arith.constant 0 : i32
      %dma_wait3A_133 = tpu.memref_slice %dma_wait3A_131[%add3A_95, %dma_wait3A_132] : memref<10000x144xf32, #tpu.memory_space<hbm>> -> memref<25x144xf32, #tpu.memory_space<hbm>>
      %dma_wait3A_134 = arith.constant 0 : i32
      %dma_wait3A_135 = arith.constant 0 : i32
      %dma_wait3A_136 = tpu.memref_slice %arg7[%arg0, %dma_wait3A_134, %dma_wait3A_135] : memref<2x10000x144xf32, #tpu.memory_space<hbm>> -> memref<1x10000x144xf32, #tpu.memory_space<hbm>>
      %dma_wait3A_137 = tpu.memref_squeeze %dma_wait3A_136 : memref<1x10000x144xf32, #tpu.memory_space<hbm>> -> memref<10000x144xf32, #tpu.memory_space<hbm>>
      %dma_wait3A_138 = arith.constant 0 : i32
      %dma_wait3A_139 = tpu.memref_slice %dma_wait3A_137[%add3A_95, %dma_wait3A_138] : memref<10000x144xf32, #tpu.memory_space<hbm>> -> memref<25x144xf32, #tpu.memory_space<hbm>>
      tpu.wait_dma2 semaphore(%run_scoped3A : memref<!tpu.dma_semaphore, #tpu.memory_space<semaphore_mem>>) src(%arg14 : memref<25x144xf32, #tpu.memory_space<vmem>>) dst(%dma_wait3A_139 : memref<25x144xf32, #tpu.memory_space<hbm>>)
      tpu.yield
    }) : () -> ()
    %add3A_96 = arith.constant 350 : i32
    %add3A_97 = arith.addi %mul3A_8, %add3A_96 : i32
    "tpu.region"() ({
      %run_scoped3A = tpu.sem_alloc : memref<!tpu.dma_semaphore, #tpu.memory_space<semaphore_mem>>
      %dma_start3A = arith.constant 0 : i32
      %dma_start3A_118 = tpu.memref_slice %arg16[%add3A_97, %dma_start3A] : memref<10000x144xf32, #tpu.memory_space<vmem_shared>> -> memref<25x144xf32, #tpu.memory_space<vmem_shared>>
      %dma_start3A_119 = arith.constant 0 : i32
      %dma_start3A_120 = tpu.memref_slice %arg16[%add3A_97, %dma_start3A_119] : memref<10000x144xf32, #tpu.memory_space<vmem_shared>> -> memref<25x144xf32, #tpu.memory_space<vmem_shared>>
      tpu.enqueue_dma source(%dma_start3A_120 : memref<25x144xf32, #tpu.memory_space<vmem_shared>>) target(%arg14 : memref<25x144xf32, #tpu.memory_space<vmem>>) target_semaphore(%run_scoped3A : memref<!tpu.dma_semaphore, #tpu.memory_space<semaphore_mem>>)
      %dma_wait3A = arith.constant 0 : i32
      %dma_wait3A_121 = tpu.memref_slice %arg16[%add3A_97, %dma_wait3A] : memref<10000x144xf32, #tpu.memory_space<vmem_shared>> -> memref<25x144xf32, #tpu.memory_space<vmem_shared>>
      %dma_wait3A_122 = arith.constant 0 : i32
      %dma_wait3A_123 = tpu.memref_slice %arg16[%add3A_97, %dma_wait3A_122] : memref<10000x144xf32, #tpu.memory_space<vmem_shared>> -> memref<25x144xf32, #tpu.memory_space<vmem_shared>>
      tpu.wait_dma2 semaphore(%run_scoped3A : memref<!tpu.dma_semaphore, #tpu.memory_space<semaphore_mem>>) src(%dma_wait3A_123 : memref<25x144xf32, #tpu.memory_space<vmem_shared>>) dst(%arg14 : memref<25x144xf32, #tpu.memory_space<vmem>>)
      tpu.yield
    }) : () -> ()
    "tpu.region"() ({
      %run_scoped3A = tpu.sem_alloc : memref<!tpu.dma_semaphore, #tpu.memory_space<semaphore_mem>>
      %dma_start3A = arith.constant 0 : i32
      %dma_start3A_118 = arith.constant 0 : i32
      %dma_start3A_119 = tpu.memref_slice %arg7[%arg0, %dma_start3A, %dma_start3A_118] : memref<2x10000x144xf32, #tpu.memory_space<hbm>> -> memref<1x10000x144xf32, #tpu.memory_space<hbm>>
      %dma_start3A_120 = tpu.memref_squeeze %dma_start3A_119 : memref<1x10000x144xf32, #tpu.memory_space<hbm>> -> memref<10000x144xf32, #tpu.memory_space<hbm>>
      %dma_start3A_121 = arith.constant 0 : i32
      %dma_start3A_122 = tpu.memref_slice %dma_start3A_120[%add3A_97, %dma_start3A_121] : memref<10000x144xf32, #tpu.memory_space<hbm>> -> memref<25x144xf32, #tpu.memory_space<hbm>>
      %dma_start3A_123 = arith.constant 0 : i32
      %dma_start3A_124 = arith.constant 0 : i32
      %dma_start3A_125 = tpu.memref_slice %arg7[%arg0, %dma_start3A_123, %dma_start3A_124] : memref<2x10000x144xf32, #tpu.memory_space<hbm>> -> memref<1x10000x144xf32, #tpu.memory_space<hbm>>
      %dma_start3A_126 = tpu.memref_squeeze %dma_start3A_125 : memref<1x10000x144xf32, #tpu.memory_space<hbm>> -> memref<10000x144xf32, #tpu.memory_space<hbm>>
      %dma_start3A_127 = arith.constant 0 : i32
      %dma_start3A_128 = tpu.memref_slice %dma_start3A_126[%add3A_97, %dma_start3A_127] : memref<10000x144xf32, #tpu.memory_space<hbm>> -> memref<25x144xf32, #tpu.memory_space<hbm>>
      tpu.enqueue_dma source(%arg14 : memref<25x144xf32, #tpu.memory_space<vmem>>) target(%dma_start3A_128 : memref<25x144xf32, #tpu.memory_space<hbm>>) target_semaphore(%run_scoped3A : memref<!tpu.dma_semaphore, #tpu.memory_space<semaphore_mem>>)
      %dma_wait3A = arith.constant 0 : i32
      %dma_wait3A_129 = arith.constant 0 : i32
      %dma_wait3A_130 = tpu.memref_slice %arg7[%arg0, %dma_wait3A, %dma_wait3A_129] : memref<2x10000x144xf32, #tpu.memory_space<hbm>> -> memref<1x10000x144xf32, #tpu.memory_space<hbm>>
      %dma_wait3A_131 = tpu.memref_squeeze %dma_wait3A_130 : memref<1x10000x144xf32, #tpu.memory_space<hbm>> -> memref<10000x144xf32, #tpu.memory_space<hbm>>
      %dma_wait3A_132 = arith.constant 0 : i32
      %dma_wait3A_133 = tpu.memref_slice %dma_wait3A_131[%add3A_97, %dma_wait3A_132] : memref<10000x144xf32, #tpu.memory_space<hbm>> -> memref<25x144xf32, #tpu.memory_space<hbm>>
      %dma_wait3A_134 = arith.constant 0 : i32
      %dma_wait3A_135 = arith.constant 0 : i32
      %dma_wait3A_136 = tpu.memref_slice %arg7[%arg0, %dma_wait3A_134, %dma_wait3A_135] : memref<2x10000x144xf32, #tpu.memory_space<hbm>> -> memref<1x10000x144xf32, #tpu.memory_space<hbm>>
      %dma_wait3A_137 = tpu.memref_squeeze %dma_wait3A_136 : memref<1x10000x144xf32, #tpu.memory_space<hbm>> -> memref<10000x144xf32, #tpu.memory_space<hbm>>
      %dma_wait3A_138 = arith.constant 0 : i32
      %dma_wait3A_139 = tpu.memref_slice %dma_wait3A_137[%add3A_97, %dma_wait3A_138] : memref<10000x144xf32, #tpu.memory_space<hbm>> -> memref<25x144xf32, #tpu.memory_space<hbm>>
      tpu.wait_dma2 semaphore(%run_scoped3A : memref<!tpu.dma_semaphore, #tpu.memory_space<semaphore_mem>>) src(%arg14 : memref<25x144xf32, #tpu.memory_space<vmem>>) dst(%dma_wait3A_139 : memref<25x144xf32, #tpu.memory_space<hbm>>)
      tpu.yield
    }) : () -> ()
    %add3A_98 = arith.constant 375 : i32
    %add3A_99 = arith.addi %mul3A_8, %add3A_98 : i32
    "tpu.region"() ({
      %run_scoped3A = tpu.sem_alloc : memref<!tpu.dma_semaphore, #tpu.memory_space<semaphore_mem>>
      %dma_start3A = arith.constant 0 : i32
      %dma_start3A_118 = tpu.memref_slice %arg16[%add3A_99, %dma_start3A] : memref<10000x144xf32, #tpu.memory_space<vmem_shared>> -> memref<25x144xf32, #tpu.memory_space<vmem_shared>>
      %dma_start3A_119 = arith.constant 0 : i32
      %dma_start3A_120 = tpu.memref_slice %arg16[%add3A_99, %dma_start3A_119] : memref<10000x144xf32, #tpu.memory_space<vmem_shared>> -> memref<25x144xf32, #tpu.memory_space<vmem_shared>>
      tpu.enqueue_dma source(%dma_start3A_120 : memref<25x144xf32, #tpu.memory_space<vmem_shared>>) target(%arg14 : memref<25x144xf32, #tpu.memory_space<vmem>>) target_semaphore(%run_scoped3A : memref<!tpu.dma_semaphore, #tpu.memory_space<semaphore_mem>>)
      %dma_wait3A = arith.constant 0 : i32
      %dma_wait3A_121 = tpu.memref_slice %arg16[%add3A_99, %dma_wait3A] : memref<10000x144xf32, #tpu.memory_space<vmem_shared>> -> memref<25x144xf32, #tpu.memory_space<vmem_shared>>
      %dma_wait3A_122 = arith.constant 0 : i32
      %dma_wait3A_123 = tpu.memref_slice %arg16[%add3A_99, %dma_wait3A_122] : memref<10000x144xf32, #tpu.memory_space<vmem_shared>> -> memref<25x144xf32, #tpu.memory_space<vmem_shared>>
      tpu.wait_dma2 semaphore(%run_scoped3A : memref<!tpu.dma_semaphore, #tpu.memory_space<semaphore_mem>>) src(%dma_wait3A_123 : memref<25x144xf32, #tpu.memory_space<vmem_shared>>) dst(%arg14 : memref<25x144xf32, #tpu.memory_space<vmem>>)
      tpu.yield
    }) : () -> ()
    "tpu.region"() ({
      %run_scoped3A = tpu.sem_alloc : memref<!tpu.dma_semaphore, #tpu.memory_space<semaphore_mem>>
      %dma_start3A = arith.constant 0 : i32
      %dma_start3A_118 = arith.constant 0 : i32
      %dma_start3A_119 = tpu.memref_slice %arg7[%arg0, %dma_start3A, %dma_start3A_118] : memref<2x10000x144xf32, #tpu.memory_space<hbm>> -> memref<1x10000x144xf32, #tpu.memory_space<hbm>>
      %dma_start3A_120 = tpu.memref_squeeze %dma_start3A_119 : memref<1x10000x144xf32, #tpu.memory_space<hbm>> -> memref<10000x144xf32, #tpu.memory_space<hbm>>
      %dma_start3A_121 = arith.constant 0 : i32
      %dma_start3A_122 = tpu.memref_slice %dma_start3A_120[%add3A_99, %dma_start3A_121] : memref<10000x144xf32, #tpu.memory_space<hbm>> -> memref<25x144xf32, #tpu.memory_space<hbm>>
      %dma_start3A_123 = arith.constant 0 : i32
      %dma_start3A_124 = arith.constant 0 : i32
      %dma_start3A_125 = tpu.memref_slice %arg7[%arg0, %dma_start3A_123, %dma_start3A_124] : memref<2x10000x144xf32, #tpu.memory_space<hbm>> -> memref<1x10000x144xf32, #tpu.memory_space<hbm>>
      %dma_start3A_126 = tpu.memref_squeeze %dma_start3A_125 : memref<1x10000x144xf32, #tpu.memory_space<hbm>> -> memref<10000x144xf32, #tpu.memory_space<hbm>>
      %dma_start3A_127 = arith.constant 0 : i32
      %dma_start3A_128 = tpu.memref_slice %dma_start3A_126[%add3A_99, %dma_start3A_127] : memref<10000x144xf32, #tpu.memory_space<hbm>> -> memref<25x144xf32, #tpu.memory_space<hbm>>
      tpu.enqueue_dma source(%arg14 : memref<25x144xf32, #tpu.memory_space<vmem>>) target(%dma_start3A_128 : memref<25x144xf32, #tpu.memory_space<hbm>>) target_semaphore(%run_scoped3A : memref<!tpu.dma_semaphore, #tpu.memory_space<semaphore_mem>>)
      %dma_wait3A = arith.constant 0 : i32
      %dma_wait3A_129 = arith.constant 0 : i32
      %dma_wait3A_130 = tpu.memref_slice %arg7[%arg0, %dma_wait3A, %dma_wait3A_129] : memref<2x10000x144xf32, #tpu.memory_space<hbm>> -> memref<1x10000x144xf32, #tpu.memory_space<hbm>>
      %dma_wait3A_131 = tpu.memref_squeeze %dma_wait3A_130 : memref<1x10000x144xf32, #tpu.memory_space<hbm>> -> memref<10000x144xf32, #tpu.memory_space<hbm>>
      %dma_wait3A_132 = arith.constant 0 : i32
      %dma_wait3A_133 = tpu.memref_slice %dma_wait3A_131[%add3A_99, %dma_wait3A_132] : memref<10000x144xf32, #tpu.memory_space<hbm>> -> memref<25x144xf32, #tpu.memory_space<hbm>>
      %dma_wait3A_134 = arith.constant 0 : i32
      %dma_wait3A_135 = arith.constant 0 : i32
      %dma_wait3A_136 = tpu.memref_slice %arg7[%arg0, %dma_wait3A_134, %dma_wait3A_135] : memref<2x10000x144xf32, #tpu.memory_space<hbm>> -> memref<1x10000x144xf32, #tpu.memory_space<hbm>>
      %dma_wait3A_137 = tpu.memref_squeeze %dma_wait3A_136 : memref<1x10000x144xf32, #tpu.memory_space<hbm>> -> memref<10000x144xf32, #tpu.memory_space<hbm>>
      %dma_wait3A_138 = arith.constant 0 : i32
      %dma_wait3A_139 = tpu.memref_slice %dma_wait3A_137[%add3A_99, %dma_wait3A_138] : memref<10000x144xf32, #tpu.memory_space<hbm>> -> memref<25x144xf32, #tpu.memory_space<hbm>>
      tpu.wait_dma2 semaphore(%run_scoped3A : memref<!tpu.dma_semaphore, #tpu.memory_space<semaphore_mem>>) src(%arg14 : memref<25x144xf32, #tpu.memory_space<vmem>>) dst(%dma_wait3A_139 : memref<25x144xf32, #tpu.memory_space<hbm>>)
      tpu.yield
    }) : () -> ()
    %add3A_100 = arith.constant 400 : i32
    %add3A_101 = arith.addi %mul3A_8, %add3A_100 : i32
    "tpu.region"() ({
      %run_scoped3A = tpu.sem_alloc : memref<!tpu.dma_semaphore, #tpu.memory_space<semaphore_mem>>
      %dma_start3A = arith.constant 0 : i32
      %dma_start3A_118 = tpu.memref_slice %arg16[%add3A_101, %dma_start3A] : memref<10000x144xf32, #tpu.memory_space<vmem_shared>> -> memref<25x144xf32, #tpu.memory_space<vmem_shared>>
      %dma_start3A_119 = arith.constant 0 : i32
      %dma_start3A_120 = tpu.memref_slice %arg16[%add3A_101, %dma_start3A_119] : memref<10000x144xf32, #tpu.memory_space<vmem_shared>> -> memref<25x144xf32, #tpu.memory_space<vmem_shared>>
      tpu.enqueue_dma source(%dma_start3A_120 : memref<25x144xf32, #tpu.memory_space<vmem_shared>>) target(%arg14 : memref<25x144xf32, #tpu.memory_space<vmem>>) target_semaphore(%run_scoped3A : memref<!tpu.dma_semaphore, #tpu.memory_space<semaphore_mem>>)
      %dma_wait3A = arith.constant 0 : i32
      %dma_wait3A_121 = tpu.memref_slice %arg16[%add3A_101, %dma_wait3A] : memref<10000x144xf32, #tpu.memory_space<vmem_shared>> -> memref<25x144xf32, #tpu.memory_space<vmem_shared>>
      %dma_wait3A_122 = arith.constant 0 : i32
      %dma_wait3A_123 = tpu.memref_slice %arg16[%add3A_101, %dma_wait3A_122] : memref<10000x144xf32, #tpu.memory_space<vmem_shared>> -> memref<25x144xf32, #tpu.memory_space<vmem_shared>>
      tpu.wait_dma2 semaphore(%run_scoped3A : memref<!tpu.dma_semaphore, #tpu.memory_space<semaphore_mem>>) src(%dma_wait3A_123 : memref<25x144xf32, #tpu.memory_space<vmem_shared>>) dst(%arg14 : memref<25x144xf32, #tpu.memory_space<vmem>>)
      tpu.yield
    }) : () -> ()
    "tpu.region"() ({
      %run_scoped3A = tpu.sem_alloc : memref<!tpu.dma_semaphore, #tpu.memory_space<semaphore_mem>>
      %dma_start3A = arith.constant 0 : i32
      %dma_start3A_118 = arith.constant 0 : i32
      %dma_start3A_119 = tpu.memref_slice %arg7[%arg0, %dma_start3A, %dma_start3A_118] : memref<2x10000x144xf32, #tpu.memory_space<hbm>> -> memref<1x10000x144xf32, #tpu.memory_space<hbm>>
      %dma_start3A_120 = tpu.memref_squeeze %dma_start3A_119 : memref<1x10000x144xf32, #tpu.memory_space<hbm>> -> memref<10000x144xf32, #tpu.memory_space<hbm>>
      %dma_start3A_121 = arith.constant 0 : i32
      %dma_start3A_122 = tpu.memref_slice %dma_start3A_120[%add3A_101, %dma_start3A_121] : memref<10000x144xf32, #tpu.memory_space<hbm>> -> memref<25x144xf32, #tpu.memory_space<hbm>>
      %dma_start3A_123 = arith.constant 0 : i32
      %dma_start3A_124 = arith.constant 0 : i32
      %dma_start3A_125 = tpu.memref_slice %arg7[%arg0, %dma_start3A_123, %dma_start3A_124] : memref<2x10000x144xf32, #tpu.memory_space<hbm>> -> memref<1x10000x144xf32, #tpu.memory_space<hbm>>
      %dma_start3A_126 = tpu.memref_squeeze %dma_start3A_125 : memref<1x10000x144xf32, #tpu.memory_space<hbm>> -> memref<10000x144xf32, #tpu.memory_space<hbm>>
      %dma_start3A_127 = arith.constant 0 : i32
      %dma_start3A_128 = tpu.memref_slice %dma_start3A_126[%add3A_101, %dma_start3A_127] : memref<10000x144xf32, #tpu.memory_space<hbm>> -> memref<25x144xf32, #tpu.memory_space<hbm>>
      tpu.enqueue_dma source(%arg14 : memref<25x144xf32, #tpu.memory_space<vmem>>) target(%dma_start3A_128 : memref<25x144xf32, #tpu.memory_space<hbm>>) target_semaphore(%run_scoped3A : memref<!tpu.dma_semaphore, #tpu.memory_space<semaphore_mem>>)
      %dma_wait3A = arith.constant 0 : i32
      %dma_wait3A_129 = arith.constant 0 : i32
      %dma_wait3A_130 = tpu.memref_slice %arg7[%arg0, %dma_wait3A, %dma_wait3A_129] : memref<2x10000x144xf32, #tpu.memory_space<hbm>> -> memref<1x10000x144xf32, #tpu.memory_space<hbm>>
      %dma_wait3A_131 = tpu.memref_squeeze %dma_wait3A_130 : memref<1x10000x144xf32, #tpu.memory_space<hbm>> -> memref<10000x144xf32, #tpu.memory_space<hbm>>
      %dma_wait3A_132 = arith.constant 0 : i32
      %dma_wait3A_133 = tpu.memref_slice %dma_wait3A_131[%add3A_101, %dma_wait3A_132] : memref<10000x144xf32, #tpu.memory_space<hbm>> -> memref<25x144xf32, #tpu.memory_space<hbm>>
      %dma_wait3A_134 = arith.constant 0 : i32
      %dma_wait3A_135 = arith.constant 0 : i32
      %dma_wait3A_136 = tpu.memref_slice %arg7[%arg0, %dma_wait3A_134, %dma_wait3A_135] : memref<2x10000x144xf32, #tpu.memory_space<hbm>> -> memref<1x10000x144xf32, #tpu.memory_space<hbm>>
      %dma_wait3A_137 = tpu.memref_squeeze %dma_wait3A_136 : memref<1x10000x144xf32, #tpu.memory_space<hbm>> -> memref<10000x144xf32, #tpu.memory_space<hbm>>
      %dma_wait3A_138 = arith.constant 0 : i32
      %dma_wait3A_139 = tpu.memref_slice %dma_wait3A_137[%add3A_101, %dma_wait3A_138] : memref<10000x144xf32, #tpu.memory_space<hbm>> -> memref<25x144xf32, #tpu.memory_space<hbm>>
      tpu.wait_dma2 semaphore(%run_scoped3A : memref<!tpu.dma_semaphore, #tpu.memory_space<semaphore_mem>>) src(%arg14 : memref<25x144xf32, #tpu.memory_space<vmem>>) dst(%dma_wait3A_139 : memref<25x144xf32, #tpu.memory_space<hbm>>)
      tpu.yield
    }) : () -> ()
    %add3A_102 = arith.constant 425 : i32
    %add3A_103 = arith.addi %mul3A_8, %add3A_102 : i32
    "tpu.region"() ({
      %run_scoped3A = tpu.sem_alloc : memref<!tpu.dma_semaphore, #tpu.memory_space<semaphore_mem>>
      %dma_start3A = arith.constant 0 : i32
      %dma_start3A_118 = tpu.memref_slice %arg16[%add3A_103, %dma_start3A] : memref<10000x144xf32, #tpu.memory_space<vmem_shared>> -> memref<25x144xf32, #tpu.memory_space<vmem_shared>>
      %dma_start3A_119 = arith.constant 0 : i32
      %dma_start3A_120 = tpu.memref_slice %arg16[%add3A_103, %dma_start3A_119] : memref<10000x144xf32, #tpu.memory_space<vmem_shared>> -> memref<25x144xf32, #tpu.memory_space<vmem_shared>>
      tpu.enqueue_dma source(%dma_start3A_120 : memref<25x144xf32, #tpu.memory_space<vmem_shared>>) target(%arg14 : memref<25x144xf32, #tpu.memory_space<vmem>>) target_semaphore(%run_scoped3A : memref<!tpu.dma_semaphore, #tpu.memory_space<semaphore_mem>>)
      %dma_wait3A = arith.constant 0 : i32
      %dma_wait3A_121 = tpu.memref_slice %arg16[%add3A_103, %dma_wait3A] : memref<10000x144xf32, #tpu.memory_space<vmem_shared>> -> memref<25x144xf32, #tpu.memory_space<vmem_shared>>
      %dma_wait3A_122 = arith.constant 0 : i32
      %dma_wait3A_123 = tpu.memref_slice %arg16[%add3A_103, %dma_wait3A_122] : memref<10000x144xf32, #tpu.memory_space<vmem_shared>> -> memref<25x144xf32, #tpu.memory_space<vmem_shared>>
      tpu.wait_dma2 semaphore(%run_scoped3A : memref<!tpu.dma_semaphore, #tpu.memory_space<semaphore_mem>>) src(%dma_wait3A_123 : memref<25x144xf32, #tpu.memory_space<vmem_shared>>) dst(%arg14 : memref<25x144xf32, #tpu.memory_space<vmem>>)
      tpu.yield
    }) : () -> ()
    "tpu.region"() ({
      %run_scoped3A = tpu.sem_alloc : memref<!tpu.dma_semaphore, #tpu.memory_space<semaphore_mem>>
      %dma_start3A = arith.constant 0 : i32
      %dma_start3A_118 = arith.constant 0 : i32
      %dma_start3A_119 = tpu.memref_slice %arg7[%arg0, %dma_start3A, %dma_start3A_118] : memref<2x10000x144xf32, #tpu.memory_space<hbm>> -> memref<1x10000x144xf32, #tpu.memory_space<hbm>>
      %dma_start3A_120 = tpu.memref_squeeze %dma_start3A_119 : memref<1x10000x144xf32, #tpu.memory_space<hbm>> -> memref<10000x144xf32, #tpu.memory_space<hbm>>
      %dma_start3A_121 = arith.constant 0 : i32
      %dma_start3A_122 = tpu.memref_slice %dma_start3A_120[%add3A_103, %dma_start3A_121] : memref<10000x144xf32, #tpu.memory_space<hbm>> -> memref<25x144xf32, #tpu.memory_space<hbm>>
      %dma_start3A_123 = arith.constant 0 : i32
      %dma_start3A_124 = arith.constant 0 : i32
      %dma_start3A_125 = tpu.memref_slice %arg7[%arg0, %dma_start3A_123, %dma_start3A_124] : memref<2x10000x144xf32, #tpu.memory_space<hbm>> -> memref<1x10000x144xf32, #tpu.memory_space<hbm>>
      %dma_start3A_126 = tpu.memref_squeeze %dma_start3A_125 : memref<1x10000x144xf32, #tpu.memory_space<hbm>> -> memref<10000x144xf32, #tpu.memory_space<hbm>>
      %dma_start3A_127 = arith.constant 0 : i32
      %dma_start3A_128 = tpu.memref_slice %dma_start3A_126[%add3A_103, %dma_start3A_127] : memref<10000x144xf32, #tpu.memory_space<hbm>> -> memref<25x144xf32, #tpu.memory_space<hbm>>
      tpu.enqueue_dma source(%arg14 : memref<25x144xf32, #tpu.memory_space<vmem>>) target(%dma_start3A_128 : memref<25x144xf32, #tpu.memory_space<hbm>>) target_semaphore(%run_scoped3A : memref<!tpu.dma_semaphore, #tpu.memory_space<semaphore_mem>>)
      %dma_wait3A = arith.constant 0 : i32
      %dma_wait3A_129 = arith.constant 0 : i32
      %dma_wait3A_130 = tpu.memref_slice %arg7[%arg0, %dma_wait3A, %dma_wait3A_129] : memref<2x10000x144xf32, #tpu.memory_space<hbm>> -> memref<1x10000x144xf32, #tpu.memory_space<hbm>>
      %dma_wait3A_131 = tpu.memref_squeeze %dma_wait3A_130 : memref<1x10000x144xf32, #tpu.memory_space<hbm>> -> memref<10000x144xf32, #tpu.memory_space<hbm>>
      %dma_wait3A_132 = arith.constant 0 : i32
      %dma_wait3A_133 = tpu.memref_slice %dma_wait3A_131[%add3A_103, %dma_wait3A_132] : memref<10000x144xf32, #tpu.memory_space<hbm>> -> memref<25x144xf32, #tpu.memory_space<hbm>>
      %dma_wait3A_134 = arith.constant 0 : i32
      %dma_wait3A_135 = arith.constant 0 : i32
      %dma_wait3A_136 = tpu.memref_slice %arg7[%arg0, %dma_wait3A_134, %dma_wait3A_135] : memref<2x10000x144xf32, #tpu.memory_space<hbm>> -> memref<1x10000x144xf32, #tpu.memory_space<hbm>>
      %dma_wait3A_137 = tpu.memref_squeeze %dma_wait3A_136 : memref<1x10000x144xf32, #tpu.memory_space<hbm>> -> memref<10000x144xf32, #tpu.memory_space<hbm>>
      %dma_wait3A_138 = arith.constant 0 : i32
      %dma_wait3A_139 = tpu.memref_slice %dma_wait3A_137[%add3A_103, %dma_wait3A_138] : memref<10000x144xf32, #tpu.memory_space<hbm>> -> memref<25x144xf32, #tpu.memory_space<hbm>>
      tpu.wait_dma2 semaphore(%run_scoped3A : memref<!tpu.dma_semaphore, #tpu.memory_space<semaphore_mem>>) src(%arg14 : memref<25x144xf32, #tpu.memory_space<vmem>>) dst(%dma_wait3A_139 : memref<25x144xf32, #tpu.memory_space<hbm>>)
      tpu.yield
    }) : () -> ()
    %add3A_104 = arith.constant 450 : i32
    %add3A_105 = arith.addi %mul3A_8, %add3A_104 : i32
    "tpu.region"() ({
      %run_scoped3A = tpu.sem_alloc : memref<!tpu.dma_semaphore, #tpu.memory_space<semaphore_mem>>
      %dma_start3A = arith.constant 0 : i32
      %dma_start3A_118 = tpu.memref_slice %arg16[%add3A_105, %dma_start3A] : memref<10000x144xf32, #tpu.memory_space<vmem_shared>> -> memref<25x144xf32, #tpu.memory_space<vmem_shared>>
      %dma_start3A_119 = arith.constant 0 : i32
      %dma_start3A_120 = tpu.memref_slice %arg16[%add3A_105, %dma_start3A_119] : memref<10000x144xf32, #tpu.memory_space<vmem_shared>> -> memref<25x144xf32, #tpu.memory_space<vmem_shared>>
      tpu.enqueue_dma source(%dma_start3A_120 : memref<25x144xf32, #tpu.memory_space<vmem_shared>>) target(%arg14 : memref<25x144xf32, #tpu.memory_space<vmem>>) target_semaphore(%run_scoped3A : memref<!tpu.dma_semaphore, #tpu.memory_space<semaphore_mem>>)
      %dma_wait3A = arith.constant 0 : i32
      %dma_wait3A_121 = tpu.memref_slice %arg16[%add3A_105, %dma_wait3A] : memref<10000x144xf32, #tpu.memory_space<vmem_shared>> -> memref<25x144xf32, #tpu.memory_space<vmem_shared>>
      %dma_wait3A_122 = arith.constant 0 : i32
      %dma_wait3A_123 = tpu.memref_slice %arg16[%add3A_105, %dma_wait3A_122] : memref<10000x144xf32, #tpu.memory_space<vmem_shared>> -> memref<25x144xf32, #tpu.memory_space<vmem_shared>>
      tpu.wait_dma2 semaphore(%run_scoped3A : memref<!tpu.dma_semaphore, #tpu.memory_space<semaphore_mem>>) src(%dma_wait3A_123 : memref<25x144xf32, #tpu.memory_space<vmem_shared>>) dst(%arg14 : memref<25x144xf32, #tpu.memory_space<vmem>>)
      tpu.yield
    }) : () -> ()
    "tpu.region"() ({
      %run_scoped3A = tpu.sem_alloc : memref<!tpu.dma_semaphore, #tpu.memory_space<semaphore_mem>>
      %dma_start3A = arith.constant 0 : i32
      %dma_start3A_118 = arith.constant 0 : i32
      %dma_start3A_119 = tpu.memref_slice %arg7[%arg0, %dma_start3A, %dma_start3A_118] : memref<2x10000x144xf32, #tpu.memory_space<hbm>> -> memref<1x10000x144xf32, #tpu.memory_space<hbm>>
      %dma_start3A_120 = tpu.memref_squeeze %dma_start3A_119 : memref<1x10000x144xf32, #tpu.memory_space<hbm>> -> memref<10000x144xf32, #tpu.memory_space<hbm>>
      %dma_start3A_121 = arith.constant 0 : i32
      %dma_start3A_122 = tpu.memref_slice %dma_start3A_120[%add3A_105, %dma_start3A_121] : memref<10000x144xf32, #tpu.memory_space<hbm>> -> memref<25x144xf32, #tpu.memory_space<hbm>>
      %dma_start3A_123 = arith.constant 0 : i32
      %dma_start3A_124 = arith.constant 0 : i32
      %dma_start3A_125 = tpu.memref_slice %arg7[%arg0, %dma_start3A_123, %dma_start3A_124] : memref<2x10000x144xf32, #tpu.memory_space<hbm>> -> memref<1x10000x144xf32, #tpu.memory_space<hbm>>
      %dma_start3A_126 = tpu.memref_squeeze %dma_start3A_125 : memref<1x10000x144xf32, #tpu.memory_space<hbm>> -> memref<10000x144xf32, #tpu.memory_space<hbm>>
      %dma_start3A_127 = arith.constant 0 : i32
      %dma_start3A_128 = tpu.memref_slice %dma_start3A_126[%add3A_105, %dma_start3A_127] : memref<10000x144xf32, #tpu.memory_space<hbm>> -> memref<25x144xf32, #tpu.memory_space<hbm>>
      tpu.enqueue_dma source(%arg14 : memref<25x144xf32, #tpu.memory_space<vmem>>) target(%dma_start3A_128 : memref<25x144xf32, #tpu.memory_space<hbm>>) target_semaphore(%run_scoped3A : memref<!tpu.dma_semaphore, #tpu.memory_space<semaphore_mem>>)
      %dma_wait3A = arith.constant 0 : i32
      %dma_wait3A_129 = arith.constant 0 : i32
      %dma_wait3A_130 = tpu.memref_slice %arg7[%arg0, %dma_wait3A, %dma_wait3A_129] : memref<2x10000x144xf32, #tpu.memory_space<hbm>> -> memref<1x10000x144xf32, #tpu.memory_space<hbm>>
      %dma_wait3A_131 = tpu.memref_squeeze %dma_wait3A_130 : memref<1x10000x144xf32, #tpu.memory_space<hbm>> -> memref<10000x144xf32, #tpu.memory_space<hbm>>
      %dma_wait3A_132 = arith.constant 0 : i32
      %dma_wait3A_133 = tpu.memref_slice %dma_wait3A_131[%add3A_105, %dma_wait3A_132] : memref<10000x144xf32, #tpu.memory_space<hbm>> -> memref<25x144xf32, #tpu.memory_space<hbm>>
      %dma_wait3A_134 = arith.constant 0 : i32
      %dma_wait3A_135 = arith.constant 0 : i32
      %dma_wait3A_136 = tpu.memref_slice %arg7[%arg0, %dma_wait3A_134, %dma_wait3A_135] : memref<2x10000x144xf32, #tpu.memory_space<hbm>> -> memref<1x10000x144xf32, #tpu.memory_space<hbm>>
      %dma_wait3A_137 = tpu.memref_squeeze %dma_wait3A_136 : memref<1x10000x144xf32, #tpu.memory_space<hbm>> -> memref<10000x144xf32, #tpu.memory_space<hbm>>
      %dma_wait3A_138 = arith.constant 0 : i32
      %dma_wait3A_139 = tpu.memref_slice %dma_wait3A_137[%add3A_105, %dma_wait3A_138] : memref<10000x144xf32, #tpu.memory_space<hbm>> -> memref<25x144xf32, #tpu.memory_space<hbm>>
      tpu.wait_dma2 semaphore(%run_scoped3A : memref<!tpu.dma_semaphore, #tpu.memory_space<semaphore_mem>>) src(%arg14 : memref<25x144xf32, #tpu.memory_space<vmem>>) dst(%dma_wait3A_139 : memref<25x144xf32, #tpu.memory_space<hbm>>)
      tpu.yield
    }) : () -> ()
    %add3A_106 = arith.constant 475 : i32
    %add3A_107 = arith.addi %mul3A_8, %add3A_106 : i32
    "tpu.region"() ({
      %run_scoped3A = tpu.sem_alloc : memref<!tpu.dma_semaphore, #tpu.memory_space<semaphore_mem>>
      %dma_start3A = arith.constant 0 : i32
      %dma_start3A_118 = tpu.memref_slice %arg16[%add3A_107, %dma_start3A] : memref<10000x144xf32, #tpu.memory_space<vmem_shared>> -> memref<25x144xf32, #tpu.memory_space<vmem_shared>>
      %dma_start3A_119 = arith.constant 0 : i32
      %dma_start3A_120 = tpu.memref_slice %arg16[%add3A_107, %dma_start3A_119] : memref<10000x144xf32, #tpu.memory_space<vmem_shared>> -> memref<25x144xf32, #tpu.memory_space<vmem_shared>>
      tpu.enqueue_dma source(%dma_start3A_120 : memref<25x144xf32, #tpu.memory_space<vmem_shared>>) target(%arg14 : memref<25x144xf32, #tpu.memory_space<vmem>>) target_semaphore(%run_scoped3A : memref<!tpu.dma_semaphore, #tpu.memory_space<semaphore_mem>>)
      %dma_wait3A = arith.constant 0 : i32
      %dma_wait3A_121 = tpu.memref_slice %arg16[%add3A_107, %dma_wait3A] : memref<10000x144xf32, #tpu.memory_space<vmem_shared>> -> memref<25x144xf32, #tpu.memory_space<vmem_shared>>
      %dma_wait3A_122 = arith.constant 0 : i32
      %dma_wait3A_123 = tpu.memref_slice %arg16[%add3A_107, %dma_wait3A_122] : memref<10000x144xf32, #tpu.memory_space<vmem_shared>> -> memref<25x144xf32, #tpu.memory_space<vmem_shared>>
      tpu.wait_dma2 semaphore(%run_scoped3A : memref<!tpu.dma_semaphore, #tpu.memory_space<semaphore_mem>>) src(%dma_wait3A_123 : memref<25x144xf32, #tpu.memory_space<vmem_shared>>) dst(%arg14 : memref<25x144xf32, #tpu.memory_space<vmem>>)
      tpu.yield
    }) : () -> ()
    "tpu.region"() ({
      %run_scoped3A = tpu.sem_alloc : memref<!tpu.dma_semaphore, #tpu.memory_space<semaphore_mem>>
      %dma_start3A = arith.constant 0 : i32
      %dma_start3A_118 = arith.constant 0 : i32
      %dma_start3A_119 = tpu.memref_slice %arg7[%arg0, %dma_start3A, %dma_start3A_118] : memref<2x10000x144xf32, #tpu.memory_space<hbm>> -> memref<1x10000x144xf32, #tpu.memory_space<hbm>>
      %dma_start3A_120 = tpu.memref_squeeze %dma_start3A_119 : memref<1x10000x144xf32, #tpu.memory_space<hbm>> -> memref<10000x144xf32, #tpu.memory_space<hbm>>
      %dma_start3A_121 = arith.constant 0 : i32
      %dma_start3A_122 = tpu.memref_slice %dma_start3A_120[%add3A_107, %dma_start3A_121] : memref<10000x144xf32, #tpu.memory_space<hbm>> -> memref<25x144xf32, #tpu.memory_space<hbm>>
      %dma_start3A_123 = arith.constant 0 : i32
      %dma_start3A_124 = arith.constant 0 : i32
      %dma_start3A_125 = tpu.memref_slice %arg7[%arg0, %dma_start3A_123, %dma_start3A_124] : memref<2x10000x144xf32, #tpu.memory_space<hbm>> -> memref<1x10000x144xf32, #tpu.memory_space<hbm>>
      %dma_start3A_126 = tpu.memref_squeeze %dma_start3A_125 : memref<1x10000x144xf32, #tpu.memory_space<hbm>> -> memref<10000x144xf32, #tpu.memory_space<hbm>>
      %dma_start3A_127 = arith.constant 0 : i32
      %dma_start3A_128 = tpu.memref_slice %dma_start3A_126[%add3A_107, %dma_start3A_127] : memref<10000x144xf32, #tpu.memory_space<hbm>> -> memref<25x144xf32, #tpu.memory_space<hbm>>
      tpu.enqueue_dma source(%arg14 : memref<25x144xf32, #tpu.memory_space<vmem>>) target(%dma_start3A_128 : memref<25x144xf32, #tpu.memory_space<hbm>>) target_semaphore(%run_scoped3A : memref<!tpu.dma_semaphore, #tpu.memory_space<semaphore_mem>>)
      %dma_wait3A = arith.constant 0 : i32
      %dma_wait3A_129 = arith.constant 0 : i32
      %dma_wait3A_130 = tpu.memref_slice %arg7[%arg0, %dma_wait3A, %dma_wait3A_129] : memref<2x10000x144xf32, #tpu.memory_space<hbm>> -> memref<1x10000x144xf32, #tpu.memory_space<hbm>>
      %dma_wait3A_131 = tpu.memref_squeeze %dma_wait3A_130 : memref<1x10000x144xf32, #tpu.memory_space<hbm>> -> memref<10000x144xf32, #tpu.memory_space<hbm>>
      %dma_wait3A_132 = arith.constant 0 : i32
      %dma_wait3A_133 = tpu.memref_slice %dma_wait3A_131[%add3A_107, %dma_wait3A_132] : memref<10000x144xf32, #tpu.memory_space<hbm>> -> memref<25x144xf32, #tpu.memory_space<hbm>>
      %dma_wait3A_134 = arith.constant 0 : i32
      %dma_wait3A_135 = arith.constant 0 : i32
      %dma_wait3A_136 = tpu.memref_slice %arg7[%arg0, %dma_wait3A_134, %dma_wait3A_135] : memref<2x10000x144xf32, #tpu.memory_space<hbm>> -> memref<1x10000x144xf32, #tpu.memory_space<hbm>>
      %dma_wait3A_137 = tpu.memref_squeeze %dma_wait3A_136 : memref<1x10000x144xf32, #tpu.memory_space<hbm>> -> memref<10000x144xf32, #tpu.memory_space<hbm>>
      %dma_wait3A_138 = arith.constant 0 : i32
      %dma_wait3A_139 = tpu.memref_slice %dma_wait3A_137[%add3A_107, %dma_wait3A_138] : memref<10000x144xf32, #tpu.memory_space<hbm>> -> memref<25x144xf32, #tpu.memory_space<hbm>>
      tpu.wait_dma2 semaphore(%run_scoped3A : memref<!tpu.dma_semaphore, #tpu.memory_space<semaphore_mem>>) src(%arg14 : memref<25x144xf32, #tpu.memory_space<vmem>>) dst(%dma_wait3A_139 : memref<25x144xf32, #tpu.memory_space<hbm>>)
      tpu.yield
    }) : () -> ()
    %add3A_108 = arith.constant 500 : i32
    %add3A_109 = arith.addi %mul3A_8, %add3A_108 : i32
    "tpu.region"() ({
      %run_scoped3A = tpu.sem_alloc : memref<!tpu.dma_semaphore, #tpu.memory_space<semaphore_mem>>
      %dma_start3A = arith.constant 0 : i32
      %dma_start3A_118 = tpu.memref_slice %arg16[%add3A_109, %dma_start3A] : memref<10000x144xf32, #tpu.memory_space<vmem_shared>> -> memref<25x144xf32, #tpu.memory_space<vmem_shared>>
      %dma_start3A_119 = arith.constant 0 : i32
      %dma_start3A_120 = tpu.memref_slice %arg16[%add3A_109, %dma_start3A_119] : memref<10000x144xf32, #tpu.memory_space<vmem_shared>> -> memref<25x144xf32, #tpu.memory_space<vmem_shared>>
      tpu.enqueue_dma source(%dma_start3A_120 : memref<25x144xf32, #tpu.memory_space<vmem_shared>>) target(%arg14 : memref<25x144xf32, #tpu.memory_space<vmem>>) target_semaphore(%run_scoped3A : memref<!tpu.dma_semaphore, #tpu.memory_space<semaphore_mem>>)
      %dma_wait3A = arith.constant 0 : i32
      %dma_wait3A_121 = tpu.memref_slice %arg16[%add3A_109, %dma_wait3A] : memref<10000x144xf32, #tpu.memory_space<vmem_shared>> -> memref<25x144xf32, #tpu.memory_space<vmem_shared>>
      %dma_wait3A_122 = arith.constant 0 : i32
      %dma_wait3A_123 = tpu.memref_slice %arg16[%add3A_109, %dma_wait3A_122] : memref<10000x144xf32, #tpu.memory_space<vmem_shared>> -> memref<25x144xf32, #tpu.memory_space<vmem_shared>>
      tpu.wait_dma2 semaphore(%run_scoped3A : memref<!tpu.dma_semaphore, #tpu.memory_space<semaphore_mem>>) src(%dma_wait3A_123 : memref<25x144xf32, #tpu.memory_space<vmem_shared>>) dst(%arg14 : memref<25x144xf32, #tpu.memory_space<vmem>>)
      tpu.yield
    }) : () -> ()
    "tpu.region"() ({
      %run_scoped3A = tpu.sem_alloc : memref<!tpu.dma_semaphore, #tpu.memory_space<semaphore_mem>>
      %dma_start3A = arith.constant 0 : i32
      %dma_start3A_118 = arith.constant 0 : i32
      %dma_start3A_119 = tpu.memref_slice %arg7[%arg0, %dma_start3A, %dma_start3A_118] : memref<2x10000x144xf32, #tpu.memory_space<hbm>> -> memref<1x10000x144xf32, #tpu.memory_space<hbm>>
      %dma_start3A_120 = tpu.memref_squeeze %dma_start3A_119 : memref<1x10000x144xf32, #tpu.memory_space<hbm>> -> memref<10000x144xf32, #tpu.memory_space<hbm>>
      %dma_start3A_121 = arith.constant 0 : i32
      %dma_start3A_122 = tpu.memref_slice %dma_start3A_120[%add3A_109, %dma_start3A_121] : memref<10000x144xf32, #tpu.memory_space<hbm>> -> memref<25x144xf32, #tpu.memory_space<hbm>>
      %dma_start3A_123 = arith.constant 0 : i32
      %dma_start3A_124 = arith.constant 0 : i32
      %dma_start3A_125 = tpu.memref_slice %arg7[%arg0, %dma_start3A_123, %dma_start3A_124] : memref<2x10000x144xf32, #tpu.memory_space<hbm>> -> memref<1x10000x144xf32, #tpu.memory_space<hbm>>
      %dma_start3A_126 = tpu.memref_squeeze %dma_start3A_125 : memref<1x10000x144xf32, #tpu.memory_space<hbm>> -> memref<10000x144xf32, #tpu.memory_space<hbm>>
      %dma_start3A_127 = arith.constant 0 : i32
      %dma_start3A_128 = tpu.memref_slice %dma_start3A_126[%add3A_109, %dma_start3A_127] : memref<10000x144xf32, #tpu.memory_space<hbm>> -> memref<25x144xf32, #tpu.memory_space<hbm>>
      tpu.enqueue_dma source(%arg14 : memref<25x144xf32, #tpu.memory_space<vmem>>) target(%dma_start3A_128 : memref<25x144xf32, #tpu.memory_space<hbm>>) target_semaphore(%run_scoped3A : memref<!tpu.dma_semaphore, #tpu.memory_space<semaphore_mem>>)
      %dma_wait3A = arith.constant 0 : i32
      %dma_wait3A_129 = arith.constant 0 : i32
      %dma_wait3A_130 = tpu.memref_slice %arg7[%arg0, %dma_wait3A, %dma_wait3A_129] : memref<2x10000x144xf32, #tpu.memory_space<hbm>> -> memref<1x10000x144xf32, #tpu.memory_space<hbm>>
      %dma_wait3A_131 = tpu.memref_squeeze %dma_wait3A_130 : memref<1x10000x144xf32, #tpu.memory_space<hbm>> -> memref<10000x144xf32, #tpu.memory_space<hbm>>
      %dma_wait3A_132 = arith.constant 0 : i32
      %dma_wait3A_133 = tpu.memref_slice %dma_wait3A_131[%add3A_109, %dma_wait3A_132] : memref<10000x144xf32, #tpu.memory_space<hbm>> -> memref<25x144xf32, #tpu.memory_space<hbm>>
      %dma_wait3A_134 = arith.constant 0 : i32
      %dma_wait3A_135 = arith.constant 0 : i32
      %dma_wait3A_136 = tpu.memref_slice %arg7[%arg0, %dma_wait3A_134, %dma_wait3A_135] : memref<2x10000x144xf32, #tpu.memory_space<hbm>> -> memref<1x10000x144xf32, #tpu.memory_space<hbm>>
      %dma_wait3A_137 = tpu.memref_squeeze %dma_wait3A_136 : memref<1x10000x144xf32, #tpu.memory_space<hbm>> -> memref<10000x144xf32, #tpu.memory_space<hbm>>
      %dma_wait3A_138 = arith.constant 0 : i32
      %dma_wait3A_139 = tpu.memref_slice %dma_wait3A_137[%add3A_109, %dma_wait3A_138] : memref<10000x144xf32, #tpu.memory_space<hbm>> -> memref<25x144xf32, #tpu.memory_space<hbm>>
      tpu.wait_dma2 semaphore(%run_scoped3A : memref<!tpu.dma_semaphore, #tpu.memory_space<semaphore_mem>>) src(%arg14 : memref<25x144xf32, #tpu.memory_space<vmem>>) dst(%dma_wait3A_139 : memref<25x144xf32, #tpu.memory_space<hbm>>)
      tpu.yield
    }) : () -> ()
    %add3A_110 = arith.constant 525 : i32
    %add3A_111 = arith.addi %mul3A_8, %add3A_110 : i32
    "tpu.region"() ({
      %run_scoped3A = tpu.sem_alloc : memref<!tpu.dma_semaphore, #tpu.memory_space<semaphore_mem>>
      %dma_start3A = arith.constant 0 : i32
      %dma_start3A_118 = tpu.memref_slice %arg16[%add3A_111, %dma_start3A] : memref<10000x144xf32, #tpu.memory_space<vmem_shared>> -> memref<25x144xf32, #tpu.memory_space<vmem_shared>>
      %dma_start3A_119 = arith.constant 0 : i32
      %dma_start3A_120 = tpu.memref_slice %arg16[%add3A_111, %dma_start3A_119] : memref<10000x144xf32, #tpu.memory_space<vmem_shared>> -> memref<25x144xf32, #tpu.memory_space<vmem_shared>>
      tpu.enqueue_dma source(%dma_start3A_120 : memref<25x144xf32, #tpu.memory_space<vmem_shared>>) target(%arg14 : memref<25x144xf32, #tpu.memory_space<vmem>>) target_semaphore(%run_scoped3A : memref<!tpu.dma_semaphore, #tpu.memory_space<semaphore_mem>>)
      %dma_wait3A = arith.constant 0 : i32
      %dma_wait3A_121 = tpu.memref_slice %arg16[%add3A_111, %dma_wait3A] : memref<10000x144xf32, #tpu.memory_space<vmem_shared>> -> memref<25x144xf32, #tpu.memory_space<vmem_shared>>
      %dma_wait3A_122 = arith.constant 0 : i32
      %dma_wait3A_123 = tpu.memref_slice %arg16[%add3A_111, %dma_wait3A_122] : memref<10000x144xf32, #tpu.memory_space<vmem_shared>> -> memref<25x144xf32, #tpu.memory_space<vmem_shared>>
      tpu.wait_dma2 semaphore(%run_scoped3A : memref<!tpu.dma_semaphore, #tpu.memory_space<semaphore_mem>>) src(%dma_wait3A_123 : memref<25x144xf32, #tpu.memory_space<vmem_shared>>) dst(%arg14 : memref<25x144xf32, #tpu.memory_space<vmem>>)
      tpu.yield
    }) : () -> ()
    "tpu.region"() ({
      %run_scoped3A = tpu.sem_alloc : memref<!tpu.dma_semaphore, #tpu.memory_space<semaphore_mem>>
      %dma_start3A = arith.constant 0 : i32
      %dma_start3A_118 = arith.constant 0 : i32
      %dma_start3A_119 = tpu.memref_slice %arg7[%arg0, %dma_start3A, %dma_start3A_118] : memref<2x10000x144xf32, #tpu.memory_space<hbm>> -> memref<1x10000x144xf32, #tpu.memory_space<hbm>>
      %dma_start3A_120 = tpu.memref_squeeze %dma_start3A_119 : memref<1x10000x144xf32, #tpu.memory_space<hbm>> -> memref<10000x144xf32, #tpu.memory_space<hbm>>
      %dma_start3A_121 = arith.constant 0 : i32
      %dma_start3A_122 = tpu.memref_slice %dma_start3A_120[%add3A_111, %dma_start3A_121] : memref<10000x144xf32, #tpu.memory_space<hbm>> -> memref<25x144xf32, #tpu.memory_space<hbm>>
      %dma_start3A_123 = arith.constant 0 : i32
      %dma_start3A_124 = arith.constant 0 : i32
      %dma_start3A_125 = tpu.memref_slice %arg7[%arg0, %dma_start3A_123, %dma_start3A_124] : memref<2x10000x144xf32, #tpu.memory_space<hbm>> -> memref<1x10000x144xf32, #tpu.memory_space<hbm>>
      %dma_start3A_126 = tpu.memref_squeeze %dma_start3A_125 : memref<1x10000x144xf32, #tpu.memory_space<hbm>> -> memref<10000x144xf32, #tpu.memory_space<hbm>>
      %dma_start3A_127 = arith.constant 0 : i32
      %dma_start3A_128 = tpu.memref_slice %dma_start3A_126[%add3A_111, %dma_start3A_127] : memref<10000x144xf32, #tpu.memory_space<hbm>> -> memref<25x144xf32, #tpu.memory_space<hbm>>
      tpu.enqueue_dma source(%arg14 : memref<25x144xf32, #tpu.memory_space<vmem>>) target(%dma_start3A_128 : memref<25x144xf32, #tpu.memory_space<hbm>>) target_semaphore(%run_scoped3A : memref<!tpu.dma_semaphore, #tpu.memory_space<semaphore_mem>>)
      %dma_wait3A = arith.constant 0 : i32
      %dma_wait3A_129 = arith.constant 0 : i32
      %dma_wait3A_130 = tpu.memref_slice %arg7[%arg0, %dma_wait3A, %dma_wait3A_129] : memref<2x10000x144xf32, #tpu.memory_space<hbm>> -> memref<1x10000x144xf32, #tpu.memory_space<hbm>>
      %dma_wait3A_131 = tpu.memref_squeeze %dma_wait3A_130 : memref<1x10000x144xf32, #tpu.memory_space<hbm>> -> memref<10000x144xf32, #tpu.memory_space<hbm>>
      %dma_wait3A_132 = arith.constant 0 : i32
      %dma_wait3A_133 = tpu.memref_slice %dma_wait3A_131[%add3A_111, %dma_wait3A_132] : memref<10000x144xf32, #tpu.memory_space<hbm>> -> memref<25x144xf32, #tpu.memory_space<hbm>>
      %dma_wait3A_134 = arith.constant 0 : i32
      %dma_wait3A_135 = arith.constant 0 : i32
      %dma_wait3A_136 = tpu.memref_slice %arg7[%arg0, %dma_wait3A_134, %dma_wait3A_135] : memref<2x10000x144xf32, #tpu.memory_space<hbm>> -> memref<1x10000x144xf32, #tpu.memory_space<hbm>>
      %dma_wait3A_137 = tpu.memref_squeeze %dma_wait3A_136 : memref<1x10000x144xf32, #tpu.memory_space<hbm>> -> memref<10000x144xf32, #tpu.memory_space<hbm>>
      %dma_wait3A_138 = arith.constant 0 : i32
      %dma_wait3A_139 = tpu.memref_slice %dma_wait3A_137[%add3A_111, %dma_wait3A_138] : memref<10000x144xf32, #tpu.memory_space<hbm>> -> memref<25x144xf32, #tpu.memory_space<hbm>>
      tpu.wait_dma2 semaphore(%run_scoped3A : memref<!tpu.dma_semaphore, #tpu.memory_space<semaphore_mem>>) src(%arg14 : memref<25x144xf32, #tpu.memory_space<vmem>>) dst(%dma_wait3A_139 : memref<25x144xf32, #tpu.memory_space<hbm>>)
      tpu.yield
    }) : () -> ()
    %add3A_112 = arith.constant 550 : i32
    %add3A_113 = arith.addi %mul3A_8, %add3A_112 : i32
    "tpu.region"() ({
      %run_scoped3A = tpu.sem_alloc : memref<!tpu.dma_semaphore, #tpu.memory_space<semaphore_mem>>
      %dma_start3A = arith.constant 0 : i32
      %dma_start3A_118 = tpu.memref_slice %arg16[%add3A_113, %dma_start3A] : memref<10000x144xf32, #tpu.memory_space<vmem_shared>> -> memref<25x144xf32, #tpu.memory_space<vmem_shared>>
      %dma_start3A_119 = arith.constant 0 : i32
      %dma_start3A_120 = tpu.memref_slice %arg16[%add3A_113, %dma_start3A_119] : memref<10000x144xf32, #tpu.memory_space<vmem_shared>> -> memref<25x144xf32, #tpu.memory_space<vmem_shared>>
      tpu.enqueue_dma source(%dma_start3A_120 : memref<25x144xf32, #tpu.memory_space<vmem_shared>>) target(%arg14 : memref<25x144xf32, #tpu.memory_space<vmem>>) target_semaphore(%run_scoped3A : memref<!tpu.dma_semaphore, #tpu.memory_space<semaphore_mem>>)
      %dma_wait3A = arith.constant 0 : i32
      %dma_wait3A_121 = tpu.memref_slice %arg16[%add3A_113, %dma_wait3A] : memref<10000x144xf32, #tpu.memory_space<vmem_shared>> -> memref<25x144xf32, #tpu.memory_space<vmem_shared>>
      %dma_wait3A_122 = arith.constant 0 : i32
      %dma_wait3A_123 = tpu.memref_slice %arg16[%add3A_113, %dma_wait3A_122] : memref<10000x144xf32, #tpu.memory_space<vmem_shared>> -> memref<25x144xf32, #tpu.memory_space<vmem_shared>>
      tpu.wait_dma2 semaphore(%run_scoped3A : memref<!tpu.dma_semaphore, #tpu.memory_space<semaphore_mem>>) src(%dma_wait3A_123 : memref<25x144xf32, #tpu.memory_space<vmem_shared>>) dst(%arg14 : memref<25x144xf32, #tpu.memory_space<vmem>>)
      tpu.yield
    }) : () -> ()
    "tpu.region"() ({
      %run_scoped3A = tpu.sem_alloc : memref<!tpu.dma_semaphore, #tpu.memory_space<semaphore_mem>>
      %dma_start3A = arith.constant 0 : i32
      %dma_start3A_118 = arith.constant 0 : i32
      %dma_start3A_119 = tpu.memref_slice %arg7[%arg0, %dma_start3A, %dma_start3A_118] : memref<2x10000x144xf32, #tpu.memory_space<hbm>> -> memref<1x10000x144xf32, #tpu.memory_space<hbm>>
      %dma_start3A_120 = tpu.memref_squeeze %dma_start3A_119 : memref<1x10000x144xf32, #tpu.memory_space<hbm>> -> memref<10000x144xf32, #tpu.memory_space<hbm>>
      %dma_start3A_121 = arith.constant 0 : i32
      %dma_start3A_122 = tpu.memref_slice %dma_start3A_120[%add3A_113, %dma_start3A_121] : memref<10000x144xf32, #tpu.memory_space<hbm>> -> memref<25x144xf32, #tpu.memory_space<hbm>>
      %dma_start3A_123 = arith.constant 0 : i32
      %dma_start3A_124 = arith.constant 0 : i32
      %dma_start3A_125 = tpu.memref_slice %arg7[%arg0, %dma_start3A_123, %dma_start3A_124] : memref<2x10000x144xf32, #tpu.memory_space<hbm>> -> memref<1x10000x144xf32, #tpu.memory_space<hbm>>
      %dma_start3A_126 = tpu.memref_squeeze %dma_start3A_125 : memref<1x10000x144xf32, #tpu.memory_space<hbm>> -> memref<10000x144xf32, #tpu.memory_space<hbm>>
      %dma_start3A_127 = arith.constant 0 : i32
      %dma_start3A_128 = tpu.memref_slice %dma_start3A_126[%add3A_113, %dma_start3A_127] : memref<10000x144xf32, #tpu.memory_space<hbm>> -> memref<25x144xf32, #tpu.memory_space<hbm>>
      tpu.enqueue_dma source(%arg14 : memref<25x144xf32, #tpu.memory_space<vmem>>) target(%dma_start3A_128 : memref<25x144xf32, #tpu.memory_space<hbm>>) target_semaphore(%run_scoped3A : memref<!tpu.dma_semaphore, #tpu.memory_space<semaphore_mem>>)
      %dma_wait3A = arith.constant 0 : i32
      %dma_wait3A_129 = arith.constant 0 : i32
      %dma_wait3A_130 = tpu.memref_slice %arg7[%arg0, %dma_wait3A, %dma_wait3A_129] : memref<2x10000x144xf32, #tpu.memory_space<hbm>> -> memref<1x10000x144xf32, #tpu.memory_space<hbm>>
      %dma_wait3A_131 = tpu.memref_squeeze %dma_wait3A_130 : memref<1x10000x144xf32, #tpu.memory_space<hbm>> -> memref<10000x144xf32, #tpu.memory_space<hbm>>
      %dma_wait3A_132 = arith.constant 0 : i32
      %dma_wait3A_133 = tpu.memref_slice %dma_wait3A_131[%add3A_113, %dma_wait3A_132] : memref<10000x144xf32, #tpu.memory_space<hbm>> -> memref<25x144xf32, #tpu.memory_space<hbm>>
      %dma_wait3A_134 = arith.constant 0 : i32
      %dma_wait3A_135 = arith.constant 0 : i32
      %dma_wait3A_136 = tpu.memref_slice %arg7[%arg0, %dma_wait3A_134, %dma_wait3A_135] : memref<2x10000x144xf32, #tpu.memory_space<hbm>> -> memref<1x10000x144xf32, #tpu.memory_space<hbm>>
      %dma_wait3A_137 = tpu.memref_squeeze %dma_wait3A_136 : memref<1x10000x144xf32, #tpu.memory_space<hbm>> -> memref<10000x144xf32, #tpu.memory_space<hbm>>
      %dma_wait3A_138 = arith.constant 0 : i32
      %dma_wait3A_139 = tpu.memref_slice %dma_wait3A_137[%add3A_113, %dma_wait3A_138] : memref<10000x144xf32, #tpu.memory_space<hbm>> -> memref<25x144xf32, #tpu.memory_space<hbm>>
      tpu.wait_dma2 semaphore(%run_scoped3A : memref<!tpu.dma_semaphore, #tpu.memory_space<semaphore_mem>>) src(%arg14 : memref<25x144xf32, #tpu.memory_space<vmem>>) dst(%dma_wait3A_139 : memref<25x144xf32, #tpu.memory_space<hbm>>)
      tpu.yield
    }) : () -> ()
    %add3A_114 = arith.constant 575 : i32
    %add3A_115 = arith.addi %mul3A_8, %add3A_114 : i32
    "tpu.region"() ({
      %run_scoped3A = tpu.sem_alloc : memref<!tpu.dma_semaphore, #tpu.memory_space<semaphore_mem>>
      %dma_start3A = arith.constant 0 : i32
      %dma_start3A_118 = tpu.memref_slice %arg16[%add3A_115, %dma_start3A] : memref<10000x144xf32, #tpu.memory_space<vmem_shared>> -> memref<25x144xf32, #tpu.memory_space<vmem_shared>>
      %dma_start3A_119 = arith.constant 0 : i32
      %dma_start3A_120 = tpu.memref_slice %arg16[%add3A_115, %dma_start3A_119] : memref<10000x144xf32, #tpu.memory_space<vmem_shared>> -> memref<25x144xf32, #tpu.memory_space<vmem_shared>>
      tpu.enqueue_dma source(%dma_start3A_120 : memref<25x144xf32, #tpu.memory_space<vmem_shared>>) target(%arg14 : memref<25x144xf32, #tpu.memory_space<vmem>>) target_semaphore(%run_scoped3A : memref<!tpu.dma_semaphore, #tpu.memory_space<semaphore_mem>>)
      %dma_wait3A = arith.constant 0 : i32
      %dma_wait3A_121 = tpu.memref_slice %arg16[%add3A_115, %dma_wait3A] : memref<10000x144xf32, #tpu.memory_space<vmem_shared>> -> memref<25x144xf32, #tpu.memory_space<vmem_shared>>
      %dma_wait3A_122 = arith.constant 0 : i32
      %dma_wait3A_123 = tpu.memref_slice %arg16[%add3A_115, %dma_wait3A_122] : memref<10000x144xf32, #tpu.memory_space<vmem_shared>> -> memref<25x144xf32, #tpu.memory_space<vmem_shared>>
      tpu.wait_dma2 semaphore(%run_scoped3A : memref<!tpu.dma_semaphore, #tpu.memory_space<semaphore_mem>>) src(%dma_wait3A_123 : memref<25x144xf32, #tpu.memory_space<vmem_shared>>) dst(%arg14 : memref<25x144xf32, #tpu.memory_space<vmem>>)
      tpu.yield
    }) : () -> ()
    "tpu.region"() ({
      %run_scoped3A = tpu.sem_alloc : memref<!tpu.dma_semaphore, #tpu.memory_space<semaphore_mem>>
      %dma_start3A = arith.constant 0 : i32
      %dma_start3A_118 = arith.constant 0 : i32
      %dma_start3A_119 = tpu.memref_slice %arg7[%arg0, %dma_start3A, %dma_start3A_118] : memref<2x10000x144xf32, #tpu.memory_space<hbm>> -> memref<1x10000x144xf32, #tpu.memory_space<hbm>>
      %dma_start3A_120 = tpu.memref_squeeze %dma_start3A_119 : memref<1x10000x144xf32, #tpu.memory_space<hbm>> -> memref<10000x144xf32, #tpu.memory_space<hbm>>
      %dma_start3A_121 = arith.constant 0 : i32
      %dma_start3A_122 = tpu.memref_slice %dma_start3A_120[%add3A_115, %dma_start3A_121] : memref<10000x144xf32, #tpu.memory_space<hbm>> -> memref<25x144xf32, #tpu.memory_space<hbm>>
      %dma_start3A_123 = arith.constant 0 : i32
      %dma_start3A_124 = arith.constant 0 : i32
      %dma_start3A_125 = tpu.memref_slice %arg7[%arg0, %dma_start3A_123, %dma_start3A_124] : memref<2x10000x144xf32, #tpu.memory_space<hbm>> -> memref<1x10000x144xf32, #tpu.memory_space<hbm>>
      %dma_start3A_126 = tpu.memref_squeeze %dma_start3A_125 : memref<1x10000x144xf32, #tpu.memory_space<hbm>> -> memref<10000x144xf32, #tpu.memory_space<hbm>>
      %dma_start3A_127 = arith.constant 0 : i32
      %dma_start3A_128 = tpu.memref_slice %dma_start3A_126[%add3A_115, %dma_start3A_127] : memref<10000x144xf32, #tpu.memory_space<hbm>> -> memref<25x144xf32, #tpu.memory_space<hbm>>
      tpu.enqueue_dma source(%arg14 : memref<25x144xf32, #tpu.memory_space<vmem>>) target(%dma_start3A_128 : memref<25x144xf32, #tpu.memory_space<hbm>>) target_semaphore(%run_scoped3A : memref<!tpu.dma_semaphore, #tpu.memory_space<semaphore_mem>>)
      %dma_wait3A = arith.constant 0 : i32
      %dma_wait3A_129 = arith.constant 0 : i32
      %dma_wait3A_130 = tpu.memref_slice %arg7[%arg0, %dma_wait3A, %dma_wait3A_129] : memref<2x10000x144xf32, #tpu.memory_space<hbm>> -> memref<1x10000x144xf32, #tpu.memory_space<hbm>>
      %dma_wait3A_131 = tpu.memref_squeeze %dma_wait3A_130 : memref<1x10000x144xf32, #tpu.memory_space<hbm>> -> memref<10000x144xf32, #tpu.memory_space<hbm>>
      %dma_wait3A_132 = arith.constant 0 : i32
      %dma_wait3A_133 = tpu.memref_slice %dma_wait3A_131[%add3A_115, %dma_wait3A_132] : memref<10000x144xf32, #tpu.memory_space<hbm>> -> memref<25x144xf32, #tpu.memory_space<hbm>>
      %dma_wait3A_134 = arith.constant 0 : i32
      %dma_wait3A_135 = arith.constant 0 : i32
      %dma_wait3A_136 = tpu.memref_slice %arg7[%arg0, %dma_wait3A_134, %dma_wait3A_135] : memref<2x10000x144xf32, #tpu.memory_space<hbm>> -> memref<1x10000x144xf32, #tpu.memory_space<hbm>>
      %dma_wait3A_137 = tpu.memref_squeeze %dma_wait3A_136 : memref<1x10000x144xf32, #tpu.memory_space<hbm>> -> memref<10000x144xf32, #tpu.memory_space<hbm>>
      %dma_wait3A_138 = arith.constant 0 : i32
      %dma_wait3A_139 = tpu.memref_slice %dma_wait3A_137[%add3A_115, %dma_wait3A_138] : memref<10000x144xf32, #tpu.memory_space<hbm>> -> memref<25x144xf32, #tpu.memory_space<hbm>>
      tpu.wait_dma2 semaphore(%run_scoped3A : memref<!tpu.dma_semaphore, #tpu.memory_space<semaphore_mem>>) src(%arg14 : memref<25x144xf32, #tpu.memory_space<vmem>>) dst(%dma_wait3A_139 : memref<25x144xf32, #tpu.memory_space<hbm>>)
      tpu.yield
    }) : () -> ()
    %add3A_116 = arith.constant 600 : i32
    %add3A_117 = arith.addi %mul3A_8, %add3A_116 : i32
    "tpu.region"() ({
      %run_scoped3A = tpu.sem_alloc : memref<!tpu.dma_semaphore, #tpu.memory_space<semaphore_mem>>
      %dma_start3A = arith.constant 0 : i32
      %dma_start3A_118 = tpu.memref_slice %arg16[%add3A_117, %dma_start3A] : memref<10000x144xf32, #tpu.memory_space<vmem_shared>> -> memref<25x144xf32, #tpu.memory_space<vmem_shared>>
      %dma_start3A_119 = arith.constant 0 : i32
      %dma_start3A_120 = tpu.memref_slice %arg16[%add3A_117, %dma_start3A_119] : memref<10000x144xf32, #tpu.memory_space<vmem_shared>> -> memref<25x144xf32, #tpu.memory_space<vmem_shared>>
      tpu.enqueue_dma source(%dma_start3A_120 : memref<25x144xf32, #tpu.memory_space<vmem_shared>>) target(%arg14 : memref<25x144xf32, #tpu.memory_space<vmem>>) target_semaphore(%run_scoped3A : memref<!tpu.dma_semaphore, #tpu.memory_space<semaphore_mem>>)
      %dma_wait3A = arith.constant 0 : i32
      %dma_wait3A_121 = tpu.memref_slice %arg16[%add3A_117, %dma_wait3A] : memref<10000x144xf32, #tpu.memory_space<vmem_shared>> -> memref<25x144xf32, #tpu.memory_space<vmem_shared>>
      %dma_wait3A_122 = arith.constant 0 : i32
      %dma_wait3A_123 = tpu.memref_slice %arg16[%add3A_117, %dma_wait3A_122] : memref<10000x144xf32, #tpu.memory_space<vmem_shared>> -> memref<25x144xf32, #tpu.memory_space<vmem_shared>>
      tpu.wait_dma2 semaphore(%run_scoped3A : memref<!tpu.dma_semaphore, #tpu.memory_space<semaphore_mem>>) src(%dma_wait3A_123 : memref<25x144xf32, #tpu.memory_space<vmem_shared>>) dst(%arg14 : memref<25x144xf32, #tpu.memory_space<vmem>>)
      tpu.yield
    }) : () -> ()
    "tpu.region"() ({
      %run_scoped3A = tpu.sem_alloc : memref<!tpu.dma_semaphore, #tpu.memory_space<semaphore_mem>>
      %dma_start3A = arith.constant 0 : i32
      %dma_start3A_118 = arith.constant 0 : i32
      %dma_start3A_119 = tpu.memref_slice %arg7[%arg0, %dma_start3A, %dma_start3A_118] : memref<2x10000x144xf32, #tpu.memory_space<hbm>> -> memref<1x10000x144xf32, #tpu.memory_space<hbm>>
      %dma_start3A_120 = tpu.memref_squeeze %dma_start3A_119 : memref<1x10000x144xf32, #tpu.memory_space<hbm>> -> memref<10000x144xf32, #tpu.memory_space<hbm>>
      %dma_start3A_121 = arith.constant 0 : i32
      %dma_start3A_122 = tpu.memref_slice %dma_start3A_120[%add3A_117, %dma_start3A_121] : memref<10000x144xf32, #tpu.memory_space<hbm>> -> memref<25x144xf32, #tpu.memory_space<hbm>>
      %dma_start3A_123 = arith.constant 0 : i32
      %dma_start3A_124 = arith.constant 0 : i32
      %dma_start3A_125 = tpu.memref_slice %arg7[%arg0, %dma_start3A_123, %dma_start3A_124] : memref<2x10000x144xf32, #tpu.memory_space<hbm>> -> memref<1x10000x144xf32, #tpu.memory_space<hbm>>
      %dma_start3A_126 = tpu.memref_squeeze %dma_start3A_125 : memref<1x10000x144xf32, #tpu.memory_space<hbm>> -> memref<10000x144xf32, #tpu.memory_space<hbm>>
      %dma_start3A_127 = arith.constant 0 : i32
      %dma_start3A_128 = tpu.memref_slice %dma_start3A_126[%add3A_117, %dma_start3A_127] : memref<10000x144xf32, #tpu.memory_space<hbm>> -> memref<25x144xf32, #tpu.memory_space<hbm>>
      tpu.enqueue_dma source(%arg14 : memref<25x144xf32, #tpu.memory_space<vmem>>) target(%dma_start3A_128 : memref<25x144xf32, #tpu.memory_space<hbm>>) target_semaphore(%run_scoped3A : memref<!tpu.dma_semaphore, #tpu.memory_space<semaphore_mem>>)
      %dma_wait3A = arith.constant 0 : i32
      %dma_wait3A_129 = arith.constant 0 : i32
      %dma_wait3A_130 = tpu.memref_slice %arg7[%arg0, %dma_wait3A, %dma_wait3A_129] : memref<2x10000x144xf32, #tpu.memory_space<hbm>> -> memref<1x10000x144xf32, #tpu.memory_space<hbm>>
      %dma_wait3A_131 = tpu.memref_squeeze %dma_wait3A_130 : memref<1x10000x144xf32, #tpu.memory_space<hbm>> -> memref<10000x144xf32, #tpu.memory_space<hbm>>
      %dma_wait3A_132 = arith.constant 0 : i32
      %dma_wait3A_133 = tpu.memref_slice %dma_wait3A_131[%add3A_117, %dma_wait3A_132] : memref<10000x144xf32, #tpu.memory_space<hbm>> -> memref<25x144xf32, #tpu.memory_space<hbm>>
      %dma_wait3A_134 = arith.constant 0 : i32
      %dma_wait3A_135 = arith.constant 0 : i32
      %dma_wait3A_136 = tpu.memref_slice %arg7[%arg0, %dma_wait3A_134, %dma_wait3A_135] : memref<2x10000x144xf32, #tpu.memory_space<hbm>> -> memref<1x10000x144xf32, #tpu.memory_space<hbm>>
      %dma_wait3A_137 = tpu.memref_squeeze %dma_wait3A_136 : memref<1x10000x144xf32, #tpu.memory_space<hbm>> -> memref<10000x144xf32, #tpu.memory_space<hbm>>
      %dma_wait3A_138 = arith.constant 0 : i32
      %dma_wait3A_139 = tpu.memref_slice %dma_wait3A_137[%add3A_117, %dma_wait3A_138] : memref<10000x144xf32, #tpu.memory_space<hbm>> -> memref<25x144xf32, #tpu.memory_space<hbm>>
      tpu.wait_dma2 semaphore(%run_scoped3A : memref<!tpu.dma_semaphore, #tpu.memory_space<semaphore_mem>>) src(%arg14 : memref<25x144xf32, #tpu.memory_space<vmem>>) dst(%dma_wait3A_139 : memref<25x144xf32, #tpu.memory_space<hbm>>)
      tpu.yield
    }) : () -> ()
    return
  }
}

module attributes {stable_mosaic.version = 14 : i64} {
  func.func @_qkv_body(%arg0: i32, %arg1: memref<400x128xf32, #tpu.memory_space<vmem>>, %arg2: memref<128x128xf32, #tpu.memory_space<vmem>>, %arg3: memref<128x128xf32, #tpu.memory_space<vmem>>, %arg4: memref<128x128xf32, #tpu.memory_space<vmem>>, %arg5: memref<400x128xf32, #tpu.memory_space<vmem>>, %arg6: memref<400x128xf32, #tpu.memory_space<vmem>>, %arg7: memref<400x128xf32, #tpu.memory_space<vmem>>) attributes {dimension_semantics = [#tpu.dimension_semantics<arbitrary>], iteration_bounds = array<i64: 25>, scalar_prefetch = 0 : i64, scratch_operands = 0 : i64, tpu.core_type = #tpu.core_type<tc>, window_params = [{transform_indices = @transform_0, window_bounds = array<i64: 400, 128>}, {pipeline_mode = #tpu.pipeline_mode<synchronous>, transform_indices = @transform_1, window_bounds = array<i64: 128, 128>}, {pipeline_mode = #tpu.pipeline_mode<synchronous>, transform_indices = @transform_2, window_bounds = array<i64: 128, 128>}, {pipeline_mode = #tpu.pipeline_mode<synchronous>, transform_indices = @transform_3, window_bounds = array<i64: 128, 128>}, {transform_indices = @transform_4, window_bounds = array<i64: 400, 128>}, {transform_indices = @transform_5, window_bounds = array<i64: 400, 128>}, {transform_indices = @transform_6, window_bounds = array<i64: 400, 128>}]} {
    %get3A = arith.constant 0 : index
    %get3A_0 = arith.constant 0 : index
    %get3A_1 = vector.load %arg1[%get3A, %get3A_0] : memref<400x128xf32, #tpu.memory_space<vmem>>, vector<400x128xf32>
    %get3A_2 = arith.constant 0 : index
    %get3A_3 = arith.constant 0 : index
    %get3A_4 = vector.load %arg2[%get3A_2, %get3A_3] : memref<128x128xf32, #tpu.memory_space<vmem>>, vector<128x128xf32>
    %dot_general3A = arith.constant dense<0.000000e+00> : vector<400x128xf32>
    %dot_general3A_5 = tpu.matmul %get3A_1, %get3A_4, %dot_general3A {dimension_numbers = #tpu.dot_dimension_numbers<[1], [0], [0], [1], [0, 0, 1, 1], [], []>, transpose_lhs_hint = false} : vector<400x128xf32>, vector<128x128xf32>, vector<400x128xf32> -> vector<400x128xf32>
    %swap3A = arith.constant 0 : index
    %swap3A_6 = arith.constant 0 : index
    %swap3A_7 = vector.load %arg5[%swap3A, %swap3A_6] : memref<400x128xf32, #tpu.memory_space<vmem>>, vector<400x128xf32>
    tpu.vector_store %arg5[%swap3A, %swap3A_6], %dot_general3A_5 {strides = array<i32>} : memref<400x128xf32, #tpu.memory_space<vmem>>, vector<400x128xf32>,
    %get3A_8 = arith.constant 0 : index
    %get3A_9 = arith.constant 0 : index
    %get3A_10 = vector.load %arg3[%get3A_8, %get3A_9] : memref<128x128xf32, #tpu.memory_space<vmem>>, vector<128x128xf32>
    %dot_general3A_11 = arith.constant dense<0.000000e+00> : vector<400x128xf32>
    %dot_general3A_12 = tpu.matmul %get3A_1, %get3A_10, %dot_general3A_11 {dimension_numbers = #tpu.dot_dimension_numbers<[1], [0], [0], [1], [0, 0, 1, 1], [], []>, transpose_lhs_hint = false} : vector<400x128xf32>, vector<128x128xf32>, vector<400x128xf32> -> vector<400x128xf32>
    %swap3A_13 = arith.constant 0 : index
    %swap3A_14 = arith.constant 0 : index
    %swap3A_15 = vector.load %arg6[%swap3A_13, %swap3A_14] : memref<400x128xf32, #tpu.memory_space<vmem>>, vector<400x128xf32>
    tpu.vector_store %arg6[%swap3A_13, %swap3A_14], %dot_general3A_12 {strides = array<i32>} : memref<400x128xf32, #tpu.memory_space<vmem>>, vector<400x128xf32>,
    %get3A_16 = arith.constant 0 : index
    %get3A_17 = arith.constant 0 : index
    %get3A_18 = vector.load %arg4[%get3A_16, %get3A_17] : memref<128x128xf32, #tpu.memory_space<vmem>>, vector<128x128xf32>
    %dot_general3A_19 = arith.constant dense<0.000000e+00> : vector<400x128xf32>
    %dot_general3A_20 = tpu.matmul %get3A_1, %get3A_18, %dot_general3A_19 {dimension_numbers = #tpu.dot_dimension_numbers<[1], [0], [0], [1], [0, 0, 1, 1], [], []>, transpose_lhs_hint = false} : vector<400x128xf32>, vector<128x128xf32>, vector<400x128xf32> -> vector<400x128xf32>
    %swap3A_21 = arith.constant 0 : index
    %swap3A_22 = arith.constant 0 : index
    %swap3A_23 = vector.load %arg7[%swap3A_21, %swap3A_22] : memref<400x128xf32, #tpu.memory_space<vmem>>, vector<400x128xf32>
    tpu.vector_store %arg7[%swap3A_21, %swap3A_22], %dot_general3A_20 {strides = array<i32>} : memref<400x128xf32, #tpu.memory_space<vmem>>, vector<400x128xf32>,
    return
  }
  func.func @transform_0(%arg0: i32) -> (i32, i32) {
    %c0_i32 = arith.constant 0 : i32
    %c0_i32_0 = arith.constant 0 : i32
    return %arg0, %c0_i32 : i32, i32
  }
  func.func @transform_1(%arg0: i32) -> (i32, i32) {
    %c0_i32 = arith.constant 0 : i32
    %c0_i32_0 = arith.constant 0 : i32
    %c0_i32_1 = arith.constant 0 : i32
    return %c0_i32, %c0_i32_0 : i32, i32
  }
  func.func @transform_2(%arg0: i32) -> (i32, i32) {
    %c0_i32 = arith.constant 0 : i32
    %c0_i32_0 = arith.constant 0 : i32
    %c0_i32_1 = arith.constant 0 : i32
    return %c0_i32, %c0_i32_0 : i32, i32
  }
  func.func @transform_3(%arg0: i32) -> (i32, i32) {
    %c0_i32 = arith.constant 0 : i32
    %c0_i32_0 = arith.constant 0 : i32
    %c0_i32_1 = arith.constant 0 : i32
    return %c0_i32, %c0_i32_0 : i32, i32
  }
  func.func @transform_4(%arg0: i32) -> (i32, i32) {
    %c0_i32 = arith.constant 0 : i32
    %c0_i32_0 = arith.constant 0 : i32
    return %arg0, %c0_i32 : i32, i32
  }
  func.func @transform_5(%arg0: i32) -> (i32, i32) {
    %c0_i32 = arith.constant 0 : i32
    %c0_i32_0 = arith.constant 0 : i32
    return %arg0, %c0_i32 : i32, i32
  }
  func.func @transform_6(%arg0: i32) -> (i32, i32) {
    %c0_i32 = arith.constant 0 : i32
    %c0_i32_0 = arith.constant 0 : i32
    return %arg0, %c0_i32 : i32, i32
  }
}

module attributes {stable_mosaic.version = 14 : i64} {
  func.func @_final_body(%arg0: i32, %arg1: memref<400x128xf32, #tpu.memory_space<vmem>>, %arg2: memref<2x400x144xf32, #tpu.memory_space<vmem>>, %arg3: memref<128x128xf32, #tpu.memory_space<vmem>>, %arg4: memref<1x128xf32, #tpu.memory_space<vmem>>, %arg5: memref<1x128xf32, #tpu.memory_space<vmem>>, %arg6: memref<400x128xf32, #tpu.memory_space<vmem>>) attributes {dimension_semantics = [#tpu.dimension_semantics<arbitrary>], iteration_bounds = array<i64: 25>, scalar_prefetch = 0 : i64, scratch_operands = 0 : i64, tpu.core_type = #tpu.core_type<tc>, window_params = [{transform_indices = @transform_0, window_bounds = array<i64: 400, 128>}, {transform_indices = @transform_1, window_bounds = array<i64: 2, 400, 144>}, {pipeline_mode = #tpu.pipeline_mode<synchronous>, transform_indices = @transform_2, window_bounds = array<i64: 128, 128>}, {pipeline_mode = #tpu.pipeline_mode<synchronous>, transform_indices = @transform_3, window_bounds = array<i64: 1, 128>}, {pipeline_mode = #tpu.pipeline_mode<synchronous>, transform_indices = @transform_4, window_bounds = array<i64: 1, 128>}, {transform_indices = @transform_5, window_bounds = array<i64: 400, 128>}]} {
    %get3A = arith.constant 0 : index
    %get3A_0 = arith.constant 0 : index
    %get3A_1 = arith.constant 0 : index
    %get3A_2 = vector.load %arg2[%get3A, %get3A_0, %get3A_1] : memref<2x400x144xf32, #tpu.memory_space<vmem>>, vector<1x400x144xf32>
    %get3A_3 = vector.shape_cast %get3A_2 : vector<1x400x144xf32> to vector<400x144xf32>
    %get3A_4 = arith.constant 1 : index
    %get3A_5 = arith.constant 0 : index
    %get3A_6 = arith.constant 0 : index
    %get3A_7 = vector.load %arg2[%get3A_4, %get3A_5, %get3A_6] : memref<2x400x144xf32, #tpu.memory_space<vmem>>, vector<1x400x144xf32>
    %get3A_8 = vector.shape_cast %get3A_7 : vector<1x400x144xf32> to vector<400x144xf32>
    %add3A = arith.addf %get3A_3, %get3A_8 : vector<400x144xf32>
    %iota3A = tpu.iota {dimensions = array<i32: 1>} : vector<8x128xi32>
    %jit3A = arith.constant 16 : i32
    %div3A = vector.broadcast %jit3A : i32 to vector<8x128xi32>
    %div3A_9 = arith.divsi %iota3A, %div3A : vector<8x128xi32>
    %sign3A = arith.constant 0 : i32
    %sign3A_10 = vector.broadcast %sign3A : i32 to vector<8x128xi32>
    %sign3A_11 = arith.cmpi sgt, %iota3A, %sign3A_10 : vector<8x128xi32>
    %sign3A_12 = arith.extui %sign3A_11 : vector<8x128xi1> to vector<8x128xi32>
    %sign3A_13 = arith.constant 0 : i32
    %sign3A_14 = vector.broadcast %sign3A_13 : i32 to vector<8x128xi32>
    %sign3A_15 = arith.cmpi slt, %iota3A, %sign3A_14 : vector<8x128xi32>
    %sign3A_16 = arith.extui %sign3A_15 : vector<8x128xi1> to vector<8x128xi32>
    %sign3A_17 = arith.subi %sign3A_12, %sign3A_16 : vector<8x128xi32>
    %sign3A_18 = arith.constant 0 : i32
    %sign3A_19 = arith.cmpi sgt, %jit3A, %sign3A_18 : i32
    %sign3A_20 = arith.extui %sign3A_19 : i1 to i32
    %sign3A_21 = arith.constant 0 : i32
    %sign3A_22 = arith.cmpi slt, %jit3A, %sign3A_21 : i32
    %sign3A_23 = arith.extui %sign3A_22 : i1 to i32
    %sign3A_24 = arith.subi %sign3A_20, %sign3A_23 : i32
    %ne3A = vector.broadcast %sign3A_24 : i32 to vector<8x128xi32>
    %ne3A_25 = arith.cmpi ne, %sign3A_17, %ne3A : vector<8x128xi32>
    %rem3A = vector.broadcast %jit3A : i32 to vector<8x128xi32>
    %rem3A_26 = arith.remsi %iota3A, %rem3A : vector<8x128xi32>
    %ne3A_27 = arith.constant 0 : i32
    %ne3A_28 = vector.broadcast %ne3A_27 : i32 to vector<8x128xi32>
    %ne3A_29 = arith.cmpi ne, %rem3A_26, %ne3A_28 : vector<8x128xi32>
    %and3A = arith.andi %ne3A_25, %ne3A_29 : vector<8x128xi1>
    %sub3A = arith.constant 1 : i32
    %sub3A_30 = vector.broadcast %sub3A : i32 to vector<8x128xi32>
    %sub3A_31 = arith.subi %div3A_9, %sub3A_30 : vector<8x128xi32>
    %select_n3A = arith.select %and3A, %sub3A_31, %div3A_9 : vector<8x128xi1>, vector<8x128xi32>
    %iota3A_32 = tpu.iota {dimensions = array<i32: 0>} : vector<8x128xi32>
    %eq3A = arith.cmpi eq, %select_n3A, %iota3A_32 : vector<8x128xi32>
    %convert_element_type3A = arith.extui %eq3A : vector<8x128xi1> to vector<8x128xi32>
    %convert_element_type3A_33 = arith.sitofp %convert_element_type3A : vector<8x128xi32> to vector<8x128xf32>
    %slice3A = vector.extract_strided_slice %add3A {offsets = [0, 128], sizes = [400, 8], strides = [1, 1]} : vector<400x144xf32> to vector<400x8xf32>
    %dot_general3A = arith.constant dense<0.000000e+00> : vector<400x128xf32>
    %dot_general3A_34 = tpu.matmul %slice3A, %convert_element_type3A_33, %dot_general3A {dimension_numbers = #tpu.dot_dimension_numbers<[1], [0], [0], [1], [0, 0, 1, 1], [], []>, transpose_lhs_hint = false} : vector<400x8xf32>, vector<8x128xf32>, vector<400x128xf32> -> vector<400x128xf32>
    %slice3A_35 = vector.extract_strided_slice %add3A {offsets = [0, 0], sizes = [400, 128], strides = [1, 1]} : vector<400x144xf32> to vector<400x128xf32>
    %add3A_36 = arith.constant 9.99999971E-10 : f32
    %add3A_37 = vector.broadcast %add3A_36 : f32 to vector<400x128xf32>
    %add3A_38 = arith.addf %dot_general3A_34, %add3A_37 : vector<400x128xf32>
    %div3A_39 = arith.divf %slice3A_35, %add3A_38 : vector<400x128xf32>
    %get3A_40 = arith.constant 0 : index
    %get3A_41 = arith.constant 0 : index
    %get3A_42 = vector.load %arg3[%get3A_40, %get3A_41] : memref<128x128xf32, #tpu.memory_space<vmem>>, vector<128x128xf32>
    %dot_general3A_43 = arith.constant dense<0.000000e+00> : vector<400x128xf32>
    %dot_general3A_44 = tpu.matmul %div3A_39, %get3A_42, %dot_general3A_43 {dimension_numbers = #tpu.dot_dimension_numbers<[1], [0], [0], [1], [0, 0, 1, 1], [], []>, transpose_lhs_hint = false} : vector<400x128xf32>, vector<128x128xf32>, vector<400x128xf32> -> vector<400x128xf32>
    %get3A_45 = arith.constant 0 : index
    %get3A_46 = arith.constant 0 : index
    %get3A_47 = vector.load %arg1[%get3A_45, %get3A_46] : memref<400x128xf32, #tpu.memory_space<vmem>>, vector<400x128xf32>
    %add3A_48 = arith.addf %get3A_47, %dot_general3A_44 : vector<400x128xf32>
    %reduce_sum3A = arith.constant dense<0.000000e+00> : vector<400xf32>
    %reduce_sum3A_49 = vector.multi_reduction <add>, %add3A_48, %reduce_sum3A [1] : vector<400x128xf32> to vector<400xf32>
    %broadcast_in_dim3A = vector.shape_cast %reduce_sum3A_49 : vector<400xf32> to vector<400x1xf32>
    %div3A_50 = arith.constant 1.280000e+02 : f32
    %div3A_51 = vector.broadcast %div3A_50 : f32 to vector<400x1xf32>
    %div3A_52 = arith.divf %broadcast_in_dim3A, %div3A_51 : vector<400x1xf32>
    %sub3A_53 = vector.broadcast %div3A_52 : vector<400x1xf32> to vector<400x128xf32>
    %sub3A_54 = arith.subf %add3A_48, %sub3A_53 : vector<400x128xf32>
    %integer_pow3A = arith.mulf %sub3A_54, %sub3A_54 : vector<400x128xf32>
    %reduce_sum3A_55 = arith.constant dense<0.000000e+00> : vector<400xf32>
    %reduce_sum3A_56 = vector.multi_reduction <add>, %integer_pow3A, %reduce_sum3A_55 [1] : vector<400x128xf32> to vector<400xf32>
    %broadcast_in_dim3A_57 = vector.shape_cast %reduce_sum3A_56 : vector<400xf32> to vector<400x1xf32>
    %div3A_58 = arith.constant 1.280000e+02 : f32
    %div3A_59 = vector.broadcast %div3A_58 : f32 to vector<400x1xf32>
    %div3A_60 = arith.divf %broadcast_in_dim3A_57, %div3A_59 : vector<400x1xf32>
    %sub3A_61 = vector.broadcast %div3A_52 : vector<400x1xf32> to vector<400x128xf32>
    %sub3A_62 = arith.subf %add3A_48, %sub3A_61 : vector<400x128xf32>
    %add3A_63 = arith.constant 9.99999974E-6 : f32
    %add3A_64 = vector.broadcast %add3A_63 : f32 to vector<400x1xf32>
    %add3A_65 = arith.addf %div3A_60, %add3A_64 : vector<400x1xf32>
    %sqrt3A = math.sqrt %add3A_65 : vector<400x1xf32>
    %div3A_66 = vector.broadcast %sqrt3A : vector<400x1xf32> to vector<400x128xf32>
    %div3A_67 = arith.divf %sub3A_62, %div3A_66 : vector<400x128xf32>
    %get3A_68 = arith.constant 0 : index
    %get3A_69 = arith.constant 0 : index
    %get3A_70 = vector.load %arg4[%get3A_68, %get3A_69] : memref<1x128xf32, #tpu.memory_space<vmem>>, vector<1x128xf32>
    %mul3A = vector.broadcast %get3A_70 : vector<1x128xf32> to vector<400x128xf32>
    %mul3A_71 = arith.mulf %div3A_67, %mul3A : vector<400x128xf32>
    %get3A_72 = arith.constant 0 : index
    %get3A_73 = arith.constant 0 : index
    %get3A_74 = vector.load %arg5[%get3A_72, %get3A_73] : memref<1x128xf32, #tpu.memory_space<vmem>>, vector<1x128xf32>
    %add3A_75 = vector.broadcast %get3A_74 : vector<1x128xf32> to vector<400x128xf32>
    %add3A_76 = arith.addf %mul3A_71, %add3A_75 : vector<400x128xf32>
    %swap3A = arith.constant 0 : index
    %swap3A_77 = arith.constant 0 : index
    %swap3A_78 = vector.load %arg6[%swap3A, %swap3A_77] : memref<400x128xf32, #tpu.memory_space<vmem>>, vector<400x128xf32>
    tpu.vector_store %arg6[%swap3A, %swap3A_77], %add3A_76 {strides = array<i32>} : memref<400x128xf32, #tpu.memory_space<vmem>>, vector<400x128xf32>,
    return
  }
  func.func @transform_0(%arg0: i32) -> (i32, i32) {
    %c0_i32 = arith.constant 0 : i32
    %c0_i32_0 = arith.constant 0 : i32
    return %arg0, %c0_i32 : i32, i32
  }
  func.func @transform_1(%arg0: i32) -> (i32, i32, i32) {
    %c0_i32 = arith.constant 0 : i32
    %c0_i32_0 = arith.constant 0 : i32
    %c0_i32_1 = arith.constant 0 : i32
    return %c0_i32, %arg0, %c0_i32_0 : i32, i32, i32
  }
  func.func @transform_2(%arg0: i32) -> (i32, i32) {
    %c0_i32 = arith.constant 0 : i32
    %c0_i32_0 = arith.constant 0 : i32
    %c0_i32_1 = arith.constant 0 : i32
    return %c0_i32, %c0_i32_0 : i32, i32
  }
  func.func @transform_3(%arg0: i32) -> (i32, i32) {
    %c0_i32 = arith.constant 0 : i32
    %c0_i32_0 = arith.constant 0 : i32
    %c0_i32_1 = arith.constant 0 : i32
    return %c0_i32, %c0_i32_0 : i32, i32
  }
  func.func @transform_4(%arg0: i32) -> (i32, i32) {
    %c0_i32 = arith.constant 0 : i32
    %c0_i32_0 = arith.constant 0 : i32
    %c0_i32_1 = arith.constant 0 : i32
    return %c0_i32, %c0_i32_0 : i32, i32
  }
  func.func @transform_5(%arg0: i32) -> (i32, i32) {
    %c0_i32 = arith.constant 0 : i32
    %c0_i32_0 = arith.constant 0 : i32
    return %arg0, %c0_i32 : i32, i32
  }
}

</mosaic_0001>

<sc_bundles>
// kernel: kernel.5.cloned.1.call-start
scs
__scs_entry_jumppad:
0x0: {  	(pc) =	sbr.rel $0x88, $3  }
0x1: {  	(tag) =	ssettag $0x0;
	lr =	simm.s32 $0x1  }
0x2: {  	[smem:$0x3F99] =	sst lr;
	_ =	strace $0xD0000000  }
0x3: {  	_ = 	snop  }
0x4: {  	_ = 	snop  }
0x5: {  	_ = 	snop  }
0x6: {  	_ = 	snop  }
0x7: {  	_ = 	snop  }
__scs_overlays_trampoline_lowered:
0x8: {  	[smem:$0x3FA8] =	sst s0  }
0x9: {  	[smem:$0x3FA9] =	sst s1  }
0xa: {  	[smem:$0x3FAA] =	sst s2  }
0xb: {  	[smem:$0x3FAB] =	sst s3  }
0xc: {  	[smem:$0x3FAC] =	sst s4  }
0xd: {  	[smem:$0x3FAD] =	sst s5  }
0xe: {  	[smem:$0x3FAE] =	sst s6  }
0xf: {  	[smem:$0x3FAF] =	sst s7  }
0x10: {  	[smem:$0x3FB0] =	sst s8  }
0x11: {  	[smem:$0x3FB1] =	sst s9;
	s0 =	simm.s32 @!p0 $0x0  }
0x12: {  	s1 =	sld [smem:$0x3F97];
	s0 =	simm.s32 @p0 $0x1  }
0x13: {  	[smem:$0x3FB2] =	sst s0;
	s0 =	simm.s32 @!p1 $0x0  }
0x14: {  	s2 =	sld [smem:$0x3F96];
	s0 =	simm.s32 @p1 $0x1  }
0x15: {  	[smem:$0x3FB3] =	sst s0;
	s0 =	simm.s32 @!p2 $0x0  }
0x16: {  	s3 =	sld [smem:$0x3FDB];
	s0 =	simm.s32 @p2 $0x1  }
0x17: {  	s4 =	simm.s32 $0x1BF5;
	[smem:$0x3FB5] =	sst s0  }
0x18: {  	s0 =	sld [smem:$0x3F98];
	_ =	swait.ge [sflag:s4], $0x0  }
0x19: {  	s7 =	sld [smem:$0x3F99]  }
0x1a: {  	s8 =	sadd.s32 $0xFFFFE003, lr  }
0x1b: {  	s9 =	sadd.s32 $0xFFFFFEF7, lr;
	s5 =	simm.s32 $0xFFFFFFFF;
	p2 =	slt.u32 s8, $0xFFFFF086  }
0x1c: {  	p1 =	slt.u32 s9, $0xF7A;
	s5 =	simm.s32 @!p2 $0x0  }
0x1d: {  	s5 =	simm.s32 @p1 $0x1;
	p0 =	seq.s32 s7, s2  }
0x1e: {  	s7 =	smul.u32 @!p0 $0xF7A, s2;
	p2 =	seq.s32 @!p0 s5, $0x0  }
0x1f: {  	s9 =	smul.u32 $0xF7A, s1;
	s8 =	simm.s32 @!p0 $0x1BF5;
	p2 =	por !p2, p0  }
0x20: {  	[sflag:s8] =	ssyncset.s32 @!p0 $0xFFFFF086;
	s6 =	sadd.s32 @!p0 s3, s7;
	s7 =	simm.s32 @!p0 $0x108  }
0x21: {  	s3 =	sadd.s32 s3, s9;
	s6 =	sadd.s32 @!p0 $0x88, s6;
	s7 =	simm.s32 @p2 $0x1082  }
0x22: {  	[simem:s7], [sflag:s8] =	dma.local @!p0 [hbm:s6], $0xF7A  }
0x23: {  	s9 =	sor.u32 $0xD0000000, s2;
	s6 =	simm.s32 $0x108;
	_ =	swait.ge @!p0 [sflag:s8], $0x0  }
0x24: {  	s3 =	sadd.s32 $0x88, s3;
	s6 =	simm.s32 @!p1 $0x1082;
	[sflag:s4] =	ssyncset.s32 $0xFFFFF086  }
0x25: {  	[simem:s6], [sflag:s4] =	dma.local [hbm:s3], $0xF7A  }
0x26: {  	[smem:$0x3F99] =	sst s1;
	(tag) =	ssettag s2;
	_ =	strace s9  }
0x27: {  	s1 =	sld [smem:$0x3FA9]  }
0x28: {  	s2 =	sld [smem:$0x3FAA]  }
0x29: {  	s4 =	sld [smem:$0x3FAC]  }
0x2a: {  	p0 =	seq.s32 s5, $0x0;
	s5 =	sld [smem:$0x3FAD]  }
0x2b: {  	s6 =	sld [smem:$0x3FAE]  }
0x2c: {  	s7 =	sld [smem:$0x3FAF]  }
0x2d: {  	s3 =	simm.s32 $0x108;
	s8 =	sld [smem:$0x3FB0]  }
0x2e: {  	s3 =	simm.s32 @!p0 $0x1082;
	s9 =	sld [smem:$0x3FB1]  }
0x2f: {  	lr =	sadd.s32 s0, s3;
	s0 =	sld [smem:$0x3FA8]  }
0x30: {  	s3 =	sld [smem:$0x3FAB]  }
0x31: {  	[smem:$0x3FB4] =	sst s10  }
0x32: {  	s10 =	sld [smem:$0x3FB2];
	_ =	sdelay $0x3  }
0x33: {  	p0 =	seq.s32 s10, $0x1;
	s10 =	sld [smem:$0x3FB4];
	_ =	sdelay $0x3  }
0x34: {  	[smem:$0x3FB4] =	sst s10  }
0x35: {  	s10 =	sld [smem:$0x3FB3];
	_ =	sdelay $0x3  }
0x36: {  	p1 =	seq.s32 s10, $0x1;
	s10 =	sld [smem:$0x3FB4];
	_ =	sdelay $0x3  }
0x37: {  	[smem:$0x3FB4] =	sst s10  }
0x38: {  	s10 =	sld [smem:$0x3FB5]  }
0x39: {  	_ = 	snop;
	(pc) =	sbr.ind lr, $3  }
0x3a: {  	_ = 	snop  }
0x3b: {  	_ = 	snop  }
0x3c: {  	p2 =	seq.s32 s10, $0x1;
	s10 =	sld [smem:$0x3FB4]  }
0x3d: {  	_ =	shalt  }
0x3e: {  	_ =	shalt  }
0x3f: {  	_ =	shalt  }
0x40: {  	_ =	shalt  }
0x41: {  	_ =	shalt  }
0x42: {  	_ =	shalt  }
0x43: {  	_ =	shalt  }
0x44: {  	_ =	shalt  }
0x45: {  	_ =	shalt  }
0x46: {  	_ =	shalt  }
0x47: {  	_ =	shalt  }
0x48: {  	_ =	shalt  }
0x49: {  	_ =	shalt  }
0x4a: {  	_ =	shalt  }
0x4b: {  	_ =	shalt  }
0x4c: {  	_ =	shalt  }
0x4d: {  	_ =	shalt  }
0x4e: {  	_ =	shalt  }
0x4f: {  	_ =	shalt  }
0x50: {  	_ =	shalt  }
0x51: {  	_ =	shalt  }
0x52: {  	_ =	shalt  }
0x53: {  	_ =	shalt  }
0x54: {  	_ =	shalt  }
0x55: {  	_ =	shalt  }
0x56: {  	_ =	shalt  }
0x57: {  	_ =	shalt  }
0x58: {  	_ =	shalt  }
0x59: {  	_ =	shalt  }
0x5a: {  	_ =	shalt  }
0x5b: {  	_ =	shalt  }
0x5c: {  	_ =	shalt  }
0x5d: {  	_ =	shalt  }
0x5e: {  	_ =	shalt  }
0x5f: {  	_ =	shalt  }
0x60: {  	_ =	shalt  }
0x61: {  	_ =	shalt  }
0x62: {  	_ =	shalt  }
0x63: {  	_ =	shalt  }
0x64: {  	_ =	shalt  }
0x65: {  	_ =	shalt  }
0x66: {  	_ =	shalt  }
0x67: {  	_ =	shalt  }
0x68: {  	_ =	shalt  }
0x69: {  	_ =	shalt  }
0x6a: {  	_ =	shalt  }
0x6b: {  	_ =	shalt  }
0x6c: {  	_ =	shalt  }
0x6d: {  	_ =	shalt  }
0x6e: {  	_ =	shalt  }
0x6f: {  	_ =	shalt  }
0x70: {  	_ =	shalt  }
0x71: {  	_ =	shalt  }
0x72: {  	_ =	shalt  }
0x73: {  	_ =	shalt  }
0x74: {  	_ =	shalt  }
0x75: {  	_ =	shalt  }
0x76: {  	_ =	shalt  }
0x77: {  	_ =	shalt  }
0x78: {  	_ =	shalt  }
0x79: {  	_ =	shalt  }
0x7a: {  	_ =	shalt  }
0x7b: {  	_ =	shalt  }
0x7c: {  	_ =	shalt  }
0x7d: {  	_ =	shalt  }
0x7e: {  	_ =	shalt  }
0x7f: {  	_ =	shalt  }
0x80: {  	_ =	shalt  }
0x81: {  	_ =	shalt  }
0x82: {  	_ =	shalt  }
0x83: {  	_ =	shalt  }
0x84: {  	_ =	shalt  }
0x85: {  	_ =	shalt  }
0x86: {  	_ =	shalt  }
0x87: {  	_ =	shalt  }
.Lfunc_end0:
.L_simem_size_0:
called_computation_lowered:
.L_overlay_start_0:
0x88: {  	s2 =	sld [smem:$0x3FD9]  }
0x89: {  	s3 =	sld [smem:$0x3FFE];
	_ =	sdelay $0x1  }
0x8a: {  	s1 =	srdreg.scid  }
0x8b: {  	s0 =	sand.u32 $0x1, s1  }
0x8c: {  	s17 =	sshll.u32 s0, $0xA;
	s2 =	sadd.s32 s3, s2  }
0x8d: {  	s2 =	sadd.s32 s2, s17  }
0x8e: {  	[smem:$0x3FC0] =	sst s2  }
0x8f: {  	_ = 	snop  }
0x90: {  	s2 =	sld [smem:$0x3FD0];
	(tm) =	ssettm $0x1  }
0x91: {  	s18 =	sld [smem:$0x3FFB];
	_ =	sdelay $0x3  }
0x92: {  	_ =	strace s18  }
0x93: {  	s3 =	sld [smem:$0x3FFC];
	_ =	sdelay $0x3  }
0x94: {  	_ =	strace s3  }
0x95: {  	s3 =	sld [smem:$0x3FFD];
	_ =	sdelay $0x3  }
0x96: {  	_ =	strace s3  }
0x97: {  	_ =	strace $0x8FFFFFFF  }
0x98: {  	s19 =	sld [smem:$0x3FDB];
	_ =	sdelay $0x1  }
0x99: {  	s4 =	simm.s32 $_scs_section_size  }
0x9a: {  	s5 =	simm.s32 $_size__tile_overlayer_lowered;
	s6 =	simm.s32 $_tile_overlayer_lowered  }
0x9b: {  	s22 =	simm.s32 $0x1BFF;
	s21 =	sshll.u32 s6, $0x1;
	s3 =	sadd.s32 s4, s19  }
0x9c: {  	s7 =	simm.s32 $0x0;
	s20 =	sshll.u32 s5, $0x1;
	s5 =	sadd.s32 s21, s3  }
0x9d: {  	[timem:s7], [sflag:s22] =	dma.local [hbm:s5], s20  }
0x9e: {  	_ =	swait.ge [sflag:s22], s20  }
0x9f: {  	s4 =	ssub.s32 $0x0, s20;
	[sflag:s22] =	ssyncset.done $0x0  }
0xa0: {  	[sflag:s22] =	ssyncadd.s32 s4;
	_ =	sdelay $0x1  }
0xa1: {  	s23 =	simm.s32 $0x1B8B  }
0xa2: {  	_ =	swait.ge [sflag:s23], $0x1  }
0xa3: {  	[sflag:s23] =	ssyncset.done $0x0  }
0xa4: {  	s25 =	simm.s32 $0x1B8E;
	s24 =	sld [smem:$0x3FFE];
	[sflag:s23] =	ssyncadd.s32 $0xFFFFFFFF  }
0xa5: {  	s26 =	simm.s32 $execute0_lowered;
	[smem:$0x3FD2] =	sst s25  }
0xa6: {  	s5 =	sshll.u32 s26, $0x1;
	_ =	strace $0x80000046;
	[dreg:$0x1] =	wrdreg $0xFFFFFFFF  }
0xa7: {  	s28 =	simm.s32 $_size_execute0_lowered;
	s3 =	sadd.s32 s3, s5;
	[dreg:$0x0] =	wrdreg $0x0  }
0xa8: {  	s5 =	sshll.u32 s28, $0x1;
	[dreg:$0x2] =	wrdreg s3  }
0xa9: {  	[dreg:$0x3] =	wrdreg s5  }
0xaa: {  	[dreg:$0x4] =	wrdreg $0xC0  }
0xab: {  	_ =	task [dreg:s7], $0x5FFFF  }
0xac: {  	[dreg:$0x1] =	wrdreg $0xFFFFFFFF  }
0xad: {  	[dreg:$0x0] =	wrdreg $0x60  }
0xae: {  	[dreg:$0x2] =	wrdreg s2  }
0xaf: {  	[dreg:$0x3] =	wrdreg s24  }
0xb0: {  	[dreg:$0x4] =	wrdreg $0x60E00  }
0xb1: {  	[dreg:$0x5] =	wrdreg $0x9  }
0xb2: {  	_ =	task.clear_ibuf [dreg:s7], $0x6FFFF;
	_ =	strace $0x90000046  }
0xb3: {  	s29 =	simm.s32 $0x9;
	_ =	strace $0x80000048  }
0xb4: {  	_ =	swait.ge [sflag:s29], $0x1  }
0xb5: {  	[sflag:s29] =	ssyncadd.s32 $0xFFFFFFFF  }
0xb6: {  	_ =	strace $0x90000048  }
0xb7: {  	_ =	sfence  }
0xb8: {  	s30 =	sld [smem:$0x0];
	_ =	sdelay $0x2  }
0xb9: {  	s31 =	sshll.u32 s1, $0xD;
	s1 =	sshrl.u32 s1, $0x2  }
0xba: {  	s3 =	sand.u32 $0x4000, s31;
	s1 =	sadd.s32 s1, s30  }
0xbb: {  	s0 =	sor.u32 s3, s0;
	s1 =	sshll.u32 s1, $0x11  }
0xbc: {  	s0 =	sor.u32 s1, s0  }
0xbd: {  	s0 =	sadd.s32 $0x8F2B, s0  }
0xbe: {  	[sflag:s0] =	ssyncadd.remote.s32 $0x1  }
0xbf: {  	_ =	sfence.sel $0xFFFF  }
0xc0: {  	[dreg:$0x0] =	wrdreg $0xFFFFFFFF;
	(pc) =	sbr.abs _section_cstart, $3  }
0xc1: {  	[dreg:$0x1] =	wrdreg $0xFFFFFFFF  }
0xc2: {  	_ =	task.clear_ibuf [dreg:s7], $0x2FFFF;
	_ =	strace $0x9FFFFFFF  }
0xc3: {  	(tm) =	ssettm $0x7FFFFFFF  }
tec
execute0_lowered:
.L_overlay_start_1:
0x0: {  	(tag) =	ssettag $0x1  }
0x1: {  	s0 =	srdreg.scid  }
0x2: {  	s2 =	rddreg [dreg:$0x1];
	s3 =	stileid.u32;
	s1 =	simm.s32 $0x0  }
0x3: {  	s28 =	rddreg [dreg:$0x2];
	s0 =	sand.u32 $0x1, s0;
	s3 =	smul.u32 $0x15F90, s3  }
0x4: {  	[smem:$0x7FF] =	sst s1;
	s4 =	smul.u32 $0x2BF20, s0;
	s5 =	ssub.s32 $0x2, s0  }
0x5: {  	s6 =	sshrl.u32 s5, $0x1;
	s24 =	sadd.s32 $0xE10, s3;
	s25 =	sadd.s32 $0x1C20, s3  }
0x6: {  	s26 =	sadd.s32 $0x2A30, s3;
	s8 =	sadd.s32 $0x3840, s3;
	s9 =	sadd.s32 $0x4650, s3  }
0x7: {  	s10 =	sadd.s32 $0x5460, s3;
	s11 =	sadd.s32 $0x6270, s3;
	s12 =	sadd.s32 $0x7080, s3  }
0x8: {  	s13 =	sadd.s32 $0x7E90, s3;
	s14 =	sadd.s32 $0x8CA0, s3;
	s16 =	sshrl.u32 s3, $0x3  }
0x9: {  	s29 =	sadd.s32 $0x11940, s3;
	s30 =	sadd.s32 $0x12750, s3;
	[smem:$0x7EC] =	sst s24  }
0xa: {  	s15 =	sadd.s32 s4, s2;
	s23 =	ssub.s32 s5, s6;
	[smem:$0x7ED] =	sst s25  }
0xb: {  	[smem:$0x7EE] =	sst s26;
	s17 =	sshrl.u32 s24, $0x3;
	s15 =	sadd.s32 $0x63200, s15  }
0xc: {  	s18 =	sshrl.u32 s25, $0x3;
	[smem:$0x7FC] =	sst s23;
	s6 =	sadd.s32 s16, s15  }
0xd: {  	s19 =	sshrl.u32 s26, $0x3;
	s7 =	sadd.s32 s17, s15;
	[dreg:$0x4] =	wrdreg s6  }
0xe: {  	s20 =	sshrl.u32 s8, $0x3;
	s16 =	sadd.s32 s18, s15;
	[dreg:$0x5] =	wrdreg s7  }
0xf: {  	s21 =	sshrl.u32 s9, $0x3;
	s17 =	sadd.s32 s19, s15;
	[dreg:$0x6] =	wrdreg s16  }
0x10: {  	s22 =	sshrl.u32 s10, $0x3;
	s18 =	sadd.s32 s20, s15;
	[dreg:$0x7] =	wrdreg s17  }
0x11: {  	s24 =	sshrl.u32 s12, $0x3;
	s19 =	sadd.s32 s21, s15;
	[dreg:$0x8] =	wrdreg s18  }
0x12: {  	s23 =	sshrl.u32 s11, $0x3;
	s20 =	sadd.s32 s22, s15;
	[dreg:$0x9] =	wrdreg s19  }
0x13: {  	s21 =	sadd.s32 s23, s15;
	s22 =	sadd.s32 s24, s15;
	[dreg:$0xa] =	wrdreg s20  }
0x14: {  	s23 =	sshrl.u32 s13, $0x3;
	s24 =	sshrl.u32 s14, $0x3;
	[dreg:$0xb] =	wrdreg s21  }
0x15: {  	[dreg:$0xc] =	wrdreg s22;
	s25 =	sadd.s32 s23, s15;
	s26 =	sadd.s32 s24, s15  }
0x16: {  	s16 =	sadd.s32 $0x9AB0, s3;
	s17 =	sadd.s32 $0xA8C0, s3;
	s18 =	sadd.s32 $0xB6D0, s3  }
0x17: {  	s19 =	sadd.s32 $0xC4E0, s3;
	[dreg:$0xd] =	wrdreg s25;
	s4 =	sshrl.u32 s16, $0x3  }
0x18: {  	[dreg:$0xe] =	wrdreg s26;
	s6 =	sshrl.u32 s17, $0x3;
	s5 =	sadd.s32 s4, s15  }
0x19: {  	s7 =	sshrl.u32 s18, $0x3;
	s21 =	sadd.s32 s6, s15;
	[dreg:$0xf] =	wrdreg s5  }
0x1a: {  	s23 =	sshrl.u32 s19, $0x3;
	s22 =	sadd.s32 s7, s15;
	[dreg:$0x10] =	wrdreg s21  }
0x1b: {  	s20 =	sadd.s32 $0xD2F0, s3;
	s24 =	sadd.s32 s23, s15;
	[dreg:$0x11] =	wrdreg s22  }
0x1c: {  	s25 =	sshrl.u32 s20, $0x3;
	s21 =	sadd.s32 $0xE100, s3;
	[dreg:$0x12] =	wrdreg s24  }
0x1d: {  	s5 =	sadd.s32 s25, s15;
	s22 =	sadd.s32 $0xEF10, s3;
	s24 =	sadd.s32 $0xFD20, s3  }
0x1e: {  	s25 =	sadd.s32 $0x10B30, s3;
	s26 =	sshrl.u32 s21, $0x3;
	[dreg:$0x13] =	wrdreg s5  }
0x1f: {  	s7 =	sshrl.u32 s22, $0x3;
	s4 =	sshrl.u32 s24, $0x3;
	s6 =	sadd.s32 s26, s15  }
0x20: {  	s26 =	sadd.s32 s7, s15;
	s5 =	sadd.s32 s4, s15;
	[dreg:$0x14] =	wrdreg s6  }
0x21: {  	s7 =	sshrl.u32 s29, $0x3;
	[dreg:$0x15] =	wrdreg s26;
	s26 =	sshrl.u32 s25, $0x3  }
0x22: {  	[dreg:$0x16] =	wrdreg s5;
	s5 =	sshrl.u32 s30, $0x3;
	s6 =	sadd.s32 s26, s15  }
0x23: {  	s26 =	sadd.s32 s7, s15;
	[dreg:$0x17] =	wrdreg s6;
	s6 =	sadd.s32 $0x13560, s3  }
0x24: {  	s23 =	sadd.s32 s5, s15;
	[dreg:$0x18] =	wrdreg s26;
	s7 =	sshrl.u32 s6, $0x3  }
0x25: {  	s4 =	sadd.s32 $0x14370, s3;
	[dreg:$0x19] =	wrdreg s23;
	s5 =	sadd.s32 s7, s15  }
0x26: {  	s7 =	sshrl.u32 s4, $0x3;
	[dreg:$0x1a] =	wrdreg s5;
	s5 =	sadd.s32 $0x15180, s3  }
0x27: {  	s26 =	rddreg [dreg:$0x0];
	s23 =	sadd.s32 s7, s15;
	s31 =	sshrl.u32 s5, $0x3  }
0x28: {  	[dreg:$0x1b] =	wrdreg s23;
	s15 =	sadd.s32 s31, s15  }
0x29: {  	s3 =	sadd.s32 s3, s28;
	[dreg:$0x1c] =	wrdreg s15  }
0x2a: {  	s8 =	sadd.s32 s8, s28;
	_ =	strace $0x80000047;
	[dreg:$0x1d] =	wrdreg s3  }
0x2b: {  	s9 =	sadd.s32 s9, s28;
	[smem:$0x7F0] =	sst s8  }
0x2c: {  	s7 =	stileid.u32;
	s15 =	sshll.u32 s0, $0x4;
	[smem:$0x7F1] =	sst s9  }
0x2d: {  	s15 =	sor.u32 s7, s15;
	s8 =	sadd.s32 s11, s28;
	s7 =	sld [smem:$0x7EC]  }
0x2e: {  	s9 =	sadd.s32 s12, s28;
	[smem:$0x7F3] =	sst s8  }
0x2f: {  	s16 =	sadd.s32 s16, s28;
	s11 =	sadd.s32 s14, s28;
	[smem:$0x7F4] =	sst s9  }
0x30: {  	s17 =	sadd.s32 s17, s28;
	s12 =	sadd.s32 s19, s28;
	[smem:$0x7F6] =	sst s11  }
0x31: {  	s18 =	sadd.s32 s18, s28;
	s23 =	sadd.s32 $0x3C000, s2;
	[smem:$0x7F7] =	sst s12  }
0x32: {  	s14 =	sadd.s32 s21, s28;
	s3 =	sadd.s32 s7, s28;
	s7 =	sld [smem:$0x7ED]  }
0x33: {  	s31 =	sadd.s32 $0x14E00, s2;
	s0 =	sadd.s32 $0xB000, s2;
	[smem:$0x7F9] =	sst s14  }
0x34: {  	s2 =	sadd.s32 $0x1200, s2;
	s19 =	sadd.s32 s22, s28;
	[dreg:$0x1e] =	wrdreg s3  }
0x35: {  	s22 =	sadd.s32 s25, s28;
	s3 =	sadd.s32 s7, s28;
	s7 =	sld [smem:$0x7EE]  }
0x36: {  	s25 =	sadd.s32 s30, s28;
	s30 =	sadd.s32 s4, s28;
	[smem:$0x7FA] =	sst s19  }
0x37: {  	s4 =	smul.u32 $0x2710, s15;
	s21 =	sld [smem:$0x7FC];
	s8 =	simm.s32 $0x50  }
0x38: {  	s9 =	simm.s32 $0x1450;
	[dreg:$0x1f] =	wrdreg s3;
	s3 =	sadd.s32 s7, s28  }
0x39: {  	s11 =	simm.s32 $0x1;
	s7 =	sadd.s32 s10, s28;
	[smem:$0x7EF] =	sst s3  }
0x3a: {  	s12 =	simm.s32 $0x3C50;
	s10 =	sadd.s32 s13, s28;
	[smem:$0x7F2] =	sst s7  }
0x3b: {  	s13 =	sadd.s32 s20, s28;
	s20 =	sadd.s32 s24, s28;
	[smem:$0x7F5] =	sst s10  }
0x3c: {  	s24 =	sadd.s32 s29, s28;
	s29 =	sadd.s32 s6, s28;
	[smem:$0x7F8] =	sst s13  }
0x3d: {  	v0 =	vimm.f32 $0.0e+00;
	vm0 =	vmmov $0x1;
	vm1 =	vcmask $0x320;
	s6 =	simm.s32 $0x2;
	[smem:$0x7FB] =	sst s20;
	s3 =	sadd.s32 s5, s28  }
0x3e: {  	vm2 =	vcmask $0x720;
	vm3 =	vcmask $0xB20;
	vm4 =	vcmask $0xF20;
	s5 =	smax.u32 s21, $0x1;
	s7 =	simm.s32 $0x28;
	s10 =	simm.s32 $0x2850  }
0x3f: {  	vm5 =	vcmask $0x1320;
	vm6 =	vcmask $0x1720;
	vm7 =	vcmask $0x1B20;
	s13 =	simm.s32 $0x0;
	[smem:$0x7FD] =	sst s5;
	s5 =	simm.s32 $0x52D0  }
.LBB2_1:
0x40: {  	s14 =	simm.s32 $0x0;
	s15 =	simm.s32 $0x240  }
.LBB2_2:
0x41: {  	p0 =	sne.s32 s15, $0x3600;
	[tilespmem:s14+$0x5350] =	vst v0  }
0x42: {  	[tilespmem:s14+$0x52D0] =	vst v0  }
0x43: {  	[tilespmem:s14+$0x52E0] =	vst v0  }
0x44: {  	[tilespmem:s14+$0x52F0] =	vst v0  }
.Ltmp0:
0x45: {  	[tilespmem:s14+$0x5300] =	vst v0;
	(pc) =	sbr.rel @p0 .LBB2_2-.Ltmp0, $4  }
0x46: {  	[tilespmem:s14+$0x5310] =	vst v0  }
0x47: {  	[tilespmem:s14+$0x5320] =	vst v0  }
0x48: {  	[tilespmem:s14+$0x5330] =	vst v0  }
0x49: {  	[tilespmem:s14+$0x5340] =	vst v0;
	s14 =	sshra.s32 s15, $0x2;
	s15 =	sadd.s32 $0x240, s15  }
0x4a: {  	[tilespmem:s14+$0x5350] =	vst v0  }
0x4b: {  	[tilespmem:s14+$0x52D0] =	vst v0  }
0x4c: {  	[tilespmem:s14+$0x52E0] =	vst v0  }
0x4d: {  	[tilespmem:s14+$0x52F0] =	vst v0  }
0x4e: {  	[tilespmem:s14+$0x5300] =	vst v0  }
0x4f: {  	[tilespmem:s14+$0x5310] =	vst v0  }
0x50: {  	[tilespmem:s14+$0x5320] =	vst v0  }
0x51: {  	[tilespmem:s14+$0x5330] =	vst v0  }
0x52: {  	[tilespmem:s14+$0x5340] =	vst v0;
	s20 =	rddreg [dreg:$0x1d]  }
0x53: {  	[spmem:s20] =	stream.linear.scatter [tilespmem:s5], [sflag:$0x2], $0xE10, $0x38;
	[tilespmem:$0x1C070] =	vst v63  }
0x54: {  	_ =	swait.ge [sflag:s6], $0xE10  }
0x55: {  	[sflag:s6] =	ssyncset.done $0x0  }
0x56: {  	s21 =	rddreg [dreg:$0x1e];
	[sflag:s6] =	ssyncadd.s32 $0xFFFFF1F0  }
0x57: {  	[spmem:s21] =	stream.linear.scatter [tilespmem:s5], [sflag:$0x2], $0xE10, $0x38;
	[tilespmem:$0x1C070] =	vst v63  }
0x58: {  	_ =	swait.ge [sflag:s6], $0xE10  }
0x59: {  	[sflag:s6] =	ssyncset.done $0x0  }
0x5a: {  	s15 =	rddreg [dreg:$0x1f];
	[sflag:s6] =	ssyncadd.s32 $0xFFFFF1F0  }
0x5b: {  	[spmem:s15] =	stream.linear.scatter [tilespmem:s5], [sflag:$0x2], $0xE10, $0x38;
	[tilespmem:$0x1C070] =	vst v63  }
0x5c: {  	_ =	swait.ge [sflag:s6], $0xE10  }
0x5d: {  	s19 =	sld [smem:$0x7EF]  }
0x5e: {  	[sflag:s6] =	ssyncset.done $0x0  }
0x5f: {  	[sflag:s6] =	ssyncadd.s32 $0xFFFFF1F0  }
0x60: {  	[spmem:s19] =	stream.linear.scatter [tilespmem:s5], [sflag:$0x2], $0xE10, $0x38;
	[tilespmem:$0x1C070] =	vst v63  }
0x61: {  	_ =	swait.ge [sflag:s6], $0xE10  }
0x62: {  	s20 =	sld [smem:$0x7F0]  }
0x63: {  	[sflag:s6] =	ssyncset.done $0x0  }
0x64: {  	[sflag:s6] =	ssyncadd.s32 $0xFFFFF1F0  }
0x65: {  	[spmem:s20] =	stream.linear.scatter [tilespmem:s5], [sflag:$0x2], $0xE10, $0x38;
	[tilespmem:$0x1C070] =	vst v63  }
0x66: {  	_ =	swait.ge [sflag:s6], $0xE10  }
0x67: {  	s21 =	sld [smem:$0x7F1]  }
0x68: {  	[sflag:s6] =	ssyncset.done $0x0  }
0x69: {  	[sflag:s6] =	ssyncadd.s32 $0xFFFFF1F0  }
0x6a: {  	[spmem:s21] =	stream.linear.scatter [tilespmem:s5], [sflag:$0x2], $0xE10, $0x38;
	[tilespmem:$0x1C070] =	vst v63  }
0x6b: {  	_ =	swait.ge [sflag:s6], $0xE10  }
0x6c: {  	s15 =	sld [smem:$0x7F2]  }
0x6d: {  	[sflag:s6] =	ssyncset.done $0x0  }
0x6e: {  	[sflag:s6] =	ssyncadd.s32 $0xFFFFF1F0  }
0x6f: {  	[spmem:s15] =	stream.linear.scatter [tilespmem:s5], [sflag:$0x2], $0xE10, $0x38;
	[tilespmem:$0x1C070] =	vst v63  }
0x70: {  	_ =	swait.ge [sflag:s6], $0xE10  }
0x71: {  	s19 =	sld [smem:$0x7F3]  }
0x72: {  	[sflag:s6] =	ssyncset.done $0x0  }
0x73: {  	[sflag:s6] =	ssyncadd.s32 $0xFFFFF1F0  }
0x74: {  	[spmem:s19] =	stream.linear.scatter [tilespmem:s5], [sflag:$0x2], $0xE10, $0x38;
	[tilespmem:$0x1C070] =	vst v63  }
0x75: {  	_ =	swait.ge [sflag:s6], $0xE10  }
0x76: {  	s20 =	sld [smem:$0x7F4]  }
0x77: {  	[sflag:s6] =	ssyncset.done $0x0  }
0x78: {  	[sflag:s6] =	ssyncadd.s32 $0xFFFFF1F0  }
0x79: {  	[spmem:s20] =	stream.linear.scatter [tilespmem:s5], [sflag:$0x2], $0xE10, $0x38;
	[tilespmem:$0x1C070] =	vst v63  }
0x7a: {  	_ =	swait.ge [sflag:s6], $0xE10  }
0x7b: {  	s21 =	sld [smem:$0x7F5]  }
0x7c: {  	[sflag:s6] =	ssyncset.done $0x0  }
0x7d: {  	[sflag:s6] =	ssyncadd.s32 $0xFFFFF1F0  }
0x7e: {  	[spmem:s21] =	stream.linear.scatter [tilespmem:s5], [sflag:$0x2], $0xE10, $0x38;
	[tilespmem:$0x1C070] =	vst v63  }
0x7f: {  	_ =	swait.ge [sflag:s6], $0xE10  }
0x80: {  	s15 =	sld [smem:$0x7F6]  }
0x81: {  	[sflag:s6] =	ssyncset.done $0x0  }
0x82: {  	[sflag:s6] =	ssyncadd.s32 $0xFFFFF1F0  }
0x83: {  	[spmem:s15] =	stream.linear.scatter [tilespmem:s5], [sflag:$0x2], $0xE10, $0x38;
	[tilespmem:$0x1C070] =	vst v63  }
0x84: {  	_ =	swait.ge [sflag:s6], $0xE10  }
0x85: {  	[sflag:s6] =	ssyncset.done $0x0  }
0x86: {  	[sflag:s6] =	ssyncadd.s32 $0xFFFFF1F0  }
0x87: {  	[spmem:s16] =	stream.linear.scatter [tilespmem:s5], [sflag:$0x2], $0xE10, $0x38;
	[tilespmem:$0x1C070] =	vst v63  }
0x88: {  	_ =	swait.ge [sflag:s6], $0xE10  }
0x89: {  	[sflag:s6] =	ssyncset.done $0x0  }
0x8a: {  	[sflag:s6] =	ssyncadd.s32 $0xFFFFF1F0  }
0x8b: {  	[spmem:s17] =	stream.linear.scatter [tilespmem:s5], [sflag:$0x2], $0xE10, $0x38;
	[tilespmem:$0x1C070] =	vst v63  }
0x8c: {  	_ =	swait.ge [sflag:s6], $0xE10  }
0x8d: {  	[sflag:s6] =	ssyncset.done $0x0  }
0x8e: {  	[sflag:s6] =	ssyncadd.s32 $0xFFFFF1F0  }
0x8f: {  	[spmem:s18] =	stream.linear.scatter [tilespmem:s5], [sflag:$0x2], $0xE10, $0x38;
	[tilespmem:$0x1C070] =	vst v63  }
0x90: {  	_ =	swait.ge [sflag:s6], $0xE10  }
0x91: {  	s21 =	smov.u32 s18;
	s18 =	sld [smem:$0x7F7]  }
0x92: {  	[sflag:s6] =	ssyncset.done $0x0  }
0x93: {  	[sflag:s6] =	ssyncadd.s32 $0xFFFFF1F0  }
0x94: {  	[spmem:s18] =	stream.linear.scatter [tilespmem:s5], [sflag:$0x2], $0xE10, $0x38;
	[tilespmem:$0x1C070] =	vst v63  }
0x95: {  	_ =	swait.ge [sflag:s6], $0xE10  }
0x96: {  	s15 =	sld [smem:$0x7F8]  }
0x97: {  	[sflag:s6] =	ssyncset.done $0x0  }
0x98: {  	[sflag:s6] =	ssyncadd.s32 $0xFFFFF1F0  }
0x99: {  	[spmem:s15] =	stream.linear.scatter [tilespmem:s5], [sflag:$0x2], $0xE10, $0x38;
	[tilespmem:$0x1C070] =	vst v63  }
0x9a: {  	_ =	swait.ge [sflag:s6], $0xE10  }
0x9b: {  	s19 =	smov.u32 s16;
	s16 =	sld [smem:$0x7F9]  }
0x9c: {  	[sflag:s6] =	ssyncset.done $0x0  }
0x9d: {  	[sflag:s6] =	ssyncadd.s32 $0xFFFFF1F0  }
0x9e: {  	[spmem:s16] =	stream.linear.scatter [tilespmem:s5], [sflag:$0x2], $0xE10, $0x38;
	[tilespmem:$0x1C070] =	vst v63  }
0x9f: {  	_ =	swait.ge [sflag:s6], $0xE10  }
0xa0: {  	s20 =	smov.u32 s17;
	s17 =	sld [smem:$0x7FA]  }
0xa1: {  	[sflag:s6] =	ssyncset.done $0x0  }
0xa2: {  	[sflag:s6] =	ssyncadd.s32 $0xFFFFF1F0  }
0xa3: {  	[spmem:s17] =	stream.linear.scatter [tilespmem:s5], [sflag:$0x2], $0xE10, $0x38;
	[tilespmem:$0x1C070] =	vst v63  }
0xa4: {  	_ =	swait.ge [sflag:s6], $0xE10  }
0xa5: {  	s18 =	sld [smem:$0x7FB]  }
0xa6: {  	[sflag:s6] =	ssyncset.done $0x0  }
0xa7: {  	[sflag:s6] =	ssyncadd.s32 $0xFFFFF1F0  }
0xa8: {  	[spmem:s18] =	stream.linear.scatter [tilespmem:s5], [sflag:$0x2], $0xE10, $0x38;
	[tilespmem:$0x1C070] =	vst v63  }
0xa9: {  	_ =	swait.ge [sflag:s6], $0xE10  }
0xaa: {  	[sflag:s6] =	ssyncset.done $0x0  }
0xab: {  	[sflag:s6] =	ssyncadd.s32 $0xFFFFF1F0  }
0xac: {  	[spmem:s22] =	stream.linear.scatter [tilespmem:s5], [sflag:$0x2], $0xE10, $0x38;
	[tilespmem:$0x1C070] =	vst v63  }
0xad: {  	_ =	swait.ge [sflag:s6], $0xE10  }
0xae: {  	[sflag:s6] =	ssyncset.done $0x0  }
0xaf: {  	[sflag:s6] =	ssyncadd.s32 $0xFFFFF1F0  }
0xb0: {  	[spmem:s24] =	stream.linear.scatter [tilespmem:s5], [sflag:$0x2], $0xE10, $0x38;
	[tilespmem:$0x1C070] =	vst v63  }
0xb1: {  	_ =	swait.ge [sflag:s6], $0xE10  }
0xb2: {  	[sflag:s6] =	ssyncset.done $0x0  }
0xb3: {  	[sflag:s6] =	ssyncadd.s32 $0xFFFFF1F0  }
0xb4: {  	[spmem:s25] =	stream.linear.scatter [tilespmem:s5], [sflag:$0x2], $0xE10, $0x38;
	[tilespmem:$0x1C070] =	vst v63  }
0xb5: {  	_ =	swait.ge [sflag:s6], $0xE10  }
0xb6: {  	[sflag:s6] =	ssyncset.done $0x0  }
0xb7: {  	[sflag:s6] =	ssyncadd.s32 $0xFFFFF1F0  }
0xb8: {  	[spmem:s29] =	stream.linear.scatter [tilespmem:s5], [sflag:$0x2], $0xE10, $0x38;
	[tilespmem:$0x1C070] =	vst v63  }
0xb9: {  	_ =	swait.ge [sflag:s6], $0xE10  }
0xba: {  	[sflag:s6] =	ssyncset.done $0x0  }
0xbb: {  	[sflag:s6] =	ssyncadd.s32 $0xFFFFF1F0  }
0xbc: {  	[spmem:s30] =	stream.linear.scatter [tilespmem:s5], [sflag:$0x2], $0xE10, $0x38;
	[tilespmem:$0x1C070] =	vst v63  }
0xbd: {  	_ =	swait.ge [sflag:s6], $0xE10  }
0xbe: {  	[sflag:s6] =	ssyncset.done $0x0  }
0xbf: {  	[sflag:s6] =	ssyncadd.s32 $0xFFFFF1F0  }
0xc0: {  	[spmem:s3] =	stream.linear.scatter [tilespmem:s5], [sflag:$0x2], $0xE10, $0x38;
	[tilespmem:$0x1C070] =	vst v63  }
0xc1: {  	_ =	swait.ge [sflag:s6], $0xE10  }
0xc2: {  	[sflag:s6] =	ssyncset.done $0x0  }
0xc3: {  	[sflag:s6] =	ssyncadd.s32 $0xFFFFF1F0  }
0xc4: {  	s14 =	simm.s32 $0x0;
	s15 =	simm.s32 $0x0;
	[bflag:$0x0] =	sbarrier.arrive $0xFFFF  }
.LBB2_4:
0xc5: {  	s16 =	smul.u32 $0x28, s15;
	_ =	sdelay $0x1  }
0xc6: {  	s16 =	sadd.s32 s4, s16  }
0xc7: {  	s16 =	sshrl.u32 s16, $0x3  }
0xc8: {  	s17 =	sadd.s32 s0, s16  }
0xc9: {  	[tilespmem:s14], [sflag:$0x2] =	stream.linear.gather [hbm4b:s17+s14], $0x28, $0x38;
	[tilespmem:$0x1C070] =	vst v63  }
0xca: {  	_ =	swait.ge [sflag:s6], $0x28  }
0xcb: {  	[sflag:s6] =	ssyncset.done $0x0  }
0xcc: {  	s16 =	sadd.s32 s2, s16;
	[sflag:s6] =	ssyncadd.s32 $0xFFFFFFD8  }
0xcd: {  	[tilespmem:s7], [sflag:$0x2] =	stream.linear.gather [hbm4b:s16+s14], $0x28, $0x38;
	[tilespmem:$0x1C070] =	vst v63  }
0xce: {  	_ =	swait.ge [sflag:s6], $0x28  }
0xcf: {  	[sflag:s6] =	ssyncset.done $0x0  }
0xd0: {  	[sflag:s6] =	ssyncadd.s32 $0xFFFFFFD8  }
0xd1: {  	[tilespmem:s8], [sflag:$0x1] =	stream.indirect.gather [hbm4b:s26+s7], $0x80, s7, s7, $0xb8;
	[tilespmem:$0x1C070] =	vst v63  }
0xd2: {  	_ = 	snop  }
0xd3: {  	[tilespmem:s9], [sflag:$0x1] =	stream.indirect.gather [hbm4b:s31+s7], $0x80, s14, s7, $0xb8;
	[tilespmem:$0x1C070] =	vst v63  }
0xd4: {  	_ = 	snop  }
0xd5: {  	[tilespmem:s10], [sflag:$0x1] =	stream.indirect.gather [hbm4b:s23+s7], $0x80, s14, s7, $0xb8;
	[tilespmem:$0x1C070] =	vst v63  }
0xd6: {  	_ =	swait.ge [sflag:s11], $0x1400  }
0xd7: {  	[sflag:s11] =	ssyncset.done $0x0  }
0xd8: {  	[sflag:s11] =	ssyncadd.s32 $0xFFFFEC00  }
0xd9: {  	_ =	swait.ge [sflag:s11], $0x1400  }
0xda: {  	[sflag:s11] =	ssyncset.done $0x0  }
0xdb: {  	[sflag:s11] =	ssyncadd.s32 $0xFFFFEC00  }
0xdc: {  	_ =	swait.ge [sflag:s11], $0x1400  }
0xdd: {  	[sflag:s11] =	ssyncset.done $0x0  }
0xde: {  	s17 =	simm.s32 $0x0;
	s16 =	simm.s32 $0x3C90;
	[sflag:s11] =	ssyncadd.s32 $0xFFFFEC00  }
.LBB2_5:
0xdf: {  	s18 =	sshra.s32 s17, $0x2  }
0xe0: {  	v1 =	vld [tilespmem:s18+$0x50]  }
0xe1: {  	v2 =	vld [tilespmem:s18+$0x1450];
	_ =	sdelay $0x4  }
0xe2: {  	v1 =	vmul.f32 v2, v1;
	_ =	sdelay $0x1  }
0xe3: {  	(xrf2) =	vadd.scan.msk.f32 $0xffff, v1;
	_ =	sdelay $0x9  }
0xe4: {  	v1, _, _ =	vpop (xrf2)  }
0xe5: {  	v1 =	vmul.f32 $2.500000000e-01, v1;
	_ =	sdelay $0x1  }
0xe6: {  	v1 =	vmul.f32 $1.442695020e+00, v1;
	_ =	sdelay $0x1  }
0xe7: {  	v1 =	vbroadcast v1, $0xF;
	_ =	sdelay $0x1  }
0xe8: {  	(erf) = vpow2.f32 v1;
	_ =	sdelay $0x4  }
0xe9: {  	v1 =	vld [tilespmem:s18+$0x2850];
	_ =	sdelay $0x3  }
0xea: {  	v2 =	vpop (erf)  }
0xeb: {  	v1 =	vmul.f32 v2, v1;
	_ =	sdelay $0x1  }
0xec: {  	[tilespmem:s16+$0xFFFFFFC0] =	vst v1  }
0xed: {  	v1 =	vld [tilespmem:s18+$0x60]  }
0xee: {  	v3 =	vld [tilespmem:s18+$0x1460];
	_ =	sdelay $0x4  }
0xef: {  	v1 =	vmul.f32 v3, v1;
	_ =	sdelay $0x1  }
0xf0: {  	(xrf2) =	vadd.scan.msk.f32 $0xffff, v1;
	_ =	sdelay $0x9  }
0xf1: {  	v1, _, _ =	vpop (xrf2)  }
0xf2: {  	v1 =	vmul.f32 $2.500000000e-01, v1;
	_ =	sdelay $0x1  }
0xf3: {  	v1 =	vmul.f32 $1.442695020e+00, v1;
	_ =	sdelay $0x1  }
0xf4: {  	v1 =	vbroadcast v1, $0xF;
	_ =	sdelay $0x1  }
0xf5: {  	(erf) = vpow2.f32 v1;
	_ =	sdelay $0x4  }
0xf6: {  	v1 =	vld [tilespmem:s18+$0x2860];
	_ =	sdelay $0x3  }
0xf7: {  	v3 =	vpop (erf)  }
0xf8: {  	v1 =	vmul.f32 v3, v1;
	_ =	sdelay $0x1  }
0xf9: {  	[tilespmem:s16+$0xFFFFFFD0] =	vst v1  }
0xfa: {  	v1 =	vld [tilespmem:s18+$0x70]  }
0xfb: {  	v4 =	vld [tilespmem:s18+$0x1470];
	_ =	sdelay $0x4  }
0xfc: {  	v1 =	vmul.f32 v4, v1;
	_ =	sdelay $0x1  }
0xfd: {  	(xrf2) =	vadd.scan.msk.f32 $0xffff, v1;
	_ =	sdelay $0x9  }
0xfe: {  	v1, _, _ =	vpop (xrf2)  }
0xff: {  	v1 =	vmul.f32 $2.500000000e-01, v1;
	_ =	sdelay $0x1  }
0x100: {  	v1 =	vmul.f32 $1.442695020e+00, v1;
	_ =	sdelay $0x1  }
0x101: {  	v1 =	vbroadcast v1, $0xF;
	_ =	sdelay $0x1  }
0x102: {  	(erf) = vpow2.f32 v1;
	_ =	sdelay $0x4  }
0x103: {  	v1 =	vld [tilespmem:s18+$0x2870];
	_ =	sdelay $0x3  }
0x104: {  	v59 =	vpop (erf)  }
0x105: {  	v1 =	vmul.f32 v59, v1;
	_ =	sdelay $0x1  }
0x106: {  	[tilespmem:s16+$0xFFFFFFE0] =	vst v1  }
0x107: {  	v1 =	vld [tilespmem:s18+$0x80]  }
0x108: {  	v5 =	vld [tilespmem:s18+$0x1480];
	_ =	sdelay $0x4  }
0x109: {  	v1 =	vmul.f32 v5, v1;
	_ =	sdelay $0x1  }
0x10a: {  	(xrf2) =	vadd.scan.msk.f32 $0xffff, v1;
	_ =	sdelay $0x9  }
0x10b: {  	v1, _, _ =	vpop (xrf2)  }
0x10c: {  	v1 =	vmul.f32 $2.500000000e-01, v1;
	_ =	sdelay $0x1  }
0x10d: {  	v1 =	vmul.f32 $1.442695020e+00, v1;
	_ =	sdelay $0x1  }
0x10e: {  	v1 =	vbroadcast v1, $0xF;
	_ =	sdelay $0x1  }
0x10f: {  	(erf) = vpow2.f32 v1;
	_ =	sdelay $0x4  }
0x110: {  	v1 =	vld [tilespmem:s18+$0x2880];
	_ =	sdelay $0x3  }
0x111: {  	v60 =	vpop (erf)  }
0x112: {  	v1 =	vmul.f32 v60, v1;
	_ =	sdelay $0x1  }
0x113: {  	[tilespmem:s16+$0xFFFFFFF0] =	vst v1  }
0x114: {  	v1 =	vld [tilespmem:s18+$0x90]  }
0x115: {  	v6 =	vld [tilespmem:s18+$0x1490];
	_ =	sdelay $0x4  }
0x116: {  	v1 =	vmul.f32 v6, v1;
	_ =	sdelay $0x1  }
0x117: {  	(xrf2) =	vadd.scan.msk.f32 $0xffff, v1;
	_ =	sdelay $0x9  }
0x118: {  	v1, _, _ =	vpop (xrf2)  }
0x119: {  	v1 =	vmul.f32 $2.500000000e-01, v1;
	_ =	sdelay $0x1  }
0x11a: {  	v1 =	vmul.f32 $1.442695020e+00, v1;
	_ =	sdelay $0x1  }
0x11b: {  	v1 =	vbroadcast v1, $0xF;
	_ =	sdelay $0x1  }
0x11c: {  	(erf) = vpow2.f32 v1;
	_ =	sdelay $0x4  }
0x11d: {  	v1 =	vld [tilespmem:s18+$0x2890];
	_ =	sdelay $0x3  }
0x11e: {  	v61 =	vpop (erf)  }
0x11f: {  	v1 =	vmul.f32 v61, v1;
	_ =	sdelay $0x1  }
0x120: {  	[tilespmem:s16+$0x0] =	vst v1  }
0x121: {  	v1 =	vld [tilespmem:s18+$0xA0]  }
0x122: {  	v7 =	vld [tilespmem:s18+$0x14A0];
	_ =	sdelay $0x4  }
0x123: {  	v1 =	vmul.f32 v7, v1;
	_ =	sdelay $0x1  }
0x124: {  	(xrf2) =	vadd.scan.msk.f32 $0xffff, v1;
	_ =	sdelay $0x9  }
0x125: {  	v1, _, _ =	vpop (xrf2)  }
0x126: {  	v1 =	vmul.f32 $2.500000000e-01, v1;
	_ =	sdelay $0x1  }
0x127: {  	v1 =	vmul.f32 $1.442695020e+00, v1;
	_ =	sdelay $0x1  }
0x128: {  	v1 =	vbroadcast v1, $0xF;
	_ =	sdelay $0x1  }
0x129: {  	(erf) = vpow2.f32 v1;
	_ =	sdelay $0x4  }
0x12a: {  	v1 =	vld [tilespmem:s18+$0x28A0];
	_ =	sdelay $0x3  }
0x12b: {  	v62 =	vpop (erf)  }
0x12c: {  	v1 =	vmul.f32 v62, v1;
	_ =	sdelay $0x1  }
0x12d: {  	[tilespmem:s16+$0x10] =	vst v1  }
0x12e: {  	v1 =	vld [tilespmem:s18+$0xB0]  }
0x12f: {  	v8 =	vld [tilespmem:s18+$0x14B0];
	_ =	sdelay $0x4  }
0x130: {  	v1 =	vmul.f32 v8, v1;
	_ =	sdelay $0x1  }
0x131: {  	(xrf2) =	vadd.scan.msk.f32 $0xffff, v1;
	_ =	sdelay $0x9  }
0x132: {  	v1, _, _ =	vpop (xrf2)  }
0x133: {  	v1 =	vmul.f32 $2.500000000e-01, v1;
	_ =	sdelay $0x1  }
0x134: {  	v1 =	vmul.f32 $1.442695020e+00, v1;
	_ =	sdelay $0x1  }
0x135: {  	v1 =	vbroadcast v1, $0xF;
	_ =	sdelay $0x1  }
0x136: {  	(erf) = vpow2.f32 v1;
	_ =	sdelay $0x4  }
0x137: {  	v1 =	vld [tilespmem:s18+$0x28B0];
	_ =	sdelay $0x3  }
0x138: {  	v63 =	vpop (erf)  }
0x139: {  	v1 =	vmul.f32 v63, v1;
	_ =	sdelay $0x1  }
0x13a: {  	[tilespmem:s16+$0x20] =	vst v1  }
0x13b: {  	v1 =	vld [tilespmem:s18+$0xC0]  }
0x13c: {  	v9 =	vld [tilespmem:s18+$0x14C0];
	_ =	sdelay $0x4  }
0x13d: {  	v1 =	vmul.f32 v9, v1;
	_ =	sdelay $0x1  }
0x13e: {  	(xrf2) =	vadd.scan.msk.f32 $0xffff, v1;
	_ =	sdelay $0x9  }
0x13f: {  	v1, _, _ =	vpop (xrf2)  }
0x140: {  	v1 =	vmul.f32 $2.500000000e-01, v1;
	_ =	sdelay $0x1  }
0x141: {  	v1 =	vmul.f32 $1.442695020e+00, v1;
	_ =	sdelay $0x1  }
0x142: {  	v1 =	vbroadcast v1, $0xF;
	_ =	sdelay $0x1  }
0x143: {  	(erf) = vpow2.f32 v1;
	_ =	sdelay $0x2  }
0x144: {  	v1 =	vnsel vm0, $0x0, v2  }
0x145: {  	v1 =	vsel vm1, v1, v3  }
0x146: {  	v2 =	vld [tilespmem:s18+$0x28C0];
	v1 =	vsel vm2, v1, v59  }
0x147: {  	v1 =	vsel vm3, v1, v60  }
0x148: {  	p0 =	sne.s32 s17, $0x4E00;
	v1 =	vsel vm4, v1, v61  }
.Ltmp1:
0x149: {  	v1 =	vsel vm5, v1, v62;
	(pc) =	sbr.rel @p0 .LBB2_5-.Ltmp1, $4  }
0x14a: {  	v1 =	vsel vm6, v1, v63;
	v3 =	vpop (erf)  }
0x14b: {  	v2 =	vmul.f32 v3, v2;
	v1 =	vsel vm7, v1, v3  }
0x14c: {  	[tilespmem:s16+$0x40] =	vst v1  }
0x14d: {  	s17 =	sadd.s32 $0x200, s17;
	[tilespmem:s16+$0x30] =	vst v2;
	s16 =	sadd.s32 $0x90, s16  }
0x14e: {  	s15 =	sadd.s32 $0x1, s15  }
0x14f: {  	p0 =	sne.s32 s15, $0xFA  }
.Ltmp2:
0x150: {  	_ = 	snop;
	(pc) =	sbr.rel @p0 .LBB2_4-.Ltmp2, $4  }
0x151: {  	[spmem:s28] =	stream.indirect.scatter.add.f32 [tilespmem:s12], [sflag:$0x2], $0x90, s7, s7, $0xb8;
	[tilespmem:$0x1C070] =	vst v63  }
0x152: {  	_ =	swait.ge [sflag:s6], $0x1680  }
0x153: {  	[sflag:s6] =	ssyncset.done $0x0  }
0x154: {  	[sflag:s6] =	ssyncadd.s32 $0xFFFFE980  }
0x155: {  	[bflag:$0x0] =	sbarrier.arrive $0xFFFF  }
0x156: {  	s14 =	rddreg [dreg:$0x1d]  }
0x157: {  	[tilespmem:s5], [sflag:$0x2] =	stream.linear.gather [spmem:s14], $0xE10, $0x38;
	[tilespmem:$0x1C070] =	vst v63  }
0x158: {  	_ =	swait.ge [sflag:s6], $0xE10  }
0x159: {  	[sflag:s6] =	ssyncset.done $0x0  }
0x15a: {  	s17 =	rddreg [dreg:$0x4];
	[sflag:s6] =	ssyncadd.s32 $0xFFFFF1F0  }
0x15b: {  	[hbm4b:s17+s1] =	stream.linear.scatter [tilespmem:s5], [sflag:$0x2], $0xE10, $0x38;
	[tilespmem:$0x1C070] =	vst v63  }
0x15c: {  	_ =	swait.ge [sflag:s6], $0xE10  }
0x15d: {  	[sflag:s6] =	ssyncset.done $0x0  }
0x15e: {  	s18 =	rddreg [dreg:$0x1e];
	[sflag:s6] =	ssyncadd.s32 $0xFFFFF1F0  }
0x15f: {  	[tilespmem:s5], [sflag:$0x2] =	stream.linear.gather [spmem:s18], $0xE10, $0x38;
	[tilespmem:$0x1C070] =	vst v63  }
0x160: {  	_ =	swait.ge [sflag:s6], $0xE10  }
0x161: {  	[sflag:s6] =	ssyncset.done $0x0  }
0x162: {  	s15 =	rddreg [dreg:$0x5];
	[sflag:s6] =	ssyncadd.s32 $0xFFFFF1F0  }
0x163: {  	[hbm4b:s15+s1] =	stream.linear.scatter [tilespmem:s5], [sflag:$0x2], $0xE10, $0x38;
	[tilespmem:$0x1C070] =	vst v63  }
0x164: {  	_ =	swait.ge [sflag:s6], $0xE10  }
0x165: {  	[sflag:s6] =	ssyncset.done $0x0  }
0x166: {  	s16 =	rddreg [dreg:$0x1f];
	[sflag:s6] =	ssyncadd.s32 $0xFFFFF1F0  }
0x167: {  	[tilespmem:s5], [sflag:$0x2] =	stream.linear.gather [spmem:s16], $0xE10, $0x38;
	[tilespmem:$0x1C070] =	vst v63  }
0x168: {  	_ =	swait.ge [sflag:s6], $0xE10  }
0x169: {  	[sflag:s6] =	ssyncset.done $0x0  }
0x16a: {  	s17 =	rddreg [dreg:$0x6];
	[sflag:s6] =	ssyncadd.s32 $0xFFFFF1F0  }
0x16b: {  	[hbm4b:s17+s1] =	stream.linear.scatter [tilespmem:s5], [sflag:$0x2], $0xE10, $0x38;
	[tilespmem:$0x1C070] =	vst v63  }
0x16c: {  	_ =	swait.ge [sflag:s6], $0xE10  }
0x16d: {  	s18 =	sld [smem:$0x7EF]  }
0x16e: {  	[sflag:s6] =	ssyncset.done $0x0  }
0x16f: {  	[sflag:s6] =	ssyncadd.s32 $0xFFFFF1F0  }
0x170: {  	[tilespmem:s5], [sflag:$0x2] =	stream.linear.gather [spmem:s18], $0xE10, $0x38;
	[tilespmem:$0x1C070] =	vst v63  }
0x171: {  	_ =	swait.ge [sflag:s6], $0xE10  }
0x172: {  	[sflag:s6] =	ssyncset.done $0x0  }
0x173: {  	s15 =	rddreg [dreg:$0x7];
	[sflag:s6] =	ssyncadd.s32 $0xFFFFF1F0  }
0x174: {  	[hbm4b:s15+s1] =	stream.linear.scatter [tilespmem:s5], [sflag:$0x2], $0xE10, $0x38;
	[tilespmem:$0x1C070] =	vst v63  }
0x175: {  	_ =	swait.ge [sflag:s6], $0xE10  }
0x176: {  	s16 =	sld [smem:$0x7F0]  }
0x177: {  	[sflag:s6] =	ssyncset.done $0x0  }
0x178: {  	[sflag:s6] =	ssyncadd.s32 $0xFFFFF1F0  }
0x179: {  	[tilespmem:s5], [sflag:$0x2] =	stream.linear.gather [spmem:s16], $0xE10, $0x38;
	[tilespmem:$0x1C070] =	vst v63  }
0x17a: {  	_ =	swait.ge [sflag:s6], $0xE10  }
0x17b: {  	[sflag:s6] =	ssyncset.done $0x0  }
0x17c: {  	s17 =	rddreg [dreg:$0x8];
	[sflag:s6] =	ssyncadd.s32 $0xFFFFF1F0  }
0x17d: {  	[hbm4b:s17+s1] =	stream.linear.scatter [tilespmem:s5], [sflag:$0x2], $0xE10, $0x38;
	[tilespmem:$0x1C070] =	vst v63  }
0x17e: {  	_ =	swait.ge [sflag:s6], $0xE10  }
0x17f: {  	s18 =	sld [smem:$0x7F1]  }
0x180: {  	[sflag:s6] =	ssyncset.done $0x0  }
0x181: {  	[sflag:s6] =	ssyncadd.s32 $0xFFFFF1F0  }
0x182: {  	[tilespmem:s5], [sflag:$0x2] =	stream.linear.gather [spmem:s18], $0xE10, $0x38;
	[tilespmem:$0x1C070] =	vst v63  }
0x183: {  	_ =	swait.ge [sflag:s6], $0xE10  }
0x184: {  	[sflag:s6] =	ssyncset.done $0x0  }
0x185: {  	s15 =	rddreg [dreg:$0x9];
	[sflag:s6] =	ssyncadd.s32 $0xFFFFF1F0  }
0x186: {  	[hbm4b:s15+s1] =	stream.linear.scatter [tilespmem:s5], [sflag:$0x2], $0xE10, $0x38;
	[tilespmem:$0x1C070] =	vst v63  }
0x187: {  	_ =	swait.ge [sflag:s6], $0xE10  }
0x188: {  	s16 =	sld [smem:$0x7F2]  }
0x189: {  	[sflag:s6] =	ssyncset.done $0x0  }
0x18a: {  	[sflag:s6] =	ssyncadd.s32 $0xFFFFF1F0  }
0x18b: {  	[tilespmem:s5], [sflag:$0x2] =	stream.linear.gather [spmem:s16], $0xE10, $0x38;
	[tilespmem:$0x1C070] =	vst v63  }
0x18c: {  	_ =	swait.ge [sflag:s6], $0xE10  }
0x18d: {  	[sflag:s6] =	ssyncset.done $0x0  }
0x18e: {  	s17 =	rddreg [dreg:$0xa];
	[sflag:s6] =	ssyncadd.s32 $0xFFFFF1F0  }
0x18f: {  	[hbm4b:s17+s1] =	stream.linear.scatter [tilespmem:s5], [sflag:$0x2], $0xE10, $0x38;
	[tilespmem:$0x1C070] =	vst v63  }
0x190: {  	_ =	swait.ge [sflag:s6], $0xE10  }
0x191: {  	s18 =	sld [smem:$0x7F3]  }
0x192: {  	[sflag:s6] =	ssyncset.done $0x0  }
0x193: {  	[sflag:s6] =	ssyncadd.s32 $0xFFFFF1F0  }
0x194: {  	[tilespmem:s5], [sflag:$0x2] =	stream.linear.gather [spmem:s18], $0xE10, $0x38;
	[tilespmem:$0x1C070] =	vst v63  }
0x195: {  	_ =	swait.ge [sflag:s6], $0xE10  }
0x196: {  	[sflag:s6] =	ssyncset.done $0x0  }
0x197: {  	s15 =	rddreg [dreg:$0xb];
	[sflag:s6] =	ssyncadd.s32 $0xFFFFF1F0  }
0x198: {  	[hbm4b:s15+s1] =	stream.linear.scatter [tilespmem:s5], [sflag:$0x2], $0xE10, $0x38;
	[tilespmem:$0x1C070] =	vst v63  }
0x199: {  	_ =	swait.ge [sflag:s6], $0xE10  }
0x19a: {  	s16 =	sld [smem:$0x7F4]  }
0x19b: {  	[sflag:s6] =	ssyncset.done $0x0  }
0x19c: {  	[sflag:s6] =	ssyncadd.s32 $0xFFFFF1F0  }
0x19d: {  	[tilespmem:s5], [sflag:$0x2] =	stream.linear.gather [spmem:s16], $0xE10, $0x38;
	[tilespmem:$0x1C070] =	vst v63  }
0x19e: {  	_ =	swait.ge [sflag:s6], $0xE10  }
0x19f: {  	[sflag:s6] =	ssyncset.done $0x0  }
0x1a0: {  	s17 =	rddreg [dreg:$0xc];
	[sflag:s6] =	ssyncadd.s32 $0xFFFFF1F0  }
0x1a1: {  	[hbm4b:s17+s1] =	stream.linear.scatter [tilespmem:s5], [sflag:$0x2], $0xE10, $0x38;
	[tilespmem:$0x1C070] =	vst v63  }
0x1a2: {  	_ =	swait.ge [sflag:s6], $0xE10  }
0x1a3: {  	s18 =	sld [smem:$0x7F5]  }
0x1a4: {  	[sflag:s6] =	ssyncset.done $0x0  }
0x1a5: {  	[sflag:s6] =	ssyncadd.s32 $0xFFFFF1F0  }
0x1a6: {  	[tilespmem:s5], [sflag:$0x2] =	stream.linear.gather [spmem:s18], $0xE10, $0x38;
	[tilespmem:$0x1C070] =	vst v63  }
0x1a7: {  	_ =	swait.ge [sflag:s6], $0xE10  }
0x1a8: {  	[sflag:s6] =	ssyncset.done $0x0  }
0x1a9: {  	s15 =	rddreg [dreg:$0xd];
	[sflag:s6] =	ssyncadd.s32 $0xFFFFF1F0  }
0x1aa: {  	[hbm4b:s15+s1] =	stream.linear.scatter [tilespmem:s5], [sflag:$0x2], $0xE10, $0x38;
	[tilespmem:$0x1C070] =	vst v63  }
0x1ab: {  	_ =	swait.ge [sflag:s6], $0xE10  }
0x1ac: {  	s16 =	sld [smem:$0x7F6]  }
0x1ad: {  	[sflag:s6] =	ssyncset.done $0x0  }
0x1ae: {  	[sflag:s6] =	ssyncadd.s32 $0xFFFFF1F0  }
0x1af: {  	[tilespmem:s5], [sflag:$0x2] =	stream.linear.gather [spmem:s16], $0xE10, $0x38;
	[tilespmem:$0x1C070] =	vst v63  }
0x1b0: {  	_ =	swait.ge [sflag:s6], $0xE10  }
0x1b1: {  	[sflag:s6] =	ssyncset.done $0x0  }
0x1b2: {  	s17 =	rddreg [dreg:$0xe];
	[sflag:s6] =	ssyncadd.s32 $0xFFFFF1F0  }
0x1b3: {  	[hbm4b:s17+s1] =	stream.linear.scatter [tilespmem:s5], [sflag:$0x2], $0xE10, $0x38;
	[tilespmem:$0x1C070] =	vst v63  }
0x1b4: {  	_ =	swait.ge [sflag:s6], $0xE10  }
0x1b5: {  	[sflag:s6] =	ssyncset.done $0x0  }
0x1b6: {  	[sflag:s6] =	ssyncadd.s32 $0xFFFFF1F0  }
0x1b7: {  	[tilespmem:s5], [sflag:$0x2] =	stream.linear.gather [spmem:s19], $0xE10, $0x38;
	[tilespmem:$0x1C070] =	vst v63  }
0x1b8: {  	_ =	swait.ge [sflag:s6], $0xE10  }
0x1b9: {  	[sflag:s6] =	ssyncset.done $0x0  }
0x1ba: {  	s18 =	rddreg [dreg:$0xf];
	[sflag:s6] =	ssyncadd.s32 $0xFFFFF1F0  }
0x1bb: {  	[hbm4b:s18+s1] =	stream.linear.scatter [tilespmem:s5], [sflag:$0x2], $0xE10, $0x38;
	[tilespmem:$0x1C070] =	vst v63  }
0x1bc: {  	_ =	swait.ge [sflag:s6], $0xE10  }
0x1bd: {  	[sflag:s6] =	ssyncset.done $0x0  }
0x1be: {  	[sflag:s6] =	ssyncadd.s32 $0xFFFFF1F0  }
0x1bf: {  	[tilespmem:s5], [sflag:$0x2] =	stream.linear.gather [spmem:s20], $0xE10, $0x38;
	[tilespmem:$0x1C070] =	vst v63  }
0x1c0: {  	_ =	swait.ge [sflag:s6], $0xE10  }
0x1c1: {  	[sflag:s6] =	ssyncset.done $0x0  }
0x1c2: {  	s16 =	smov.u32 s19;
	s19 =	rddreg [dreg:$0x10];
	[sflag:s6] =	ssyncadd.s32 $0xFFFFF1F0  }
0x1c3: {  	[hbm4b:s19+s1] =	stream.linear.scatter [tilespmem:s5], [sflag:$0x2], $0xE10, $0x38;
	[tilespmem:$0x1C070] =	vst v63  }
0x1c4: {  	_ =	swait.ge [sflag:s6], $0xE10  }
0x1c5: {  	[sflag:s6] =	ssyncset.done $0x0  }
0x1c6: {  	[sflag:s6] =	ssyncadd.s32 $0xFFFFF1F0  }
0x1c7: {  	[tilespmem:s5], [sflag:$0x2] =	stream.linear.gather [spmem:s21], $0xE10, $0x38;
	[tilespmem:$0x1C070] =	vst v63  }
0x1c8: {  	_ =	swait.ge [sflag:s6], $0xE10  }
0x1c9: {  	[sflag:s6] =	ssyncset.done $0x0  }
0x1ca: {  	s17 =	smov.u32 s20;
	s20 =	rddreg [dreg:$0x11];
	[sflag:s6] =	ssyncadd.s32 $0xFFFFF1F0  }
0x1cb: {  	[hbm4b:s20+s1] =	stream.linear.scatter [tilespmem:s5], [sflag:$0x2], $0xE10, $0x38;
	[tilespmem:$0x1C070] =	vst v63  }
0x1cc: {  	_ =	swait.ge [sflag:s6], $0xE10  }
0x1cd: {  	s18 =	smov.u32 s21;
	s21 =	sld [smem:$0x7F7]  }
0x1ce: {  	[sflag:s6] =	ssyncset.done $0x0  }
0x1cf: {  	[sflag:s6] =	ssyncadd.s32 $0xFFFFF1F0  }
0x1d0: {  	[tilespmem:s5], [sflag:$0x2] =	stream.linear.gather [spmem:s21], $0xE10, $0x38;
	[tilespmem:$0x1C070] =	vst v63  }
0x1d1: {  	_ =	swait.ge [sflag:s6], $0xE10  }
0x1d2: {  	[sflag:s6] =	ssyncset.done $0x0  }
0x1d3: {  	s15 =	rddreg [dreg:$0x12];
	[sflag:s6] =	ssyncadd.s32 $0xFFFFF1F0  }
0x1d4: {  	[hbm4b:s15+s1] =	stream.linear.scatter [tilespmem:s5], [sflag:$0x2], $0xE10, $0x38;
	[tilespmem:$0x1C070] =	vst v63  }
0x1d5: {  	_ =	swait.ge [sflag:s6], $0xE10  }
0x1d6: {  	s19 =	sld [smem:$0x7F8]  }
0x1d7: {  	[sflag:s6] =	ssyncset.done $0x0  }
0x1d8: {  	[sflag:s6] =	ssyncadd.s32 $0xFFFFF1F0  }
0x1d9: {  	[tilespmem:s5], [sflag:$0x2] =	stream.linear.gather [spmem:s19], $0xE10, $0x38;
	[tilespmem:$0x1C070] =	vst v63  }
0x1da: {  	_ =	swait.ge [sflag:s6], $0xE10  }
0x1db: {  	[sflag:s6] =	ssyncset.done $0x0  }
0x1dc: {  	s20 =	rddreg [dreg:$0x13];
	[sflag:s6] =	ssyncadd.s32 $0xFFFFF1F0  }
0x1dd: {  	[hbm4b:s20+s1] =	stream.linear.scatter [tilespmem:s5], [sflag:$0x2], $0xE10, $0x38;
	[tilespmem:$0x1C070] =	vst v63  }
0x1de: {  	_ =	swait.ge [sflag:s6], $0xE10  }
0x1df: {  	s21 =	sld [smem:$0x7F9]  }
0x1e0: {  	[sflag:s6] =	ssyncset.done $0x0  }
0x1e1: {  	[sflag:s6] =	ssyncadd.s32 $0xFFFFF1F0  }
0x1e2: {  	[tilespmem:s5], [sflag:$0x2] =	stream.linear.gather [spmem:s21], $0xE10, $0x38;
	[tilespmem:$0x1C070] =	vst v63  }
0x1e3: {  	_ =	swait.ge [sflag:s6], $0xE10  }
0x1e4: {  	[sflag:s6] =	ssyncset.done $0x0  }
0x1e5: {  	s15 =	rddreg [dreg:$0x14];
	[sflag:s6] =	ssyncadd.s32 $0xFFFFF1F0  }
0x1e6: {  	[hbm4b:s15+s1] =	stream.linear.scatter [tilespmem:s5], [sflag:$0x2], $0xE10, $0x38;
	[tilespmem:$0x1C070] =	vst v63  }
0x1e7: {  	_ =	swait.ge [sflag:s6], $0xE10  }
0x1e8: {  	s19 =	sld [smem:$0x7FA]  }
0x1e9: {  	[sflag:s6] =	ssyncset.done $0x0  }
0x1ea: {  	[sflag:s6] =	ssyncadd.s32 $0xFFFFF1F0  }
0x1eb: {  	[tilespmem:s5], [sflag:$0x2] =	stream.linear.gather [spmem:s19], $0xE10, $0x38;
	[tilespmem:$0x1C070] =	vst v63  }
0x1ec: {  	_ =	swait.ge [sflag:s6], $0xE10  }
0x1ed: {  	[sflag:s6] =	ssyncset.done $0x0  }
0x1ee: {  	s20 =	rddreg [dreg:$0x15];
	[sflag:s6] =	ssyncadd.s32 $0xFFFFF1F0  }
0x1ef: {  	[hbm4b:s20+s1] =	stream.linear.scatter [tilespmem:s5], [sflag:$0x2], $0xE10, $0x38;
	[tilespmem:$0x1C070] =	vst v63  }
0x1f0: {  	_ =	swait.ge [sflag:s6], $0xE10  }
0x1f1: {  	s21 =	sld [smem:$0x7FB]  }
0x1f2: {  	[sflag:s6] =	ssyncset.done $0x0  }
0x1f3: {  	[sflag:s6] =	ssyncadd.s32 $0xFFFFF1F0  }
0x1f4: {  	[tilespmem:s5], [sflag:$0x2] =	stream.linear.gather [spmem:s21], $0xE10, $0x38;
	[tilespmem:$0x1C070] =	vst v63  }
0x1f5: {  	_ =	swait.ge [sflag:s6], $0xE10  }
0x1f6: {  	[sflag:s6] =	ssyncset.done $0x0  }
0x1f7: {  	s15 =	rddreg [dreg:$0x16];
	[sflag:s6] =	ssyncadd.s32 $0xFFFFF1F0  }
0x1f8: {  	[hbm4b:s15+s1] =	stream.linear.scatter [tilespmem:s5], [sflag:$0x2], $0xE10, $0x38;
	[tilespmem:$0x1C070] =	vst v63  }
0x1f9: {  	_ =	swait.ge [sflag:s6], $0xE10  }
0x1fa: {  	[sflag:s6] =	ssyncset.done $0x0  }
0x1fb: {  	[sflag:s6] =	ssyncadd.s32 $0xFFFFF1F0  }
0x1fc: {  	[tilespmem:s5], [sflag:$0x2] =	stream.linear.gather [spmem:s22], $0xE10, $0x38;
	[tilespmem:$0x1C070] =	vst v63  }
0x1fd: {  	_ =	swait.ge [sflag:s6], $0xE10  }
0x1fe: {  	[sflag:s6] =	ssyncset.done $0x0  }
0x1ff: {  	s19 =	rddreg [dreg:$0x17];
	[sflag:s6] =	ssyncadd.s32 $0xFFFFF1F0  }
0x200: {  	[hbm4b:s19+s1] =	stream.linear.scatter [tilespmem:s5], [sflag:$0x2], $0xE10, $0x38;
	[tilespmem:$0x1C070] =	vst v63  }
0x201: {  	_ =	swait.ge [sflag:s6], $0xE10  }
0x202: {  	[sflag:s6] =	ssyncset.done $0x0  }
0x203: {  	[sflag:s6] =	ssyncadd.s32 $0xFFFFF1F0  }
0x204: {  	[tilespmem:s5], [sflag:$0x2] =	stream.linear.gather [spmem:s24], $0xE10, $0x38;
	[tilespmem:$0x1C070] =	vst v63  }
0x205: {  	_ =	swait.ge [sflag:s6], $0xE10  }
0x206: {  	[sflag:s6] =	ssyncset.done $0x0  }
0x207: {  	s20 =	rddreg [dreg:$0x18];
	[sflag:s6] =	ssyncadd.s32 $0xFFFFF1F0  }
0x208: {  	[hbm4b:s20+s1] =	stream.linear.scatter [tilespmem:s5], [sflag:$0x2], $0xE10, $0x38;
	[tilespmem:$0x1C070] =	vst v63  }
0x209: {  	_ =	swait.ge [sflag:s6], $0xE10  }
0x20a: {  	[sflag:s6] =	ssyncset.done $0x0  }
0x20b: {  	[sflag:s6] =	ssyncadd.s32 $0xFFFFF1F0  }
0x20c: {  	[tilespmem:s5], [sflag:$0x2] =	stream.linear.gather [spmem:s25], $0xE10, $0x38;
	[tilespmem:$0x1C070] =	vst v63  }
0x20d: {  	_ =	swait.ge [sflag:s6], $0xE10  }
0x20e: {  	[sflag:s6] =	ssyncset.done $0x0  }
0x20f: {  	s21 =	rddreg [dreg:$0x19];
	[sflag:s6] =	ssyncadd.s32 $0xFFFFF1F0  }
0x210: {  	[hbm4b:s21+s1] =	stream.linear.scatter [tilespmem:s5], [sflag:$0x2], $0xE10, $0x38;
	[tilespmem:$0x1C070] =	vst v63  }
0x211: {  	_ =	swait.ge [sflag:s6], $0xE10  }
0x212: {  	[sflag:s6] =	ssyncset.done $0x0  }
0x213: {  	[sflag:s6] =	ssyncadd.s32 $0xFFFFF1F0  }
0x214: {  	[tilespmem:s5], [sflag:$0x2] =	stream.linear.gather [spmem:s29], $0xE10, $0x38;
	[tilespmem:$0x1C070] =	vst v63  }
0x215: {  	_ =	swait.ge [sflag:s6], $0xE10  }
0x216: {  	[sflag:s6] =	ssyncset.done $0x0  }
0x217: {  	s15 =	rddreg [dreg:$0x1a];
	[sflag:s6] =	ssyncadd.s32 $0xFFFFF1F0  }
0x218: {  	[hbm4b:s15+s1] =	stream.linear.scatter [tilespmem:s5], [sflag:$0x2], $0xE10, $0x38;
	[tilespmem:$0x1C070] =	vst v63  }
0x219: {  	_ =	swait.ge [sflag:s6], $0xE10  }
0x21a: {  	[sflag:s6] =	ssyncset.done $0x0  }
0x21b: {  	[sflag:s6] =	ssyncadd.s32 $0xFFFFF1F0  }
0x21c: {  	[tilespmem:s5], [sflag:$0x2] =	stream.linear.gather [spmem:s30], $0xE10, $0x38;
	[tilespmem:$0x1C070] =	vst v63  }
0x21d: {  	_ =	swait.ge [sflag:s6], $0xE10  }
0x21e: {  	[sflag:s6] =	ssyncset.done $0x0  }
0x21f: {  	s19 =	rddreg [dreg:$0x1b];
	[sflag:s6] =	ssyncadd.s32 $0xFFFFF1F0  }
0x220: {  	[hbm4b:s19+s1] =	stream.linear.scatter [tilespmem:s5], [sflag:$0x2], $0xE10, $0x38;
	[tilespmem:$0x1C070] =	vst v63  }
0x221: {  	_ =	swait.ge [sflag:s6], $0xE10  }
0x222: {  	[sflag:s6] =	ssyncset.done $0x0  }
0x223: {  	[sflag:s6] =	ssyncadd.s32 $0xFFFFF1F0  }
0x224: {  	[tilespmem:s5], [sflag:$0x2] =	stream.linear.gather [spmem:s3], $0xE10, $0x38;
	[tilespmem:$0x1C070] =	vst v63  }
0x225: {  	_ =	swait.ge [sflag:s6], $0xE10  }
0x226: {  	[sflag:s6] =	ssyncset.done $0x0  }
0x227: {  	s20 =	rddreg [dreg:$0x1c];
	[sflag:s6] =	ssyncadd.s32 $0xFFFFF1F0  }
0x228: {  	[hbm4b:s20+s1] =	stream.linear.scatter [tilespmem:s5], [sflag:$0x2], $0xE10, $0x38;
	[tilespmem:$0x1C070] =	vst v63  }
0x229: {  	_ =	swait.ge [sflag:s6], $0xE10  }
0x22a: {  	s21 =	sld [smem:$0x7FD];
	_ =	sdelay $0x1  }
0x22b: {  	s13 =	sadd.s32 $0x1, s13  }
0x22c: {  	p0 =	sne.s32 s13, s21  }
.Ltmp3:
0x22d: {  	_ = 	snop;
	(pc) =	sbr.rel @p0 .LBB2_1-.Ltmp3, $3  }
0x22e: {  	_ =	sdelay $0x1  }
0x22f: {  	[sflag:s6] =	ssyncset.done $0x0  }
0x230: {  	[sflag:s6] =	ssyncadd.s32 $0xFFFFF1F0  }
0x231: {  	_ =	sfence.sel $0x180000  }
0x232: {  	[bflag:$0x0] =	sbarrier.arrive $0xFFFF  }
0x233: {  	_ =	strace $0x90000047  }
0x234: {  	s0 =	stileid.u32;
	[bflag:$0x2] =	sbarrier.arrive $0xFFFF  }
0x235: {  	p0 =	sne.s32 s0, $0x0;
	s0 =	rddreg [dreg:$0x3]  }
0x236: {  	s0 =	sadd.s32 @!p0 $0x100000, s0  }
0x237: {  	[sflag:s0] =	ssyncadd.tile.s32 @!p0 $0x1;
	_ =	shalt  }
.Lfunc_end2:
_tile_overlayer_lowered:
.L_overlay_start_2:
0x238: {  	(tag) =	ssettag $0x2  }
0x239: {  	s0 =	rddreg [dreg:$0x0];
	s2 =	stileid.u32  }
0x23a: {  	s1 =	rddreg [dreg:$0x1];
	p0 =	sne.s32 s2, $0x0  }
0x23b: {  	s3 =	rddreg [dreg:$0x2];
	[bflag:$0x3] =	sbarrier.arrive $0xFFFF;
	s2 =	simm.s32 @!p0 $0x1C02  }
0x23c: {  	[timem:s3], [sflag:s2] =	dma.local @!p0 [hbm:s0], s1  }
0x23d: {  	s0 =	simm.s32 @!p0 $0x2  }
0x23e: {  	_ =	swait.ge @!p0 [sflag:s0], s1  }
0x23f: {  	s1 =	ssub.s32 @!p0 $0x0, s1;
	[sflag:s0] =	ssyncset.done @!p0 $0x0  }
0x240: {  	[sflag:s0] =	ssyncadd.s32 @!p0 s1  }
0x241: {  	[bflag:$0x3] =	sbarrier.arrive $0xFFFF  }
0x242: {  	_ =	shalt  }

</sc_bundles>
